<compile_context>
chip_gen: v7x
topology: tpu7x:2x2x1
jax: 0.10.2.dev20260603
libtpu: 0.0.44.dev20260713+nightly
codegen_flags: <defaults>
</compile_context>

<pallas_src>
import functools

import jax
import jax.numpy as jnp
from jax import lax
from jax.experimental import pallas as pl
from jax.experimental.pallas import tpu as pltpu
from jax.experimental.pallas import tpu_sc as plsc

K = 1024
ROWS = 64
N = 32768
L = 16
SHIFT = 19
NBINS = 1 << (31 - SHIFT)
CAP = 4096
BIG = 1 << 30
NW = 32


def _row_pass(row_v, hist_v, cv_v, ci_v, r):
    iota = lax.iota(jnp.int32, L)
    ones = jnp.ones((L,), jnp.int32)

    def clr(i, _):
        hist_v[pl.ds(i * L, L)] = jnp.zeros((L,), jnp.int32)
        return 0
    lax.fori_loop(0, NBINS // L, clr, 0, unroll=4)

    def h_body(i, _):
        v = row_v[pl.ds(i * L, L)]
        bits = plsc.bitcast(v, jnp.int32) & jnp.int32(0x7FFFFFFF)
        plsc.addupdate_scatter(hist_v, [lax.shift_right_logical(bits, SHIFT)],
                               ones)
        return 0
    lax.fori_loop(0, N // L, h_body, 0, unroll=4)

    def s_body(j, carry):
        above, b_star, cnt_gt = carry
        c = NBINS // L - 1 - j
        h = hist_v[pl.ds(c * L, L)]
        suf = lax.rev(plsc.cumsum(lax.rev(h, (0,))), (0,)) + above
        ge = suf >= K
        ids = iota + c * L
        b_star = jnp.maximum(b_star, jnp.max(jnp.where(ge, ids, -1)))
        cnt_gt = jnp.maximum(cnt_gt, jnp.max(jnp.where(ge, -1, suf)))
        return above + jnp.sum(h), b_star, cnt_gt
    _, b_star, cnt_gt = lax.fori_loop(
        0, NBINS // L, s_body,
        (jnp.int32(0), jnp.int32(-1), jnp.int32(-1)))
    cnt_gt = jnp.maximum(cnt_gt, 0)
    q = K - cnt_gt

    def c_body(i, cnt):
        v = row_v[pl.ds(i * L, L)]
        bits = plsc.bitcast(v, jnp.int32) & jnp.int32(0x7FFFFFFF)
        binv = lax.shift_right_logical(bits, SHIFT)
        pend = binv == b_star
        row_v[pl.ds(i * L, L)] = jnp.where(binv > b_star, v, 0.0)
        at = jnp.minimum(cnt, CAP - L)
        plsc.store_compressed(cv_v.at[pl.ds(at, L)], v, mask=pend)
        plsc.store_compressed(ci_v.at[pl.ds(at, L)], iota + i * L, mask=pend)
        return cnt + jnp.sum(pend.astype(jnp.int32))
    cnt = lax.fori_loop(0, N // L, c_body, jnp.int32(0), unroll=2)
    cnt = jnp.minimum(cnt, CAP)
    nv = (cnt + L - 1) // L

    def t_bit(k, prefix):
        bit = SHIFT - 1 - k
        cand = prefix | jnp.int32(1 << bit)

        def cb(i, acc):
            cw = plsc.bitcast(cv_v[pl.ds(i * L, L)], jnp.int32) \
                & jnp.int32(0x7FFFFFFF)
            valid = (iota + i * L) < cnt
            return acc + jnp.sum((valid & (cw >= cand)).astype(jnp.int32))
        n_ge = lax.fori_loop(0, nv, cb, jnp.int32(0))
        return jnp.where(n_ge >= q, cand, prefix)
    T = lax.fori_loop(0, SHIFT, t_bit, lax.shift_left(b_star, SHIFT))

    def e_body(i, carry):
        n_gt, n_eq = carry
        cw = plsc.bitcast(cv_v[pl.ds(i * L, L)], jnp.int32) \
            & jnp.int32(0x7FFFFFFF)
        valid = (iota + i * L) < cnt
        n_gt = n_gt + jnp.sum((valid & (cw > T)).astype(jnp.int32))
        n_eq = n_eq + jnp.sum((valid & (cw == T)).astype(jnp.int32))
        return n_gt, n_eq
    n_gt, n_eq = lax.fori_loop(0, nv, e_body, (jnp.int32(0), jnp.int32(0)))
    q2 = q - n_gt

    def i_bit(k, ithr):
        bit = 14 - k
        test = ithr + jnp.int32((1 << bit) - 1)

        def cb(i, acc):
            cw = plsc.bitcast(cv_v[pl.ds(i * L, L)], jnp.int32) \
                & jnp.int32(0x7FFFFFFF)
            ix = ci_v[pl.ds(i * L, L)]
            valid = (iota + i * L) < cnt
            m = valid & (cw == T) & (ix <= test)
            return acc + jnp.sum(m.astype(jnp.int32))
        n_le = lax.fori_loop(0, nv, cb, jnp.int32(0))
        return jnp.where(n_le < q2, ithr | jnp.int32(1 << bit), ithr)
    ithr = lax.fori_loop(0, 15, i_bit, jnp.int32(0))
    ithr = jnp.where(n_eq > q2, ithr, BIG)

    def f_body(i, _):
        cw = cv_v[pl.ds(i * L, L)]
        bits = plsc.bitcast(cw, jnp.int32) & jnp.int32(0x7FFFFFFF)
        ix = ci_v[pl.ds(i * L, L)]
        valid = (iota + i * L) < cnt
        keep = valid & ((bits > T) | ((bits == T) & (ix <= ithr)))
        plsc.store_scatter(row_v, [ix], cw, mask=keep)
        return 0
    lax.fori_loop(0, nv, f_body, 0)


@functools.partial(
    pl.kernel,
    out_type=jax.ShapeDtypeStruct((ROWS, N), jnp.float32),
    mesh=plsc.VectorSubcoreMesh(core_axis_name="c", subcore_axis_name="s"),
    compiler_params=pltpu.CompilerParams(needs_layout_passes=False),
    scratch_types=[
        pltpu.VMEM((N,), jnp.float32),
        pltpu.VMEM((N,), jnp.float32),
        pltpu.VMEM((NBINS,), jnp.int32),
        pltpu.VMEM((CAP,), jnp.float32),
        pltpu.VMEM((CAP,), jnp.int32),
        pltpu.SemaphoreType.DMA,
        pltpu.SemaphoreType.DMA,
        pltpu.SemaphoreType.DMA,
    ],
)
def _topk_mask(x_hbm, out_hbm, row0_v, row1_v, hist_v, cv_v, ci_v,
               sem0, sem1, sem2):
    wid = lax.axis_index("s") * 2 + lax.axis_index("c")
    r0 = wid
    r1 = wid + NW
    in0 = pltpu.async_copy(x_hbm.at[r0], row0_v, sem0)
    in1 = pltpu.async_copy(x_hbm.at[r1], row1_v, sem1)
    in0.wait()
    _row_pass(row0_v, hist_v, cv_v, ci_v, r0)
    out0 = pltpu.async_copy(row0_v, out_hbm.at[r0], sem2)
    in1.wait()
    _row_pass(row1_v, hist_v, cv_v, ci_v, r1)
    pltpu.sync_copy(row1_v, out_hbm.at[r1])
    out0.wait()


def kernel(x):
    return _topk_mask(x)

# --- scband reference (transcript-rebuilt; emitter-appended) ---
"""Pipeline reference for scband-top-k-33028298506892 (READ-ONLY COPY).

The authoritative reference and input builder live on the scoring server;
editing this copy changes nothing except your own understanding.
"""

import jax, jax.numpy as jnp
import numpy as np

K = 1024

def setup_inputs(seed: int = 0) -> dict:
    key = jax.random.key(seed)
    x = jax.random.normal(key, (64, 32768), dtype=jnp.float32)
    return {"x": x}

def reference(x):
    # values, indices = torch.topk(x.abs(), k, dim=-1)
    vals, idx = jax.lax.top_k(jnp.abs(x), K)
    # output = zeros_like(x); output.scatter_(-1, idx, x.gather(-1, idx))
    gathered = jnp.take_along_axis(x, idx, axis=-1)
    b = jnp.arange(x.shape[0])[:, None]
    out = jnp.zeros_like(x).at[b, idx].set(gathered)
    return out

if __name__ == "__main__":
    import jax
    _d = setup_inputs()
    print(jax.jit(kernel)(*tuple(_d.values())))

</pallas_src>

<mosaic_0001>
#map = affine_map<(d0, d1) -> (0, 0)>
module attributes {stable_mosaic.version = 14 : i64} {
  func.func @_topk_mask(%arg0: i32, %arg1: i32, %arg2: memref<64x32768xf32, #tpu.memory_space<hbm>>, %arg3: memref<64x32768xf32, #tpu.memory_space<hbm>>, %arg4: memref<32768xf32, #tpu.memory_space<vmem>>, %arg5: memref<32768xf32, #tpu.memory_space<vmem>>, %arg6: memref<4096xi32, #tpu.memory_space<vmem>>, %arg7: memref<4096xf32, #tpu.memory_space<vmem>>, %arg8: memref<4096xi32, #tpu.memory_space<vmem>>, %arg9: memref<!tpu.dma_semaphore, #tpu.memory_space<semaphore_mem>>, %arg10: memref<!tpu.dma_semaphore, #tpu.memory_space<semaphore_mem>>, %arg11: memref<!tpu.dma_semaphore, #tpu.memory_space<semaphore_mem>>) attributes {dimension_semantics = [#tpu.dimension_semantics<core_parallel>, #tpu.dimension_semantics<subcore_parallel>], iteration_bounds = array<i64: 2, 16>, scalar_prefetch = 0 : i64, scratch_operands = 8 : i64, tpu.core_type = #tpu.core_type<sc_vector_subcore>, window_params = [{transform_indices = #map}, {transform_indices = #map}]} {
    %mul3A = arith.constant 2 : i32
    %mul3A_0 = arith.muli %arg1, %mul3A : i32
    %add3A = arith.addi %mul3A_0, %arg0 : i32
    %add3A_1 = arith.constant 32 : i32
    %add3A_2 = arith.addi %add3A, %add3A_1 : i32
    %dma_start3A = arith.constant 0 : i32
    %dma_start3A_3 = tpu.memref_slice %arg2[%add3A, %dma_start3A] : memref<64x32768xf32, #tpu.memory_space<hbm>> -> memref<1x32768xf32, #tpu.memory_space<hbm>>
    %dma_start3A_4 = tpu.memref_squeeze %dma_start3A_3 : memref<1x32768xf32, #tpu.memory_space<hbm>> -> memref<32768xf32, #tpu.memory_space<hbm>>
    %dma_start3A_5 = arith.constant 0 : i32
    %dma_start3A_6 = tpu.memref_slice %arg2[%add3A, %dma_start3A_5] : memref<64x32768xf32, #tpu.memory_space<hbm>> -> memref<1x32768xf32, #tpu.memory_space<hbm>>
    %dma_start3A_7 = tpu.memref_squeeze %dma_start3A_6 : memref<1x32768xf32, #tpu.memory_space<hbm>> -> memref<32768xf32, #tpu.memory_space<hbm>>
    tpu.enqueue_dma source(%dma_start3A_7 : memref<32768xf32, #tpu.memory_space<hbm>>) target(%arg4 : memref<32768xf32, #tpu.memory_space<vmem>>) target_semaphore(%arg9 : memref<!tpu.dma_semaphore, #tpu.memory_space<semaphore_mem>>)
    %dma_start3A_8 = arith.constant 0 : i32
    %dma_start3A_9 = tpu.memref_slice %arg2[%add3A_2, %dma_start3A_8] : memref<64x32768xf32, #tpu.memory_space<hbm>> -> memref<1x32768xf32, #tpu.memory_space<hbm>>
    %dma_start3A_10 = tpu.memref_squeeze %dma_start3A_9 : memref<1x32768xf32, #tpu.memory_space<hbm>> -> memref<32768xf32, #tpu.memory_space<hbm>>
    %dma_start3A_11 = arith.constant 0 : i32
    %dma_start3A_12 = tpu.memref_slice %arg2[%add3A_2, %dma_start3A_11] : memref<64x32768xf32, #tpu.memory_space<hbm>> -> memref<1x32768xf32, #tpu.memory_space<hbm>>
    %dma_start3A_13 = tpu.memref_squeeze %dma_start3A_12 : memref<1x32768xf32, #tpu.memory_space<hbm>> -> memref<32768xf32, #tpu.memory_space<hbm>>
    tpu.enqueue_dma source(%dma_start3A_13 : memref<32768xf32, #tpu.memory_space<hbm>>) target(%arg5 : memref<32768xf32, #tpu.memory_space<vmem>>) target_semaphore(%arg10 : memref<!tpu.dma_semaphore, #tpu.memory_space<semaphore_mem>>)
    %dma_wait3A = arith.constant 0 : i32
    %dma_wait3A_14 = tpu.memref_slice %arg2[%add3A, %dma_wait3A] : memref<64x32768xf32, #tpu.memory_space<hbm>> -> memref<1x32768xf32, #tpu.memory_space<hbm>>
    %dma_wait3A_15 = tpu.memref_squeeze %dma_wait3A_14 : memref<1x32768xf32, #tpu.memory_space<hbm>> -> memref<32768xf32, #tpu.memory_space<hbm>>
    %dma_wait3A_16 = arith.constant 0 : i32
    %dma_wait3A_17 = tpu.memref_slice %arg2[%add3A, %dma_wait3A_16] : memref<64x32768xf32, #tpu.memory_space<hbm>> -> memref<1x32768xf32, #tpu.memory_space<hbm>>
    %dma_wait3A_18 = tpu.memref_squeeze %dma_wait3A_17 : memref<1x32768xf32, #tpu.memory_space<hbm>> -> memref<32768xf32, #tpu.memory_space<hbm>>
    tpu.wait_dma2 semaphore(%arg9 : memref<!tpu.dma_semaphore, #tpu.memory_space<semaphore_mem>>) src(%dma_wait3A_18 : memref<32768xf32, #tpu.memory_space<hbm>>) dst(%arg4 : memref<32768xf32, #tpu.memory_space<vmem>>)
    %iota3A = tpu.iota {dimensions = array<i32: 0>} : vector<16xi32>
    %broadcast_in_dim3A = arith.constant 1 : i32
    %broadcast_in_dim3A_19 = vector.broadcast %broadcast_in_dim3A : i32 to vector<16xi32>
    %scan3A = arith.constant 0 : i32
    %scan3A_20 = arith.constant 0 : i32
    %scan3A_21 = arith.constant 256 : i32
    %scan3A_22 = arith.addi %scan3A_20, %scan3A_21 : i32
    %scan3A_23 = arith.constant 4 : i32
    %scan3A_24 = scf.for %scan3A_243 = %scan3A_20 to %scan3A_22 step %scan3A_23 iter_args(%scan3A_244 = %scan3A) -> (i32)  : i32 {
      %broadcast_in_dim3A_245 = arith.constant 0 : i32
      %broadcast_in_dim3A_246 = vector.broadcast %broadcast_in_dim3A_245 : i32 to vector<16xi32>
      %mul3A_247 = arith.constant 16 : i32
      %mul3A_248 = arith.muli %scan3A_243, %mul3A_247 : i32
      %swap3A = arith.index_cast %mul3A_248 : i32 to index
      %swap3A_249 = tpu.vector_load %arg6[%swap3A] {strides = array<i32>} : memref<4096xi32, #tpu.memory_space<vmem>>, vector<16xi32>,
      tpu.vector_store %arg6[%swap3A], %broadcast_in_dim3A_246 {strides = array<i32>} : memref<4096xi32, #tpu.memory_space<vmem>>, vector<16xi32>,
      %scan3A_250 = arith.constant 0 : i32
      %scan3A_251 = arith.constant 1 : i32
      %scan3A_252 = arith.addi %scan3A_243, %scan3A_251 : i32
      %broadcast_in_dim3A_253 = arith.constant 0 : i32
      %broadcast_in_dim3A_254 = vector.broadcast %broadcast_in_dim3A_253 : i32 to vector<16xi32>
      %mul3A_255 = arith.constant 16 : i32
      %mul3A_256 = arith.muli %scan3A_252, %mul3A_255 : i32
      %swap3A_257 = arith.index_cast %mul3A_256 : i32 to index
      %swap3A_258 = tpu.vector_load %arg6[%swap3A_257] {strides = array<i32>} : memref<4096xi32, #tpu.memory_space<vmem>>, vector<16xi32>,
      tpu.vector_store %arg6[%swap3A_257], %broadcast_in_dim3A_254 {strides = array<i32>} : memref<4096xi32, #tpu.memory_space<vmem>>, vector<16xi32>,
      %scan3A_259 = arith.constant 0 : i32
      %scan3A_260 = arith.constant 2 : i32
      %scan3A_261 = arith.addi %scan3A_243, %scan3A_260 : i32
      %broadcast_in_dim3A_262 = arith.constant 0 : i32
      %broadcast_in_dim3A_263 = vector.broadcast %broadcast_in_dim3A_262 : i32 to vector<16xi32>
      %mul3A_264 = arith.constant 16 : i32
      %mul3A_265 = arith.muli %scan3A_261, %mul3A_264 : i32
      %swap3A_266 = arith.index_cast %mul3A_265 : i32 to index
      %swap3A_267 = tpu.vector_load %arg6[%swap3A_266] {strides = array<i32>} : memref<4096xi32, #tpu.memory_space<vmem>>, vector<16xi32>,
      tpu.vector_store %arg6[%swap3A_266], %broadcast_in_dim3A_263 {strides = array<i32>} : memref<4096xi32, #tpu.memory_space<vmem>>, vector<16xi32>,
      %scan3A_268 = arith.constant 0 : i32
      %scan3A_269 = arith.constant 3 : i32
      %scan3A_270 = arith.addi %scan3A_243, %scan3A_269 : i32
      %broadcast_in_dim3A_271 = arith.constant 0 : i32
      %broadcast_in_dim3A_272 = vector.broadcast %broadcast_in_dim3A_271 : i32 to vector<16xi32>
      %mul3A_273 = arith.constant 16 : i32
      %mul3A_274 = arith.muli %scan3A_270, %mul3A_273 : i32
      %swap3A_275 = arith.index_cast %mul3A_274 : i32 to index
      %swap3A_276 = tpu.vector_load %arg6[%swap3A_275] {strides = array<i32>} : memref<4096xi32, #tpu.memory_space<vmem>>, vector<16xi32>,
      tpu.vector_store %arg6[%swap3A_275], %broadcast_in_dim3A_272 {strides = array<i32>} : memref<4096xi32, #tpu.memory_space<vmem>>, vector<16xi32>,
      %scan3A_277 = arith.constant 0 : i32
      scf.yield %scan3A_277 : i32
    }
    %scan3A_25 = arith.constant 256 : i32
    %scan3A_26 = arith.constant 0 : i32
    %scan3A_27 = arith.constant 0 : i32
    %scan3A_28 = arith.constant 2048 : i32
    %scan3A_29 = arith.addi %scan3A_27, %scan3A_28 : i32
    %scan3A_30 = arith.constant 4 : i32
    %scan3A_31 = scf.for %scan3A_243 = %scan3A_27 to %scan3A_29 step %scan3A_30 iter_args(%scan3A_244 = %scan3A_26) -> (i32)  : i32 {
      %mul3A_245 = arith.constant 16 : i32
      %mul3A_246 = arith.muli %scan3A_243, %mul3A_245 : i32
      %get3A = arith.index_cast %mul3A_246 : i32 to index
      %get3A_247 = tpu.vector_load %arg4[%get3A] {strides = array<i32>} : memref<32768xf32, #tpu.memory_space<vmem>>, vector<16xf32>,
      %bitcast3A = vector.bitcast %get3A_247 : vector<16xf32> to vector<16xi32>
      %and3A_248 = arith.constant 2147483647 : i32
      %and3A_249 = vector.broadcast %and3A_248 : i32 to vector<16xi32>
      %and3A_250 = arith.andi %bitcast3A, %and3A_249 : vector<16xi32>
      %shift_right_logical3A = arith.constant 19 : i32
      %shift_right_logical3A_251 = vector.broadcast %shift_right_logical3A : i32 to vector<16xi32>
      %shift_right_logical3A_252 = arith.shrui %and3A_250, %shift_right_logical3A_251 : vector<16xi32>
      tpu.vector_store_idx %arg6[%shift_right_logical3A_252], %broadcast_in_dim3A_19 {add = true} : memref<4096xi32, #tpu.memory_space<vmem>>[vector<16xi32>], vector<16xi32>,
      %scan3A_253 = arith.constant 0 : i32
      %scan3A_254 = arith.constant 1 : i32
      %scan3A_255 = arith.addi %scan3A_243, %scan3A_254 : i32
      %mul3A_256 = arith.constant 16 : i32
      %mul3A_257 = arith.muli %scan3A_255, %mul3A_256 : i32
      %get3A_258 = arith.index_cast %mul3A_257 : i32 to index
      %get3A_259 = tpu.vector_load %arg4[%get3A_258] {strides = array<i32>} : memref<32768xf32, #tpu.memory_space<vmem>>, vector<16xf32>,
      %bitcast3A_260 = vector.bitcast %get3A_259 : vector<16xf32> to vector<16xi32>
      %and3A_261 = arith.constant 2147483647 : i32
      %and3A_262 = vector.broadcast %and3A_261 : i32 to vector<16xi32>
      %and3A_263 = arith.andi %bitcast3A_260, %and3A_262 : vector<16xi32>
      %shift_right_logical3A_264 = arith.constant 19 : i32
      %shift_right_logical3A_265 = vector.broadcast %shift_right_logical3A_264 : i32 to vector<16xi32>
      %shift_right_logical3A_266 = arith.shrui %and3A_263, %shift_right_logical3A_265 : vector<16xi32>
      tpu.vector_store_idx %arg6[%shift_right_logical3A_266], %broadcast_in_dim3A_19 {add = true} : memref<4096xi32, #tpu.memory_space<vmem>>[vector<16xi32>], vector<16xi32>,
      %scan3A_267 = arith.constant 0 : i32
      %scan3A_268 = arith.constant 2 : i32
      %scan3A_269 = arith.addi %scan3A_243, %scan3A_268 : i32
      %mul3A_270 = arith.constant 16 : i32
      %mul3A_271 = arith.muli %scan3A_269, %mul3A_270 : i32
      %get3A_272 = arith.index_cast %mul3A_271 : i32 to index
      %get3A_273 = tpu.vector_load %arg4[%get3A_272] {strides = array<i32>} : memref<32768xf32, #tpu.memory_space<vmem>>, vector<16xf32>,
      %bitcast3A_274 = vector.bitcast %get3A_273 : vector<16xf32> to vector<16xi32>
      %and3A_275 = arith.constant 2147483647 : i32
      %and3A_276 = vector.broadcast %and3A_275 : i32 to vector<16xi32>
      %and3A_277 = arith.andi %bitcast3A_274, %and3A_276 : vector<16xi32>
      %shift_right_logical3A_278 = arith.constant 19 : i32
      %shift_right_logical3A_279 = vector.broadcast %shift_right_logical3A_278 : i32 to vector<16xi32>
      %shift_right_logical3A_280 = arith.shrui %and3A_277, %shift_right_logical3A_279 : vector<16xi32>
      tpu.vector_store_idx %arg6[%shift_right_logical3A_280], %broadcast_in_dim3A_19 {add = true} : memref<4096xi32, #tpu.memory_space<vmem>>[vector<16xi32>], vector<16xi32>,
      %scan3A_281 = arith.constant 0 : i32
      %scan3A_282 = arith.constant 3 : i32
      %scan3A_283 = arith.addi %scan3A_243, %scan3A_282 : i32
      %mul3A_284 = arith.constant 16 : i32
      %mul3A_285 = arith.muli %scan3A_283, %mul3A_284 : i32
      %get3A_286 = arith.index_cast %mul3A_285 : i32 to index
      %get3A_287 = tpu.vector_load %arg4[%get3A_286] {strides = array<i32>} : memref<32768xf32, #tpu.memory_space<vmem>>, vector<16xf32>,
      %bitcast3A_288 = vector.bitcast %get3A_287 : vector<16xf32> to vector<16xi32>
      %and3A_289 = arith.constant 2147483647 : i32
      %and3A_290 = vector.broadcast %and3A_289 : i32 to vector<16xi32>
      %and3A_291 = arith.andi %bitcast3A_288, %and3A_290 : vector<16xi32>
      %shift_right_logical3A_292 = arith.constant 19 : i32
      %shift_right_logical3A_293 = vector.broadcast %shift_right_logical3A_292 : i32 to vector<16xi32>
      %shift_right_logical3A_294 = arith.shrui %and3A_291, %shift_right_logical3A_293 : vector<16xi32>
      tpu.vector_store_idx %arg6[%shift_right_logical3A_294], %broadcast_in_dim3A_19 {add = true} : memref<4096xi32, #tpu.memory_space<vmem>>[vector<16xi32>], vector<16xi32>,
      %scan3A_295 = arith.constant 0 : i32
      scf.yield %scan3A_295 : i32
    }
    %scan3A_32 = arith.constant 2048 : i32
    %scan3A_33 = arith.constant 0 : i32
    %scan3A_34 = arith.constant -1 : i32
    %scan3A_35 = arith.constant -1 : i32
    %scan3A_36 = arith.constant 0 : i32
    %scan3A_37 = arith.constant 256 : i32
    %scan3A_38 = arith.addi %scan3A_36, %scan3A_37 : i32
    %scan3A_39 = arith.constant 1 : i32
    %scan3A_40:3 = scf.for %scan3A_243 = %scan3A_36 to %scan3A_38 step %scan3A_39 iter_args(%scan3A_244 = %scan3A_33, %scan3A_245 = %scan3A_34, %scan3A_246 = %scan3A_35) -> (i32, i32, i32)  : i32 {
      %sub3A_247 = arith.constant 255 : i32
      %sub3A_248 = arith.subi %sub3A_247, %scan3A_243 : i32
      %mul3A_249 = arith.constant 16 : i32
      %mul3A_250 = arith.muli %sub3A_248, %mul3A_249 : i32
      %get3A = arith.index_cast %mul3A_250 : i32 to index
      %get3A_251 = tpu.vector_load %arg6[%get3A] {strides = array<i32>} : memref<4096xi32, #tpu.memory_space<vmem>>, vector<16xi32>,
      %rev3A = arith.constant 15 : i32
      %rev3A_252 = vector.broadcast %rev3A : i32 to vector<16xi32>
      %rev3A_253 = tpu.iota {dimensions = array<i32: 0>} : vector<16xi32>
      %rev3A_254 = arith.subi %rev3A_252, %rev3A_253 : vector<16xi32>
      %rev3A_255 = tpu.dynamic_gather %get3A_251[%rev3A_254] in [0] : vector<16xi32>, vector<16xi32> -> vector<16xi32>
      %broadcast_in_dim3A_256 = arith.constant true
      %broadcast_in_dim3A_257 = vector.broadcast %broadcast_in_dim3A_256 : i1 to vector<16xi1>
      %masked_cumsum3A = tpu.scan <sum>, %rev3A_255 masked %broadcast_in_dim3A_257 : vector<16xi32>, vector<16xi1> -> vector<16xi32>
      %rev3A_258 = arith.constant 15 : i32
      %rev3A_259 = vector.broadcast %rev3A_258 : i32 to vector<16xi32>
      %rev3A_260 = tpu.iota {dimensions = array<i32: 0>} : vector<16xi32>
      %rev3A_261 = arith.subi %rev3A_259, %rev3A_260 : vector<16xi32>
      %rev3A_262 = tpu.dynamic_gather %masked_cumsum3A[%rev3A_261] in [0] : vector<16xi32>, vector<16xi32> -> vector<16xi32>
      %add3A_263 = vector.broadcast %scan3A_244 : i32 to vector<16xi32>
      %add3A_264 = arith.addi %rev3A_262, %add3A_263 : vector<16xi32>
      %ge3A = arith.constant 1024 : i32
      %ge3A_265 = vector.broadcast %ge3A : i32 to vector<16xi32>
      %ge3A_266 = arith.cmpi sge, %add3A_264, %ge3A_265 : vector<16xi32>
      %mul3A_267 = arith.constant 16 : i32
      %mul3A_268 = arith.muli %sub3A_248, %mul3A_267 : i32
      %add3A_269 = vector.broadcast %mul3A_268 : i32 to vector<16xi32>
      %add3A_270 = arith.addi %iota3A, %add3A_269 : vector<16xi32>
      %jit3A_271 = arith.constant -1 : i32
      %broadcast_in_dim3A_272 = vector.broadcast %jit3A_271 : i32 to vector<16xi32>
      %select_n3A_273 = arith.select %ge3A_266, %add3A_270, %broadcast_in_dim3A_272 : vector<16xi1>, vector<16xi32>
      %reduce_max3A = arith.constant true
      %reduce_max3A_274 = vector.broadcast %reduce_max3A : i1 to vector<16xi1>
      %reduce_max3A_275 = arith.constant -2147483648 : i32
      %reduce_max3A_276 = vector.broadcast %reduce_max3A_275 : i32 to vector<16xi32>
      %reduce_max3A_277 = arith.xori %select_n3A_273, %reduce_max3A_276 : vector<16xi32>
      %reduce_max3A_278 = tpu.scan <max>, %reduce_max3A_277 masked %reduce_max3A_274 : vector<16xi32>, vector<16xi1> -> vector<16xi32>
      %reduce_max3A_279 = arith.xori %reduce_max3A_278, %reduce_max3A_276 : vector<16xi32>
      %reduce_max3A_280 = vector.extract %reduce_max3A_279[15] : i32 from vector<16xi32>
      %max3A_281 = arith.maxsi %scan3A_245, %reduce_max3A_280 : i32
      %jit3A_282 = arith.constant -1 : i32
      %broadcast_in_dim3A_283 = vector.broadcast %jit3A_282 : i32 to vector<16xi32>
      %select_n3A_284 = arith.select %ge3A_266, %broadcast_in_dim3A_283, %add3A_264 : vector<16xi1>, vector<16xi32>
      %reduce_max3A_285 = arith.constant true
      %reduce_max3A_286 = vector.broadcast %reduce_max3A_285 : i1 to vector<16xi1>
      %reduce_max3A_287 = arith.constant -2147483648 : i32
      %reduce_max3A_288 = vector.broadcast %reduce_max3A_287 : i32 to vector<16xi32>
      %reduce_max3A_289 = arith.xori %select_n3A_284, %reduce_max3A_288 : vector<16xi32>
      %reduce_max3A_290 = tpu.scan <max>, %reduce_max3A_289 masked %reduce_max3A_286 : vector<16xi32>, vector<16xi1> -> vector<16xi32>
      %reduce_max3A_291 = arith.xori %reduce_max3A_290, %reduce_max3A_288 : vector<16xi32>
      %reduce_max3A_292 = vector.extract %reduce_max3A_291[15] : i32 from vector<16xi32>
      %max3A_293 = arith.maxsi %scan3A_246, %reduce_max3A_292 : i32
      %reduce_sum3A = arith.constant true
      %reduce_sum3A_294 = vector.broadcast %reduce_sum3A : i1 to vector<16xi1>
      %reduce_sum3A_295 = tpu.scan <sum>, %get3A_251 masked %reduce_sum3A_294 : vector<16xi32>, vector<16xi1> -> vector<16xi32>
      %reduce_sum3A_296 = vector.extract %reduce_sum3A_295[15] : i32 from vector<16xi32>
      %add3A_297 = arith.addi %scan3A_244, %reduce_sum3A_296 : i32
      scf.yield %add3A_297, %max3A_281, %max3A_293 : i32, i32, i32
    }
    %scan3A_41 = arith.constant 256 : i32
    %max3A = arith.constant 0 : i32
    %max3A_42 = arith.maxsi %scan3A_40#2, %max3A : i32
    %sub3A = arith.constant 1024 : i32
    %sub3A_43 = arith.subi %sub3A, %max3A_42 : i32
    %scan3A_44 = arith.constant 0 : i32
    %scan3A_45 = arith.constant 0 : i32
    %scan3A_46 = arith.constant 2048 : i32
    %scan3A_47 = arith.addi %scan3A_45, %scan3A_46 : i32
    %scan3A_48 = arith.constant 2 : i32
    %scan3A_49 = scf.for %scan3A_243 = %scan3A_45 to %scan3A_47 step %scan3A_48 iter_args(%scan3A_244 = %scan3A_44) -> (i32)  : i32 {
      %mul3A_245 = arith.constant 16 : i32
      %mul3A_246 = arith.muli %scan3A_243, %mul3A_245 : i32
      %get3A = arith.index_cast %mul3A_246 : i32 to index
      %get3A_247 = tpu.vector_load %arg4[%get3A] {strides = array<i32>} : memref<32768xf32, #tpu.memory_space<vmem>>, vector<16xf32>,
      %bitcast3A = vector.bitcast %get3A_247 : vector<16xf32> to vector<16xi32>
      %and3A_248 = arith.constant 2147483647 : i32
      %and3A_249 = vector.broadcast %and3A_248 : i32 to vector<16xi32>
      %and3A_250 = arith.andi %bitcast3A, %and3A_249 : vector<16xi32>
      %shift_right_logical3A = arith.constant 19 : i32
      %shift_right_logical3A_251 = vector.broadcast %shift_right_logical3A : i32 to vector<16xi32>
      %shift_right_logical3A_252 = arith.shrui %and3A_250, %shift_right_logical3A_251 : vector<16xi32>
      %eq3A = vector.broadcast %scan3A_40#1 : i32 to vector<16xi32>
      %eq3A_253 = arith.cmpi eq, %shift_right_logical3A_252, %eq3A : vector<16xi32>
      %gt3A_254 = vector.broadcast %scan3A_40#1 : i32 to vector<16xi32>
      %gt3A_255 = arith.cmpi sgt, %shift_right_logical3A_252, %gt3A_254 : vector<16xi32>
      %jit3A_256 = arith.constant 0.000000e+00 : f32
      %broadcast_in_dim3A_257 = vector.broadcast %jit3A_256 : f32 to vector<16xf32>
      %select_n3A_258 = arith.select %gt3A_255, %get3A_247, %broadcast_in_dim3A_257 : vector<16xi1>, vector<16xf32>
      %mul3A_259 = arith.constant 16 : i32
      %mul3A_260 = arith.muli %scan3A_243, %mul3A_259 : i32
      %swap3A = arith.index_cast %mul3A_260 : i32 to index
      %swap3A_261 = tpu.vector_load %arg4[%swap3A] {strides = array<i32>} : memref<32768xf32, #tpu.memory_space<vmem>>, vector<16xf32>,
      tpu.vector_store %arg4[%swap3A], %select_n3A_258 {strides = array<i32>} : memref<32768xf32, #tpu.memory_space<vmem>>, vector<16xf32>,
      %min3A_262 = arith.constant 4080 : i32
      %min3A_263 = arith.minsi %scan3A_244, %min3A_262 : i32
      %swap3A_264 = arith.index_cast %min3A_263 : i32 to index
      %swap3A_265 = tpu.vector_load %arg7[%swap3A_264] masked %eq3A_253 {strides = array<i32>} : memref<4096xf32, #tpu.memory_space<vmem>>, vector<16xf32>, vector<16xi1>
      tpu.vector_store %arg7[%swap3A_264], %get3A_247 masked %eq3A_253 {strides = array<i32>} : memref<4096xf32, #tpu.memory_space<vmem>>, vector<16xf32>, vector<16xi1>
      %mul3A_266 = arith.constant 16 : i32
      %mul3A_267 = arith.muli %scan3A_243, %mul3A_266 : i32
      %add3A_268 = vector.broadcast %mul3A_267 : i32 to vector<16xi32>
      %add3A_269 = arith.addi %iota3A, %add3A_268 : vector<16xi32>
      %swap3A_270 = arith.index_cast %min3A_263 : i32 to index
      %swap3A_271 = tpu.vector_load %arg8[%swap3A_270] masked %eq3A_253 {strides = array<i32>} : memref<4096xi32, #tpu.memory_space<vmem>>, vector<16xi32>, vector<16xi1>
      tpu.vector_store %arg8[%swap3A_270], %add3A_269 masked %eq3A_253 {strides = array<i32>} : memref<4096xi32, #tpu.memory_space<vmem>>, vector<16xi32>, vector<16xi1>
      %convert_element_type3A = arith.extui %eq3A_253 : vector<16xi1> to vector<16xi32>
      %reduce_sum3A = arith.constant true
      %reduce_sum3A_272 = vector.broadcast %reduce_sum3A : i1 to vector<16xi1>
      %reduce_sum3A_273 = tpu.scan <sum>, %convert_element_type3A masked %reduce_sum3A_272 : vector<16xi32>, vector<16xi1> -> vector<16xi32>
      %reduce_sum3A_274 = vector.extract %reduce_sum3A_273[15] : i32 from vector<16xi32>
      %add3A_275 = arith.addi %scan3A_244, %reduce_sum3A_274 : i32
      %scan3A_276 = arith.constant 1 : i32
      %scan3A_277 = arith.addi %scan3A_243, %scan3A_276 : i32
      %mul3A_278 = arith.constant 16 : i32
      %mul3A_279 = arith.muli %scan3A_277, %mul3A_278 : i32
      %get3A_280 = arith.index_cast %mul3A_279 : i32 to index
      %get3A_281 = tpu.vector_load %arg4[%get3A_280] {strides = array<i32>} : memref<32768xf32, #tpu.memory_space<vmem>>, vector<16xf32>,
      %bitcast3A_282 = vector.bitcast %get3A_281 : vector<16xf32> to vector<16xi32>
      %and3A_283 = arith.constant 2147483647 : i32
      %and3A_284 = vector.broadcast %and3A_283 : i32 to vector<16xi32>
      %and3A_285 = arith.andi %bitcast3A_282, %and3A_284 : vector<16xi32>
      %shift_right_logical3A_286 = arith.constant 19 : i32
      %shift_right_logical3A_287 = vector.broadcast %shift_right_logical3A_286 : i32 to vector<16xi32>
      %shift_right_logical3A_288 = arith.shrui %and3A_285, %shift_right_logical3A_287 : vector<16xi32>
      %eq3A_289 = vector.broadcast %scan3A_40#1 : i32 to vector<16xi32>
      %eq3A_290 = arith.cmpi eq, %shift_right_logical3A_288, %eq3A_289 : vector<16xi32>
      %gt3A_291 = vector.broadcast %scan3A_40#1 : i32 to vector<16xi32>
      %gt3A_292 = arith.cmpi sgt, %shift_right_logical3A_288, %gt3A_291 : vector<16xi32>
      %jit3A_293 = arith.constant 0.000000e+00 : f32
      %broadcast_in_dim3A_294 = vector.broadcast %jit3A_293 : f32 to vector<16xf32>
      %select_n3A_295 = arith.select %gt3A_292, %get3A_281, %broadcast_in_dim3A_294 : vector<16xi1>, vector<16xf32>
      %mul3A_296 = arith.constant 16 : i32
      %mul3A_297 = arith.muli %scan3A_277, %mul3A_296 : i32
      %swap3A_298 = arith.index_cast %mul3A_297 : i32 to index
      %swap3A_299 = tpu.vector_load %arg4[%swap3A_298] {strides = array<i32>} : memref<32768xf32, #tpu.memory_space<vmem>>, vector<16xf32>,
      tpu.vector_store %arg4[%swap3A_298], %select_n3A_295 {strides = array<i32>} : memref<32768xf32, #tpu.memory_space<vmem>>, vector<16xf32>,
      %min3A_300 = arith.constant 4080 : i32
      %min3A_301 = arith.minsi %add3A_275, %min3A_300 : i32
      %swap3A_302 = arith.index_cast %min3A_301 : i32 to index
      %swap3A_303 = tpu.vector_load %arg7[%swap3A_302] masked %eq3A_290 {strides = array<i32>} : memref<4096xf32, #tpu.memory_space<vmem>>, vector<16xf32>, vector<16xi1>
      tpu.vector_store %arg7[%swap3A_302], %get3A_281 masked %eq3A_290 {strides = array<i32>} : memref<4096xf32, #tpu.memory_space<vmem>>, vector<16xf32>, vector<16xi1>
      %mul3A_304 = arith.constant 16 : i32
      %mul3A_305 = arith.muli %scan3A_277, %mul3A_304 : i32
      %add3A_306 = vector.broadcast %mul3A_305 : i32 to vector<16xi32>
      %add3A_307 = arith.addi %iota3A, %add3A_306 : vector<16xi32>
      %swap3A_308 = arith.index_cast %min3A_301 : i32 to index
      %swap3A_309 = tpu.vector_load %arg8[%swap3A_308] masked %eq3A_290 {strides = array<i32>} : memref<4096xi32, #tpu.memory_space<vmem>>, vector<16xi32>, vector<16xi1>
      tpu.vector_store %arg8[%swap3A_308], %add3A_307 masked %eq3A_290 {strides = array<i32>} : memref<4096xi32, #tpu.memory_space<vmem>>, vector<16xi32>, vector<16xi1>
      %convert_element_type3A_310 = arith.extui %eq3A_290 : vector<16xi1> to vector<16xi32>
      %reduce_sum3A_311 = arith.constant true
      %reduce_sum3A_312 = vector.broadcast %reduce_sum3A_311 : i1 to vector<16xi1>
      %reduce_sum3A_313 = tpu.scan <sum>, %convert_element_type3A_310 masked %reduce_sum3A_312 : vector<16xi32>, vector<16xi1> -> vector<16xi32>
      %reduce_sum3A_314 = vector.extract %reduce_sum3A_313[15] : i32 from vector<16xi32>
      %add3A_315 = arith.addi %add3A_275, %reduce_sum3A_314 : i32
      scf.yield %add3A_315 : i32
    }
    %scan3A_50 = arith.constant 2048 : i32
    %min3A = arith.constant 4096 : i32
    %min3A_51 = arith.minsi %scan3A_49, %min3A : i32
    %add3A_52 = arith.constant 16 : i32
    %add3A_53 = arith.addi %min3A_51, %add3A_52 : i32
    %sub3A_54 = arith.constant 1 : i32
    %sub3A_55 = arith.subi %add3A_53, %sub3A_54 : i32
    %jit3A = arith.constant 16 : i32
    %div3A = arith.divsi %sub3A_55, %jit3A : i32
    %sign3A = arith.constant 0 : i32
    %sign3A_56 = arith.cmpi sgt, %sub3A_55, %sign3A : i32
    %sign3A_57 = arith.extui %sign3A_56 : i1 to i32
    %sign3A_58 = arith.constant 0 : i32
    %sign3A_59 = arith.cmpi slt, %sub3A_55, %sign3A_58 : i32
    %sign3A_60 = arith.extui %sign3A_59 : i1 to i32
    %sign3A_61 = arith.subi %sign3A_57, %sign3A_60 : i32
    %sign3A_62 = arith.constant 0 : i32
    %sign3A_63 = arith.cmpi sgt, %jit3A, %sign3A_62 : i32
    %sign3A_64 = arith.extui %sign3A_63 : i1 to i32
    %sign3A_65 = arith.constant 0 : i32
    %sign3A_66 = arith.cmpi slt, %jit3A, %sign3A_65 : i32
    %sign3A_67 = arith.extui %sign3A_66 : i1 to i32
    %sign3A_68 = arith.subi %sign3A_64, %sign3A_67 : i32
    %ne3A = arith.cmpi ne, %sign3A_61, %sign3A_68 : i32
    %rem3A = arith.remsi %sub3A_55, %jit3A : i32
    %ne3A_69 = arith.constant 0 : i32
    %ne3A_70 = arith.cmpi ne, %rem3A, %ne3A_69 : i32
    %and3A = arith.andi %ne3A, %ne3A_70 : i1
    %sub3A_71 = arith.constant 1 : i32
    %sub3A_72 = arith.subi %div3A, %sub3A_71 : i32
    %select_n3A = arith.select %and3A, %sub3A_72, %div3A : i32
    %shift_left3A = arith.constant 19 : i32
    %shift_left3A_73 = arith.shli %scan3A_40#1, %shift_left3A : i32
    %scan3A_74 = arith.constant 0 : i32
    %scan3A_75 = arith.constant 19 : i32
    %scan3A_76 = arith.addi %scan3A_74, %scan3A_75 : i32
    %scan3A_77 = arith.constant 1 : i32
    %scan3A_78 = scf.for %scan3A_243 = %scan3A_74 to %scan3A_76 step %scan3A_77 iter_args(%scan3A_244 = %shift_left3A_73) -> (i32)  : i32 {
      %sub3A_245 = arith.constant 18 : i32
      %sub3A_246 = arith.subi %sub3A_245, %scan3A_243 : i32
      %shift_left3A_247 = arith.constant 1 : i32
      %shift_left3A_248 = arith.shli %shift_left3A_247, %sub3A_246 : i32
      %or3A = arith.ori %scan3A_244, %shift_left3A_248 : i32
      %while3A_249 = arith.constant 0 : i32
      %while3A_250 = arith.constant 0 : i32
      %while3A_251 = arith.subi %select_n3A, %while3A_249 : i32
      %while3A_252 = arith.addi %while3A_249, %while3A_251 : i32
      %while3A_253 = arith.constant 1 : i32
      %while3A_254 = arith.divsi %while3A_251, %while3A_253 : i32
      %while3A_255 = arith.muli %while3A_254, %while3A_253 : i32
      %while3A_256 = arith.addi %while3A_249, %while3A_255 : i32
      %while3A_257 = arith.constant 1 : i32
      %while3A_258 = scf.for %while3A_262 = %while3A_249 to %while3A_256 step %while3A_257 iter_args(%while3A_263 = %while3A_250) -> (i32)  : i32 {
        %mul3A_264 = arith.constant 16 : i32
        %mul3A_265 = arith.muli %while3A_262, %mul3A_264 : i32
        %get3A = arith.index_cast %mul3A_265 : i32 to index
        %get3A_266 = tpu.vector_load %arg7[%get3A] {strides = array<i32>} : memref<4096xf32, #tpu.memory_space<vmem>>, vector<16xf32>,
        %bitcast3A = vector.bitcast %get3A_266 : vector<16xf32> to vector<16xi32>
        %and3A_267 = arith.constant 2147483647 : i32
        %and3A_268 = vector.broadcast %and3A_267 : i32 to vector<16xi32>
        %and3A_269 = arith.andi %bitcast3A, %and3A_268 : vector<16xi32>
        %mul3A_270 = arith.constant 16 : i32
        %mul3A_271 = arith.muli %while3A_262, %mul3A_270 : i32
        %add3A_272 = vector.broadcast %mul3A_271 : i32 to vector<16xi32>
        %add3A_273 = arith.addi %iota3A, %add3A_272 : vector<16xi32>
        %lt3A = vector.broadcast %min3A_51 : i32 to vector<16xi32>
        %lt3A_274 = arith.cmpi slt, %add3A_273, %lt3A : vector<16xi32>
        %ge3A_275 = vector.broadcast %or3A : i32 to vector<16xi32>
        %ge3A_276 = arith.cmpi sge, %and3A_269, %ge3A_275 : vector<16xi32>
        %and3A_277 = arith.andi %lt3A_274, %ge3A_276 : vector<16xi1>
        %convert_element_type3A = arith.extui %and3A_277 : vector<16xi1> to vector<16xi32>
        %reduce_sum3A = arith.constant true
        %reduce_sum3A_278 = vector.broadcast %reduce_sum3A : i1 to vector<16xi1>
        %reduce_sum3A_279 = tpu.scan <sum>, %convert_element_type3A masked %reduce_sum3A_278 : vector<16xi32>, vector<16xi1> -> vector<16xi32>
        %reduce_sum3A_280 = vector.extract %reduce_sum3A_279[15] : i32 from vector<16xi32>
        %add3A_281 = arith.addi %while3A_263, %reduce_sum3A_280 : i32
        scf.yield %add3A_281 : i32
      }
      %while3A_259 = arith.constant 1 : i32
      %while3A_260 = scf.for %while3A_262 = %while3A_256 to %while3A_252 step %while3A_259 iter_args(%while3A_263 = %while3A_258) -> (i32)  : i32 {
        %mul3A_264 = arith.constant 16 : i32
        %mul3A_265 = arith.muli %while3A_262, %mul3A_264 : i32
        %get3A = arith.index_cast %mul3A_265 : i32 to index
        %get3A_266 = tpu.vector_load %arg7[%get3A] {strides = array<i32>} : memref<4096xf32, #tpu.memory_space<vmem>>, vector<16xf32>,
        %bitcast3A = vector.bitcast %get3A_266 : vector<16xf32> to vector<16xi32>
        %and3A_267 = arith.constant 2147483647 : i32
        %and3A_268 = vector.broadcast %and3A_267 : i32 to vector<16xi32>
        %and3A_269 = arith.andi %bitcast3A, %and3A_268 : vector<16xi32>
        %mul3A_270 = arith.constant 16 : i32
        %mul3A_271 = arith.muli %while3A_262, %mul3A_270 : i32
        %add3A_272 = vector.broadcast %mul3A_271 : i32 to vector<16xi32>
        %add3A_273 = arith.addi %iota3A, %add3A_272 : vector<16xi32>
        %lt3A = vector.broadcast %min3A_51 : i32 to vector<16xi32>
        %lt3A_274 = arith.cmpi slt, %add3A_273, %lt3A : vector<16xi32>
        %ge3A_275 = vector.broadcast %or3A : i32 to vector<16xi32>
        %ge3A_276 = arith.cmpi sge, %and3A_269, %ge3A_275 : vector<16xi32>
        %and3A_277 = arith.andi %lt3A_274, %ge3A_276 : vector<16xi1>
        %convert_element_type3A = arith.extui %and3A_277 : vector<16xi1> to vector<16xi32>
        %reduce_sum3A = arith.constant true
        %reduce_sum3A_278 = vector.broadcast %reduce_sum3A : i1 to vector<16xi1>
        %reduce_sum3A_279 = tpu.scan <sum>, %convert_element_type3A masked %reduce_sum3A_278 : vector<16xi32>, vector<16xi1> -> vector<16xi32>
        %reduce_sum3A_280 = vector.extract %reduce_sum3A_279[15] : i32 from vector<16xi32>
        %add3A_281 = arith.addi %while3A_263, %reduce_sum3A_280 : i32
        scf.yield %add3A_281 : i32
      }
      %ge3A = arith.cmpi sge, %while3A_260, %sub3A_43 : i32
      %select_n3A_261 = arith.select %ge3A, %or3A, %scan3A_244 : i32
      scf.yield %select_n3A_261 : i32
    }
    %scan3A_79 = arith.constant 19 : i32
    %while3A = arith.constant 0 : i32
    %while3A_80 = arith.constant 0 : i32
    %while3A_81 = arith.constant 0 : i32
    %while3A_82 = arith.subi %select_n3A, %while3A : i32
    %while3A_83 = arith.addi %while3A, %while3A_82 : i32
    %while3A_84 = arith.constant 1 : i32
    %while3A_85 = arith.divsi %while3A_82, %while3A_84 : i32
    %while3A_86 = arith.muli %while3A_85, %while3A_84 : i32
    %while3A_87 = arith.addi %while3A, %while3A_86 : i32
    %while3A_88 = arith.constant 1 : i32
    %while3A_89:2 = scf.for %while3A_243 = %while3A to %while3A_87 step %while3A_88 iter_args(%while3A_244 = %while3A_80, %while3A_245 = %while3A_81) -> (i32, i32)  : i32 {
      %mul3A_246 = arith.constant 16 : i32
      %mul3A_247 = arith.muli %while3A_243, %mul3A_246 : i32
      %get3A = arith.index_cast %mul3A_247 : i32 to index
      %get3A_248 = tpu.vector_load %arg7[%get3A] {strides = array<i32>} : memref<4096xf32, #tpu.memory_space<vmem>>, vector<16xf32>,
      %bitcast3A = vector.bitcast %get3A_248 : vector<16xf32> to vector<16xi32>
      %and3A_249 = arith.constant 2147483647 : i32
      %and3A_250 = vector.broadcast %and3A_249 : i32 to vector<16xi32>
      %and3A_251 = arith.andi %bitcast3A, %and3A_250 : vector<16xi32>
      %mul3A_252 = arith.constant 16 : i32
      %mul3A_253 = arith.muli %while3A_243, %mul3A_252 : i32
      %add3A_254 = vector.broadcast %mul3A_253 : i32 to vector<16xi32>
      %add3A_255 = arith.addi %iota3A, %add3A_254 : vector<16xi32>
      %lt3A = vector.broadcast %min3A_51 : i32 to vector<16xi32>
      %lt3A_256 = arith.cmpi slt, %add3A_255, %lt3A : vector<16xi32>
      %gt3A_257 = vector.broadcast %scan3A_78 : i32 to vector<16xi32>
      %gt3A_258 = arith.cmpi sgt, %and3A_251, %gt3A_257 : vector<16xi32>
      %and3A_259 = arith.andi %lt3A_256, %gt3A_258 : vector<16xi1>
      %convert_element_type3A = arith.extui %and3A_259 : vector<16xi1> to vector<16xi32>
      %reduce_sum3A = arith.constant true
      %reduce_sum3A_260 = vector.broadcast %reduce_sum3A : i1 to vector<16xi1>
      %reduce_sum3A_261 = tpu.scan <sum>, %convert_element_type3A masked %reduce_sum3A_260 : vector<16xi32>, vector<16xi1> -> vector<16xi32>
      %reduce_sum3A_262 = vector.extract %reduce_sum3A_261[15] : i32 from vector<16xi32>
      %add3A_263 = arith.addi %while3A_244, %reduce_sum3A_262 : i32
      %eq3A = vector.broadcast %scan3A_78 : i32 to vector<16xi32>
      %eq3A_264 = arith.cmpi eq, %and3A_251, %eq3A : vector<16xi32>
      %and3A_265 = arith.andi %lt3A_256, %eq3A_264 : vector<16xi1>
      %convert_element_type3A_266 = arith.extui %and3A_265 : vector<16xi1> to vector<16xi32>
      %reduce_sum3A_267 = arith.constant true
      %reduce_sum3A_268 = vector.broadcast %reduce_sum3A_267 : i1 to vector<16xi1>
      %reduce_sum3A_269 = tpu.scan <sum>, %convert_element_type3A_266 masked %reduce_sum3A_268 : vector<16xi32>, vector<16xi1> -> vector<16xi32>
      %reduce_sum3A_270 = vector.extract %reduce_sum3A_269[15] : i32 from vector<16xi32>
      %add3A_271 = arith.addi %while3A_245, %reduce_sum3A_270 : i32
      scf.yield %add3A_263, %add3A_271 : i32, i32
    }
    %while3A_90 = arith.constant 1 : i32
    %while3A_91:2 = scf.for %while3A_243 = %while3A_87 to %while3A_83 step %while3A_90 iter_args(%while3A_244 = %while3A_89#0, %while3A_245 = %while3A_89#1) -> (i32, i32)  : i32 {
      %mul3A_246 = arith.constant 16 : i32
      %mul3A_247 = arith.muli %while3A_243, %mul3A_246 : i32
      %get3A = arith.index_cast %mul3A_247 : i32 to index
      %get3A_248 = tpu.vector_load %arg7[%get3A] {strides = array<i32>} : memref<4096xf32, #tpu.memory_space<vmem>>, vector<16xf32>,
      %bitcast3A = vector.bitcast %get3A_248 : vector<16xf32> to vector<16xi32>
      %and3A_249 = arith.constant 2147483647 : i32
      %and3A_250 = vector.broadcast %and3A_249 : i32 to vector<16xi32>
      %and3A_251 = arith.andi %bitcast3A, %and3A_250 : vector<16xi32>
      %mul3A_252 = arith.constant 16 : i32
      %mul3A_253 = arith.muli %while3A_243, %mul3A_252 : i32
      %add3A_254 = vector.broadcast %mul3A_253 : i32 to vector<16xi32>
      %add3A_255 = arith.addi %iota3A, %add3A_254 : vector<16xi32>
      %lt3A = vector.broadcast %min3A_51 : i32 to vector<16xi32>
      %lt3A_256 = arith.cmpi slt, %add3A_255, %lt3A : vector<16xi32>
      %gt3A_257 = vector.broadcast %scan3A_78 : i32 to vector<16xi32>
      %gt3A_258 = arith.cmpi sgt, %and3A_251, %gt3A_257 : vector<16xi32>
      %and3A_259 = arith.andi %lt3A_256, %gt3A_258 : vector<16xi1>
      %convert_element_type3A = arith.extui %and3A_259 : vector<16xi1> to vector<16xi32>
      %reduce_sum3A = arith.constant true
      %reduce_sum3A_260 = vector.broadcast %reduce_sum3A : i1 to vector<16xi1>
      %reduce_sum3A_261 = tpu.scan <sum>, %convert_element_type3A masked %reduce_sum3A_260 : vector<16xi32>, vector<16xi1> -> vector<16xi32>
      %reduce_sum3A_262 = vector.extract %reduce_sum3A_261[15] : i32 from vector<16xi32>
      %add3A_263 = arith.addi %while3A_244, %reduce_sum3A_262 : i32
      %eq3A = vector.broadcast %scan3A_78 : i32 to vector<16xi32>
      %eq3A_264 = arith.cmpi eq, %and3A_251, %eq3A : vector<16xi32>
      %and3A_265 = arith.andi %lt3A_256, %eq3A_264 : vector<16xi1>
      %convert_element_type3A_266 = arith.extui %and3A_265 : vector<16xi1> to vector<16xi32>
      %reduce_sum3A_267 = arith.constant true
      %reduce_sum3A_268 = vector.broadcast %reduce_sum3A_267 : i1 to vector<16xi1>
      %reduce_sum3A_269 = tpu.scan <sum>, %convert_element_type3A_266 masked %reduce_sum3A_268 : vector<16xi32>, vector<16xi1> -> vector<16xi32>
      %reduce_sum3A_270 = vector.extract %reduce_sum3A_269[15] : i32 from vector<16xi32>
      %add3A_271 = arith.addi %while3A_245, %reduce_sum3A_270 : i32
      scf.yield %add3A_263, %add3A_271 : i32, i32
    }
    %sub3A_92 = arith.subi %sub3A_43, %while3A_91#0 : i32
    %scan3A_93 = arith.constant 0 : i32
    %scan3A_94 = arith.constant 0 : i32
    %scan3A_95 = arith.constant 15 : i32
    %scan3A_96 = arith.addi %scan3A_94, %scan3A_95 : i32
    %scan3A_97 = arith.constant 1 : i32
    %scan3A_98 = scf.for %scan3A_243 = %scan3A_94 to %scan3A_96 step %scan3A_97 iter_args(%scan3A_244 = %scan3A_93) -> (i32)  : i32 {
      %sub3A_245 = arith.constant 14 : i32
      %sub3A_246 = arith.subi %sub3A_245, %scan3A_243 : i32
      %shift_left3A_247 = arith.constant 1 : i32
      %shift_left3A_248 = arith.shli %shift_left3A_247, %sub3A_246 : i32
      %sub3A_249 = arith.constant 1 : i32
      %sub3A_250 = arith.subi %shift_left3A_248, %sub3A_249 : i32
      %add3A_251 = arith.addi %scan3A_244, %sub3A_250 : i32
      %while3A_252 = arith.constant 0 : i32
      %while3A_253 = arith.constant 0 : i32
      %while3A_254 = arith.subi %select_n3A, %while3A_252 : i32
      %while3A_255 = arith.addi %while3A_252, %while3A_254 : i32
      %while3A_256 = arith.constant 1 : i32
      %while3A_257 = arith.divsi %while3A_254, %while3A_256 : i32
      %while3A_258 = arith.muli %while3A_257, %while3A_256 : i32
      %while3A_259 = arith.addi %while3A_252, %while3A_258 : i32
      %while3A_260 = arith.constant 1 : i32
      %while3A_261 = scf.for %while3A_267 = %while3A_252 to %while3A_259 step %while3A_260 iter_args(%while3A_268 = %while3A_253) -> (i32)  : i32 {
        %mul3A_269 = arith.constant 16 : i32
        %mul3A_270 = arith.muli %while3A_267, %mul3A_269 : i32
        %get3A = arith.index_cast %mul3A_270 : i32 to index
        %get3A_271 = tpu.vector_load %arg7[%get3A] {strides = array<i32>} : memref<4096xf32, #tpu.memory_space<vmem>>, vector<16xf32>,
        %bitcast3A = vector.bitcast %get3A_271 : vector<16xf32> to vector<16xi32>
        %and3A_272 = arith.constant 2147483647 : i32
        %and3A_273 = vector.broadcast %and3A_272 : i32 to vector<16xi32>
        %and3A_274 = arith.andi %bitcast3A, %and3A_273 : vector<16xi32>
        %mul3A_275 = arith.constant 16 : i32
        %mul3A_276 = arith.muli %while3A_267, %mul3A_275 : i32
        %get3A_277 = arith.index_cast %mul3A_276 : i32 to index
        %get3A_278 = tpu.vector_load %arg8[%get3A_277] {strides = array<i32>} : memref<4096xi32, #tpu.memory_space<vmem>>, vector<16xi32>,
        %mul3A_279 = arith.constant 16 : i32
        %mul3A_280 = arith.muli %while3A_267, %mul3A_279 : i32
        %add3A_281 = vector.broadcast %mul3A_280 : i32 to vector<16xi32>
        %add3A_282 = arith.addi %iota3A, %add3A_281 : vector<16xi32>
        %lt3A_283 = vector.broadcast %min3A_51 : i32 to vector<16xi32>
        %lt3A_284 = arith.cmpi slt, %add3A_282, %lt3A_283 : vector<16xi32>
        %eq3A = vector.broadcast %scan3A_78 : i32 to vector<16xi32>
        %eq3A_285 = arith.cmpi eq, %and3A_274, %eq3A : vector<16xi32>
        %and3A_286 = arith.andi %lt3A_284, %eq3A_285 : vector<16xi1>
        %le3A = vector.broadcast %add3A_251 : i32 to vector<16xi32>
        %le3A_287 = arith.cmpi sle, %get3A_278, %le3A : vector<16xi32>
        %and3A_288 = arith.andi %and3A_286, %le3A_287 : vector<16xi1>
        %convert_element_type3A = arith.extui %and3A_288 : vector<16xi1> to vector<16xi32>
        %reduce_sum3A = arith.constant true
        %reduce_sum3A_289 = vector.broadcast %reduce_sum3A : i1 to vector<16xi1>
        %reduce_sum3A_290 = tpu.scan <sum>, %convert_element_type3A masked %reduce_sum3A_289 : vector<16xi32>, vector<16xi1> -> vector<16xi32>
        %reduce_sum3A_291 = vector.extract %reduce_sum3A_290[15] : i32 from vector<16xi32>
        %add3A_292 = arith.addi %while3A_268, %reduce_sum3A_291 : i32
        scf.yield %add3A_292 : i32
      }
      %while3A_262 = arith.constant 1 : i32
      %while3A_263 = scf.for %while3A_267 = %while3A_259 to %while3A_255 step %while3A_262 iter_args(%while3A_268 = %while3A_261) -> (i32)  : i32 {
        %mul3A_269 = arith.constant 16 : i32
        %mul3A_270 = arith.muli %while3A_267, %mul3A_269 : i32
        %get3A = arith.index_cast %mul3A_270 : i32 to index
        %get3A_271 = tpu.vector_load %arg7[%get3A] {strides = array<i32>} : memref<4096xf32, #tpu.memory_space<vmem>>, vector<16xf32>,
        %bitcast3A = vector.bitcast %get3A_271 : vector<16xf32> to vector<16xi32>
        %and3A_272 = arith.constant 2147483647 : i32
        %and3A_273 = vector.broadcast %and3A_272 : i32 to vector<16xi32>
        %and3A_274 = arith.andi %bitcast3A, %and3A_273 : vector<16xi32>
        %mul3A_275 = arith.constant 16 : i32
        %mul3A_276 = arith.muli %while3A_267, %mul3A_275 : i32
        %get3A_277 = arith.index_cast %mul3A_276 : i32 to index
        %get3A_278 = tpu.vector_load %arg8[%get3A_277] {strides = array<i32>} : memref<4096xi32, #tpu.memory_space<vmem>>, vector<16xi32>,
        %mul3A_279 = arith.constant 16 : i32
        %mul3A_280 = arith.muli %while3A_267, %mul3A_279 : i32
        %add3A_281 = vector.broadcast %mul3A_280 : i32 to vector<16xi32>
        %add3A_282 = arith.addi %iota3A, %add3A_281 : vector<16xi32>
        %lt3A_283 = vector.broadcast %min3A_51 : i32 to vector<16xi32>
        %lt3A_284 = arith.cmpi slt, %add3A_282, %lt3A_283 : vector<16xi32>
        %eq3A = vector.broadcast %scan3A_78 : i32 to vector<16xi32>
        %eq3A_285 = arith.cmpi eq, %and3A_274, %eq3A : vector<16xi32>
        %and3A_286 = arith.andi %lt3A_284, %eq3A_285 : vector<16xi1>
        %le3A = vector.broadcast %add3A_251 : i32 to vector<16xi32>
        %le3A_287 = arith.cmpi sle, %get3A_278, %le3A : vector<16xi32>
        %and3A_288 = arith.andi %and3A_286, %le3A_287 : vector<16xi1>
        %convert_element_type3A = arith.extui %and3A_288 : vector<16xi1> to vector<16xi32>
        %reduce_sum3A = arith.constant true
        %reduce_sum3A_289 = vector.broadcast %reduce_sum3A : i1 to vector<16xi1>
        %reduce_sum3A_290 = tpu.scan <sum>, %convert_element_type3A masked %reduce_sum3A_289 : vector<16xi32>, vector<16xi1> -> vector<16xi32>
        %reduce_sum3A_291 = vector.extract %reduce_sum3A_290[15] : i32 from vector<16xi32>
        %add3A_292 = arith.addi %while3A_268, %reduce_sum3A_291 : i32
        scf.yield %add3A_292 : i32
      }
      %lt3A = arith.cmpi slt, %while3A_263, %sub3A_92 : i32
      %shift_left3A_264 = arith.constant 1 : i32
      %shift_left3A_265 = arith.shli %shift_left3A_264, %sub3A_246 : i32
      %or3A = arith.ori %scan3A_244, %shift_left3A_265 : i32
      %select_n3A_266 = arith.select %lt3A, %or3A, %scan3A_244 : i32
      scf.yield %select_n3A_266 : i32
    }
    %scan3A_99 = arith.constant 15 : i32
    %gt3A = arith.cmpi sgt, %while3A_91#1, %sub3A_92 : i32
    %jit3A_100 = arith.constant 1073741824 : i32
    %select_n3A_101 = arith.select %gt3A, %scan3A_98, %jit3A_100 : i32
    %while3A_102 = arith.constant 0 : i32
    %while3A_103 = arith.constant 0 : i32
    %while3A_104 = arith.subi %select_n3A, %while3A_102 : i32
    %while3A_105 = arith.addi %while3A_102, %while3A_104 : i32
    %while3A_106 = arith.constant 1 : i32
    %while3A_107 = arith.divsi %while3A_104, %while3A_106 : i32
    %while3A_108 = arith.muli %while3A_107, %while3A_106 : i32
    %while3A_109 = arith.addi %while3A_102, %while3A_108 : i32
    %while3A_110 = arith.constant 1 : i32
    %while3A_111 = scf.for %while3A_243 = %while3A_102 to %while3A_109 step %while3A_110 iter_args(%while3A_244 = %while3A_103) -> (i32)  : i32 {
      %mul3A_245 = arith.constant 16 : i32
      %mul3A_246 = arith.muli %while3A_243, %mul3A_245 : i32
      %get3A = arith.index_cast %mul3A_246 : i32 to index
      %get3A_247 = tpu.vector_load %arg7[%get3A] {strides = array<i32>} : memref<4096xf32, #tpu.memory_space<vmem>>, vector<16xf32>,
      %bitcast3A = vector.bitcast %get3A_247 : vector<16xf32> to vector<16xi32>
      %and3A_248 = arith.constant 2147483647 : i32
      %and3A_249 = vector.broadcast %and3A_248 : i32 to vector<16xi32>
      %and3A_250 = arith.andi %bitcast3A, %and3A_249 : vector<16xi32>
      %mul3A_251 = arith.constant 16 : i32
      %mul3A_252 = arith.muli %while3A_243, %mul3A_251 : i32
      %get3A_253 = arith.index_cast %mul3A_252 : i32 to index
      %get3A_254 = tpu.vector_load %arg8[%get3A_253] {strides = array<i32>} : memref<4096xi32, #tpu.memory_space<vmem>>, vector<16xi32>,
      %mul3A_255 = arith.constant 16 : i32
      %mul3A_256 = arith.muli %while3A_243, %mul3A_255 : i32
      %add3A_257 = vector.broadcast %mul3A_256 : i32 to vector<16xi32>
      %add3A_258 = arith.addi %iota3A, %add3A_257 : vector<16xi32>
      %lt3A = vector.broadcast %min3A_51 : i32 to vector<16xi32>
      %lt3A_259 = arith.cmpi slt, %add3A_258, %lt3A : vector<16xi32>
      %gt3A_260 = vector.broadcast %scan3A_78 : i32 to vector<16xi32>
      %gt3A_261 = arith.cmpi sgt, %and3A_250, %gt3A_260 : vector<16xi32>
      %eq3A = vector.broadcast %scan3A_78 : i32 to vector<16xi32>
      %eq3A_262 = arith.cmpi eq, %and3A_250, %eq3A : vector<16xi32>
      %le3A = vector.broadcast %select_n3A_101 : i32 to vector<16xi32>
      %le3A_263 = arith.cmpi sle, %get3A_254, %le3A : vector<16xi32>
      %and3A_264 = arith.andi %eq3A_262, %le3A_263 : vector<16xi1>
      %or3A = arith.ori %gt3A_261, %and3A_264 : vector<16xi1>
      %and3A_265 = arith.andi %lt3A_259, %or3A : vector<16xi1>
      tpu.vector_store_idx %arg4[%get3A_254], %get3A_247 masked %and3A_265 : memref<32768xf32, #tpu.memory_space<vmem>>[vector<16xi32>], vector<16xf32>, vector<16xi1>
      %while3A_266 = arith.constant 0 : i32
      scf.yield %while3A_266 : i32
    }
    %while3A_112 = arith.constant 1 : i32
    %while3A_113 = scf.for %while3A_243 = %while3A_109 to %while3A_105 step %while3A_112 iter_args(%while3A_244 = %while3A_111) -> (i32)  : i32 {
      %mul3A_245 = arith.constant 16 : i32
      %mul3A_246 = arith.muli %while3A_243, %mul3A_245 : i32
      %get3A = arith.index_cast %mul3A_246 : i32 to index
      %get3A_247 = tpu.vector_load %arg7[%get3A] {strides = array<i32>} : memref<4096xf32, #tpu.memory_space<vmem>>, vector<16xf32>,
      %bitcast3A = vector.bitcast %get3A_247 : vector<16xf32> to vector<16xi32>
      %and3A_248 = arith.constant 2147483647 : i32
      %and3A_249 = vector.broadcast %and3A_248 : i32 to vector<16xi32>
      %and3A_250 = arith.andi %bitcast3A, %and3A_249 : vector<16xi32>
      %mul3A_251 = arith.constant 16 : i32
      %mul3A_252 = arith.muli %while3A_243, %mul3A_251 : i32
      %get3A_253 = arith.index_cast %mul3A_252 : i32 to index
      %get3A_254 = tpu.vector_load %arg8[%get3A_253] {strides = array<i32>} : memref<4096xi32, #tpu.memory_space<vmem>>, vector<16xi32>,
      %mul3A_255 = arith.constant 16 : i32
      %mul3A_256 = arith.muli %while3A_243, %mul3A_255 : i32
      %add3A_257 = vector.broadcast %mul3A_256 : i32 to vector<16xi32>
      %add3A_258 = arith.addi %iota3A, %add3A_257 : vector<16xi32>
      %lt3A = vector.broadcast %min3A_51 : i32 to vector<16xi32>
      %lt3A_259 = arith.cmpi slt, %add3A_258, %lt3A : vector<16xi32>
      %gt3A_260 = vector.broadcast %scan3A_78 : i32 to vector<16xi32>
      %gt3A_261 = arith.cmpi sgt, %and3A_250, %gt3A_260 : vector<16xi32>
      %eq3A = vector.broadcast %scan3A_78 : i32 to vector<16xi32>
      %eq3A_262 = arith.cmpi eq, %and3A_250, %eq3A : vector<16xi32>
      %le3A = vector.broadcast %select_n3A_101 : i32 to vector<16xi32>
      %le3A_263 = arith.cmpi sle, %get3A_254, %le3A : vector<16xi32>
      %and3A_264 = arith.andi %eq3A_262, %le3A_263 : vector<16xi1>
      %or3A = arith.ori %gt3A_261, %and3A_264 : vector<16xi1>
      %and3A_265 = arith.andi %lt3A_259, %or3A : vector<16xi1>
      tpu.vector_store_idx %arg4[%get3A_254], %get3A_247 masked %and3A_265 : memref<32768xf32, #tpu.memory_space<vmem>>[vector<16xi32>], vector<16xf32>, vector<16xi1>
      %while3A_266 = arith.constant 0 : i32
      scf.yield %while3A_266 : i32
    }
    %dma_start3A_114 = arith.constant 0 : i32
    %dma_start3A_115 = tpu.memref_slice %arg3[%add3A, %dma_start3A_114] : memref<64x32768xf32, #tpu.memory_space<hbm>> -> memref<1x32768xf32, #tpu.memory_space<hbm>>
    %dma_start3A_116 = tpu.memref_squeeze %dma_start3A_115 : memref<1x32768xf32, #tpu.memory_space<hbm>> -> memref<32768xf32, #tpu.memory_space<hbm>>
    %dma_start3A_117 = arith.constant 0 : i32
    %dma_start3A_118 = tpu.memref_slice %arg3[%add3A, %dma_start3A_117] : memref<64x32768xf32, #tpu.memory_space<hbm>> -> memref<1x32768xf32, #tpu.memory_space<hbm>>
    %dma_start3A_119 = tpu.memref_squeeze %dma_start3A_118 : memref<1x32768xf32, #tpu.memory_space<hbm>> -> memref<32768xf32, #tpu.memory_space<hbm>>
    tpu.enqueue_dma source(%arg4 : memref<32768xf32, #tpu.memory_space<vmem>>) target(%dma_start3A_119 : memref<32768xf32, #tpu.memory_space<hbm>>) target_semaphore(%arg11 : memref<!tpu.dma_semaphore, #tpu.memory_space<semaphore_mem>>)
    %dma_wait3A_120 = arith.constant 0 : i32
    %dma_wait3A_121 = tpu.memref_slice %arg2[%add3A_2, %dma_wait3A_120] : memref<64x32768xf32, #tpu.memory_space<hbm>> -> memref<1x32768xf32, #tpu.memory_space<hbm>>
    %dma_wait3A_122 = tpu.memref_squeeze %dma_wait3A_121 : memref<1x32768xf32, #tpu.memory_space<hbm>> -> memref<32768xf32, #tpu.memory_space<hbm>>
    %dma_wait3A_123 = arith.constant 0 : i32
    %dma_wait3A_124 = tpu.memref_slice %arg2[%add3A_2, %dma_wait3A_123] : memref<64x32768xf32, #tpu.memory_space<hbm>> -> memref<1x32768xf32, #tpu.memory_space<hbm>>
    %dma_wait3A_125 = tpu.memref_squeeze %dma_wait3A_124 : memref<1x32768xf32, #tpu.memory_space<hbm>> -> memref<32768xf32, #tpu.memory_space<hbm>>
    tpu.wait_dma2 semaphore(%arg10 : memref<!tpu.dma_semaphore, #tpu.memory_space<semaphore_mem>>) src(%dma_wait3A_125 : memref<32768xf32, #tpu.memory_space<hbm>>) dst(%arg5 : memref<32768xf32, #tpu.memory_space<vmem>>)
    %iota3A_126 = tpu.iota {dimensions = array<i32: 0>} : vector<16xi32>
    %broadcast_in_dim3A_127 = arith.constant 1 : i32
    %broadcast_in_dim3A_128 = vector.broadcast %broadcast_in_dim3A_127 : i32 to vector<16xi32>
    %scan3A_129 = arith.constant 0 : i32
    %scan3A_130 = arith.constant 0 : i32
    %scan3A_131 = arith.constant 256 : i32
    %scan3A_132 = arith.addi %scan3A_130, %scan3A_131 : i32
    %scan3A_133 = arith.constant 4 : i32
    %scan3A_134 = scf.for %scan3A_243 = %scan3A_130 to %scan3A_132 step %scan3A_133 iter_args(%scan3A_244 = %scan3A_129) -> (i32)  : i32 {
      %broadcast_in_dim3A_245 = arith.constant 0 : i32
      %broadcast_in_dim3A_246 = vector.broadcast %broadcast_in_dim3A_245 : i32 to vector<16xi32>
      %mul3A_247 = arith.constant 16 : i32
      %mul3A_248 = arith.muli %scan3A_243, %mul3A_247 : i32
      %swap3A = arith.index_cast %mul3A_248 : i32 to index
      %swap3A_249 = tpu.vector_load %arg6[%swap3A] {strides = array<i32>} : memref<4096xi32, #tpu.memory_space<vmem>>, vector<16xi32>,
      tpu.vector_store %arg6[%swap3A], %broadcast_in_dim3A_246 {strides = array<i32>} : memref<4096xi32, #tpu.memory_space<vmem>>, vector<16xi32>,
      %scan3A_250 = arith.constant 0 : i32
      %scan3A_251 = arith.constant 1 : i32
      %scan3A_252 = arith.addi %scan3A_243, %scan3A_251 : i32
      %broadcast_in_dim3A_253 = arith.constant 0 : i32
      %broadcast_in_dim3A_254 = vector.broadcast %broadcast_in_dim3A_253 : i32 to vector<16xi32>
      %mul3A_255 = arith.constant 16 : i32
      %mul3A_256 = arith.muli %scan3A_252, %mul3A_255 : i32
      %swap3A_257 = arith.index_cast %mul3A_256 : i32 to index
      %swap3A_258 = tpu.vector_load %arg6[%swap3A_257] {strides = array<i32>} : memref<4096xi32, #tpu.memory_space<vmem>>, vector<16xi32>,
      tpu.vector_store %arg6[%swap3A_257], %broadcast_in_dim3A_254 {strides = array<i32>} : memref<4096xi32, #tpu.memory_space<vmem>>, vector<16xi32>,
      %scan3A_259 = arith.constant 0 : i32
      %scan3A_260 = arith.constant 2 : i32
      %scan3A_261 = arith.addi %scan3A_243, %scan3A_260 : i32
      %broadcast_in_dim3A_262 = arith.constant 0 : i32
      %broadcast_in_dim3A_263 = vector.broadcast %broadcast_in_dim3A_262 : i32 to vector<16xi32>
      %mul3A_264 = arith.constant 16 : i32
      %mul3A_265 = arith.muli %scan3A_261, %mul3A_264 : i32
      %swap3A_266 = arith.index_cast %mul3A_265 : i32 to index
      %swap3A_267 = tpu.vector_load %arg6[%swap3A_266] {strides = array<i32>} : memref<4096xi32, #tpu.memory_space<vmem>>, vector<16xi32>,
      tpu.vector_store %arg6[%swap3A_266], %broadcast_in_dim3A_263 {strides = array<i32>} : memref<4096xi32, #tpu.memory_space<vmem>>, vector<16xi32>,
      %scan3A_268 = arith.constant 0 : i32
      %scan3A_269 = arith.constant 3 : i32
      %scan3A_270 = arith.addi %scan3A_243, %scan3A_269 : i32
      %broadcast_in_dim3A_271 = arith.constant 0 : i32
      %broadcast_in_dim3A_272 = vector.broadcast %broadcast_in_dim3A_271 : i32 to vector<16xi32>
      %mul3A_273 = arith.constant 16 : i32
      %mul3A_274 = arith.muli %scan3A_270, %mul3A_273 : i32
      %swap3A_275 = arith.index_cast %mul3A_274 : i32 to index
      %swap3A_276 = tpu.vector_load %arg6[%swap3A_275] {strides = array<i32>} : memref<4096xi32, #tpu.memory_space<vmem>>, vector<16xi32>,
      tpu.vector_store %arg6[%swap3A_275], %broadcast_in_dim3A_272 {strides = array<i32>} : memref<4096xi32, #tpu.memory_space<vmem>>, vector<16xi32>,
      %scan3A_277 = arith.constant 0 : i32
      scf.yield %scan3A_277 : i32
    }
    %scan3A_135 = arith.constant 256 : i32
    %scan3A_136 = arith.constant 0 : i32
    %scan3A_137 = arith.constant 0 : i32
    %scan3A_138 = arith.constant 2048 : i32
    %scan3A_139 = arith.addi %scan3A_137, %scan3A_138 : i32
    %scan3A_140 = arith.constant 4 : i32
    %scan3A_141 = scf.for %scan3A_243 = %scan3A_137 to %scan3A_139 step %scan3A_140 iter_args(%scan3A_244 = %scan3A_136) -> (i32)  : i32 {
      %mul3A_245 = arith.constant 16 : i32
      %mul3A_246 = arith.muli %scan3A_243, %mul3A_245 : i32
      %get3A = arith.index_cast %mul3A_246 : i32 to index
      %get3A_247 = tpu.vector_load %arg5[%get3A] {strides = array<i32>} : memref<32768xf32, #tpu.memory_space<vmem>>, vector<16xf32>,
      %bitcast3A = vector.bitcast %get3A_247 : vector<16xf32> to vector<16xi32>
      %and3A_248 = arith.constant 2147483647 : i32
      %and3A_249 = vector.broadcast %and3A_248 : i32 to vector<16xi32>
      %and3A_250 = arith.andi %bitcast3A, %and3A_249 : vector<16xi32>
      %shift_right_logical3A = arith.constant 19 : i32
      %shift_right_logical3A_251 = vector.broadcast %shift_right_logical3A : i32 to vector<16xi32>
      %shift_right_logical3A_252 = arith.shrui %and3A_250, %shift_right_logical3A_251 : vector<16xi32>
      tpu.vector_store_idx %arg6[%shift_right_logical3A_252], %broadcast_in_dim3A_128 {add = true} : memref<4096xi32, #tpu.memory_space<vmem>>[vector<16xi32>], vector<16xi32>,
      %scan3A_253 = arith.constant 0 : i32
      %scan3A_254 = arith.constant 1 : i32
      %scan3A_255 = arith.addi %scan3A_243, %scan3A_254 : i32
      %mul3A_256 = arith.constant 16 : i32
      %mul3A_257 = arith.muli %scan3A_255, %mul3A_256 : i32
      %get3A_258 = arith.index_cast %mul3A_257 : i32 to index
      %get3A_259 = tpu.vector_load %arg5[%get3A_258] {strides = array<i32>} : memref<32768xf32, #tpu.memory_space<vmem>>, vector<16xf32>,
      %bitcast3A_260 = vector.bitcast %get3A_259 : vector<16xf32> to vector<16xi32>
      %and3A_261 = arith.constant 2147483647 : i32
      %and3A_262 = vector.broadcast %and3A_261 : i32 to vector<16xi32>
      %and3A_263 = arith.andi %bitcast3A_260, %and3A_262 : vector<16xi32>
      %shift_right_logical3A_264 = arith.constant 19 : i32
      %shift_right_logical3A_265 = vector.broadcast %shift_right_logical3A_264 : i32 to vector<16xi32>
      %shift_right_logical3A_266 = arith.shrui %and3A_263, %shift_right_logical3A_265 : vector<16xi32>
      tpu.vector_store_idx %arg6[%shift_right_logical3A_266], %broadcast_in_dim3A_128 {add = true} : memref<4096xi32, #tpu.memory_space<vmem>>[vector<16xi32>], vector<16xi32>,
      %scan3A_267 = arith.constant 0 : i32
      %scan3A_268 = arith.constant 2 : i32
      %scan3A_269 = arith.addi %scan3A_243, %scan3A_268 : i32
      %mul3A_270 = arith.constant 16 : i32
      %mul3A_271 = arith.muli %scan3A_269, %mul3A_270 : i32
      %get3A_272 = arith.index_cast %mul3A_271 : i32 to index
      %get3A_273 = tpu.vector_load %arg5[%get3A_272] {strides = array<i32>} : memref<32768xf32, #tpu.memory_space<vmem>>, vector<16xf32>,
      %bitcast3A_274 = vector.bitcast %get3A_273 : vector<16xf32> to vector<16xi32>
      %and3A_275 = arith.constant 2147483647 : i32
      %and3A_276 = vector.broadcast %and3A_275 : i32 to vector<16xi32>
      %and3A_277 = arith.andi %bitcast3A_274, %and3A_276 : vector<16xi32>
      %shift_right_logical3A_278 = arith.constant 19 : i32
      %shift_right_logical3A_279 = vector.broadcast %shift_right_logical3A_278 : i32 to vector<16xi32>
      %shift_right_logical3A_280 = arith.shrui %and3A_277, %shift_right_logical3A_279 : vector<16xi32>
      tpu.vector_store_idx %arg6[%shift_right_logical3A_280], %broadcast_in_dim3A_128 {add = true} : memref<4096xi32, #tpu.memory_space<vmem>>[vector<16xi32>], vector<16xi32>,
      %scan3A_281 = arith.constant 0 : i32
      %scan3A_282 = arith.constant 3 : i32
      %scan3A_283 = arith.addi %scan3A_243, %scan3A_282 : i32
      %mul3A_284 = arith.constant 16 : i32
      %mul3A_285 = arith.muli %scan3A_283, %mul3A_284 : i32
      %get3A_286 = arith.index_cast %mul3A_285 : i32 to index
      %get3A_287 = tpu.vector_load %arg5[%get3A_286] {strides = array<i32>} : memref<32768xf32, #tpu.memory_space<vmem>>, vector<16xf32>,
      %bitcast3A_288 = vector.bitcast %get3A_287 : vector<16xf32> to vector<16xi32>
      %and3A_289 = arith.constant 2147483647 : i32
      %and3A_290 = vector.broadcast %and3A_289 : i32 to vector<16xi32>
      %and3A_291 = arith.andi %bitcast3A_288, %and3A_290 : vector<16xi32>
      %shift_right_logical3A_292 = arith.constant 19 : i32
      %shift_right_logical3A_293 = vector.broadcast %shift_right_logical3A_292 : i32 to vector<16xi32>
      %shift_right_logical3A_294 = arith.shrui %and3A_291, %shift_right_logical3A_293 : vector<16xi32>
      tpu.vector_store_idx %arg6[%shift_right_logical3A_294], %broadcast_in_dim3A_128 {add = true} : memref<4096xi32, #tpu.memory_space<vmem>>[vector<16xi32>], vector<16xi32>,
      %scan3A_295 = arith.constant 0 : i32
      scf.yield %scan3A_295 : i32
    }
    %scan3A_142 = arith.constant 2048 : i32
    %scan3A_143 = arith.constant 0 : i32
    %scan3A_144 = arith.constant -1 : i32
    %scan3A_145 = arith.constant -1 : i32
    %scan3A_146 = arith.constant 0 : i32
    %scan3A_147 = arith.constant 256 : i32
    %scan3A_148 = arith.addi %scan3A_146, %scan3A_147 : i32
    %scan3A_149 = arith.constant 1 : i32
    %scan3A_150:3 = scf.for %scan3A_243 = %scan3A_146 to %scan3A_148 step %scan3A_149 iter_args(%scan3A_244 = %scan3A_143, %scan3A_245 = %scan3A_144, %scan3A_246 = %scan3A_145) -> (i32, i32, i32)  : i32 {
      %sub3A_247 = arith.constant 255 : i32
      %sub3A_248 = arith.subi %sub3A_247, %scan3A_243 : i32
      %mul3A_249 = arith.constant 16 : i32
      %mul3A_250 = arith.muli %sub3A_248, %mul3A_249 : i32
      %get3A = arith.index_cast %mul3A_250 : i32 to index
      %get3A_251 = tpu.vector_load %arg6[%get3A] {strides = array<i32>} : memref<4096xi32, #tpu.memory_space<vmem>>, vector<16xi32>,
      %rev3A = arith.constant 15 : i32
      %rev3A_252 = vector.broadcast %rev3A : i32 to vector<16xi32>
      %rev3A_253 = tpu.iota {dimensions = array<i32: 0>} : vector<16xi32>
      %rev3A_254 = arith.subi %rev3A_252, %rev3A_253 : vector<16xi32>
      %rev3A_255 = tpu.dynamic_gather %get3A_251[%rev3A_254] in [0] : vector<16xi32>, vector<16xi32> -> vector<16xi32>
      %broadcast_in_dim3A_256 = arith.constant true
      %broadcast_in_dim3A_257 = vector.broadcast %broadcast_in_dim3A_256 : i1 to vector<16xi1>
      %masked_cumsum3A = tpu.scan <sum>, %rev3A_255 masked %broadcast_in_dim3A_257 : vector<16xi32>, vector<16xi1> -> vector<16xi32>
      %rev3A_258 = arith.constant 15 : i32
      %rev3A_259 = vector.broadcast %rev3A_258 : i32 to vector<16xi32>
      %rev3A_260 = tpu.iota {dimensions = array<i32: 0>} : vector<16xi32>
      %rev3A_261 = arith.subi %rev3A_259, %rev3A_260 : vector<16xi32>
      %rev3A_262 = tpu.dynamic_gather %masked_cumsum3A[%rev3A_261] in [0] : vector<16xi32>, vector<16xi32> -> vector<16xi32>
      %add3A_263 = vector.broadcast %scan3A_244 : i32 to vector<16xi32>
      %add3A_264 = arith.addi %rev3A_262, %add3A_263 : vector<16xi32>
      %ge3A = arith.constant 1024 : i32
      %ge3A_265 = vector.broadcast %ge3A : i32 to vector<16xi32>
      %ge3A_266 = arith.cmpi sge, %add3A_264, %ge3A_265 : vector<16xi32>
      %mul3A_267 = arith.constant 16 : i32
      %mul3A_268 = arith.muli %sub3A_248, %mul3A_267 : i32
      %add3A_269 = vector.broadcast %mul3A_268 : i32 to vector<16xi32>
      %add3A_270 = arith.addi %iota3A_126, %add3A_269 : vector<16xi32>
      %jit3A_271 = arith.constant -1 : i32
      %broadcast_in_dim3A_272 = vector.broadcast %jit3A_271 : i32 to vector<16xi32>
      %select_n3A_273 = arith.select %ge3A_266, %add3A_270, %broadcast_in_dim3A_272 : vector<16xi1>, vector<16xi32>
      %reduce_max3A = arith.constant true
      %reduce_max3A_274 = vector.broadcast %reduce_max3A : i1 to vector<16xi1>
      %reduce_max3A_275 = arith.constant -2147483648 : i32
      %reduce_max3A_276 = vector.broadcast %reduce_max3A_275 : i32 to vector<16xi32>
      %reduce_max3A_277 = arith.xori %select_n3A_273, %reduce_max3A_276 : vector<16xi32>
      %reduce_max3A_278 = tpu.scan <max>, %reduce_max3A_277 masked %reduce_max3A_274 : vector<16xi32>, vector<16xi1> -> vector<16xi32>
      %reduce_max3A_279 = arith.xori %reduce_max3A_278, %reduce_max3A_276 : vector<16xi32>
      %reduce_max3A_280 = vector.extract %reduce_max3A_279[15] : i32 from vector<16xi32>
      %max3A_281 = arith.maxsi %scan3A_245, %reduce_max3A_280 : i32
      %jit3A_282 = arith.constant -1 : i32
      %broadcast_in_dim3A_283 = vector.broadcast %jit3A_282 : i32 to vector<16xi32>
      %select_n3A_284 = arith.select %ge3A_266, %broadcast_in_dim3A_283, %add3A_264 : vector<16xi1>, vector<16xi32>
      %reduce_max3A_285 = arith.constant true
      %reduce_max3A_286 = vector.broadcast %reduce_max3A_285 : i1 to vector<16xi1>
      %reduce_max3A_287 = arith.constant -2147483648 : i32
      %reduce_max3A_288 = vector.broadcast %reduce_max3A_287 : i32 to vector<16xi32>
      %reduce_max3A_289 = arith.xori %select_n3A_284, %reduce_max3A_288 : vector<16xi32>
      %reduce_max3A_290 = tpu.scan <max>, %reduce_max3A_289 masked %reduce_max3A_286 : vector<16xi32>, vector<16xi1> -> vector<16xi32>
      %reduce_max3A_291 = arith.xori %reduce_max3A_290, %reduce_max3A_288 : vector<16xi32>
      %reduce_max3A_292 = vector.extract %reduce_max3A_291[15] : i32 from vector<16xi32>
      %max3A_293 = arith.maxsi %scan3A_246, %reduce_max3A_292 : i32
      %reduce_sum3A = arith.constant true
      %reduce_sum3A_294 = vector.broadcast %reduce_sum3A : i1 to vector<16xi1>
      %reduce_sum3A_295 = tpu.scan <sum>, %get3A_251 masked %reduce_sum3A_294 : vector<16xi32>, vector<16xi1> -> vector<16xi32>
      %reduce_sum3A_296 = vector.extract %reduce_sum3A_295[15] : i32 from vector<16xi32>
      %add3A_297 = arith.addi %scan3A_244, %reduce_sum3A_296 : i32
      scf.yield %add3A_297, %max3A_281, %max3A_293 : i32, i32, i32
    }
    %scan3A_151 = arith.constant 256 : i32
    %max3A_152 = arith.constant 0 : i32
    %max3A_153 = arith.maxsi %scan3A_150#2, %max3A_152 : i32
    %sub3A_154 = arith.constant 1024 : i32
    %sub3A_155 = arith.subi %sub3A_154, %max3A_153 : i32
    %scan3A_156 = arith.constant 0 : i32
    %scan3A_157 = arith.constant 0 : i32
    %scan3A_158 = arith.constant 2048 : i32
    %scan3A_159 = arith.addi %scan3A_157, %scan3A_158 : i32
    %scan3A_160 = arith.constant 2 : i32
    %scan3A_161 = scf.for %scan3A_243 = %scan3A_157 to %scan3A_159 step %scan3A_160 iter_args(%scan3A_244 = %scan3A_156) -> (i32)  : i32 {
      %mul3A_245 = arith.constant 16 : i32
      %mul3A_246 = arith.muli %scan3A_243, %mul3A_245 : i32
      %get3A = arith.index_cast %mul3A_246 : i32 to index
      %get3A_247 = tpu.vector_load %arg5[%get3A] {strides = array<i32>} : memref<32768xf32, #tpu.memory_space<vmem>>, vector<16xf32>,
      %bitcast3A = vector.bitcast %get3A_247 : vector<16xf32> to vector<16xi32>
      %and3A_248 = arith.constant 2147483647 : i32
      %and3A_249 = vector.broadcast %and3A_248 : i32 to vector<16xi32>
      %and3A_250 = arith.andi %bitcast3A, %and3A_249 : vector<16xi32>
      %shift_right_logical3A = arith.constant 19 : i32
      %shift_right_logical3A_251 = vector.broadcast %shift_right_logical3A : i32 to vector<16xi32>
      %shift_right_logical3A_252 = arith.shrui %and3A_250, %shift_right_logical3A_251 : vector<16xi32>
      %eq3A = vector.broadcast %scan3A_150#1 : i32 to vector<16xi32>
      %eq3A_253 = arith.cmpi eq, %shift_right_logical3A_252, %eq3A : vector<16xi32>
      %gt3A_254 = vector.broadcast %scan3A_150#1 : i32 to vector<16xi32>
      %gt3A_255 = arith.cmpi sgt, %shift_right_logical3A_252, %gt3A_254 : vector<16xi32>
      %jit3A_256 = arith.constant 0.000000e+00 : f32
      %broadcast_in_dim3A_257 = vector.broadcast %jit3A_256 : f32 to vector<16xf32>
      %select_n3A_258 = arith.select %gt3A_255, %get3A_247, %broadcast_in_dim3A_257 : vector<16xi1>, vector<16xf32>
      %mul3A_259 = arith.constant 16 : i32
      %mul3A_260 = arith.muli %scan3A_243, %mul3A_259 : i32
      %swap3A = arith.index_cast %mul3A_260 : i32 to index
      %swap3A_261 = tpu.vector_load %arg5[%swap3A] {strides = array<i32>} : memref<32768xf32, #tpu.memory_space<vmem>>, vector<16xf32>,
      tpu.vector_store %arg5[%swap3A], %select_n3A_258 {strides = array<i32>} : memref<32768xf32, #tpu.memory_space<vmem>>, vector<16xf32>,
      %min3A_262 = arith.constant 4080 : i32
      %min3A_263 = arith.minsi %scan3A_244, %min3A_262 : i32
      %swap3A_264 = arith.index_cast %min3A_263 : i32 to index
      %swap3A_265 = tpu.vector_load %arg7[%swap3A_264] masked %eq3A_253 {strides = array<i32>} : memref<4096xf32, #tpu.memory_space<vmem>>, vector<16xf32>, vector<16xi1>
      tpu.vector_store %arg7[%swap3A_264], %get3A_247 masked %eq3A_253 {strides = array<i32>} : memref<4096xf32, #tpu.memory_space<vmem>>, vector<16xf32>, vector<16xi1>
      %mul3A_266 = arith.constant 16 : i32
      %mul3A_267 = arith.muli %scan3A_243, %mul3A_266 : i32
      %add3A_268 = vector.broadcast %mul3A_267 : i32 to vector<16xi32>
      %add3A_269 = arith.addi %iota3A_126, %add3A_268 : vector<16xi32>
      %swap3A_270 = arith.index_cast %min3A_263 : i32 to index
      %swap3A_271 = tpu.vector_load %arg8[%swap3A_270] masked %eq3A_253 {strides = array<i32>} : memref<4096xi32, #tpu.memory_space<vmem>>, vector<16xi32>, vector<16xi1>
      tpu.vector_store %arg8[%swap3A_270], %add3A_269 masked %eq3A_253 {strides = array<i32>} : memref<4096xi32, #tpu.memory_space<vmem>>, vector<16xi32>, vector<16xi1>
      %convert_element_type3A = arith.extui %eq3A_253 : vector<16xi1> to vector<16xi32>
      %reduce_sum3A = arith.constant true
      %reduce_sum3A_272 = vector.broadcast %reduce_sum3A : i1 to vector<16xi1>
      %reduce_sum3A_273 = tpu.scan <sum>, %convert_element_type3A masked %reduce_sum3A_272 : vector<16xi32>, vector<16xi1> -> vector<16xi32>
      %reduce_sum3A_274 = vector.extract %reduce_sum3A_273[15] : i32 from vector<16xi32>
      %add3A_275 = arith.addi %scan3A_244, %reduce_sum3A_274 : i32
      %scan3A_276 = arith.constant 1 : i32
      %scan3A_277 = arith.addi %scan3A_243, %scan3A_276 : i32
      %mul3A_278 = arith.constant 16 : i32
      %mul3A_279 = arith.muli %scan3A_277, %mul3A_278 : i32
      %get3A_280 = arith.index_cast %mul3A_279 : i32 to index
      %get3A_281 = tpu.vector_load %arg5[%get3A_280] {strides = array<i32>} : memref<32768xf32, #tpu.memory_space<vmem>>, vector<16xf32>,
      %bitcast3A_282 = vector.bitcast %get3A_281 : vector<16xf32> to vector<16xi32>
      %and3A_283 = arith.constant 2147483647 : i32
      %and3A_284 = vector.broadcast %and3A_283 : i32 to vector<16xi32>
      %and3A_285 = arith.andi %bitcast3A_282, %and3A_284 : vector<16xi32>
      %shift_right_logical3A_286 = arith.constant 19 : i32
      %shift_right_logical3A_287 = vector.broadcast %shift_right_logical3A_286 : i32 to vector<16xi32>
      %shift_right_logical3A_288 = arith.shrui %and3A_285, %shift_right_logical3A_287 : vector<16xi32>
      %eq3A_289 = vector.broadcast %scan3A_150#1 : i32 to vector<16xi32>
      %eq3A_290 = arith.cmpi eq, %shift_right_logical3A_288, %eq3A_289 : vector<16xi32>
      %gt3A_291 = vector.broadcast %scan3A_150#1 : i32 to vector<16xi32>
      %gt3A_292 = arith.cmpi sgt, %shift_right_logical3A_288, %gt3A_291 : vector<16xi32>
      %jit3A_293 = arith.constant 0.000000e+00 : f32
      %broadcast_in_dim3A_294 = vector.broadcast %jit3A_293 : f32 to vector<16xf32>
      %select_n3A_295 = arith.select %gt3A_292, %get3A_281, %broadcast_in_dim3A_294 : vector<16xi1>, vector<16xf32>
      %mul3A_296 = arith.constant 16 : i32
      %mul3A_297 = arith.muli %scan3A_277, %mul3A_296 : i32
      %swap3A_298 = arith.index_cast %mul3A_297 : i32 to index
      %swap3A_299 = tpu.vector_load %arg5[%swap3A_298] {strides = array<i32>} : memref<32768xf32, #tpu.memory_space<vmem>>, vector<16xf32>,
      tpu.vector_store %arg5[%swap3A_298], %select_n3A_295 {strides = array<i32>} : memref<32768xf32, #tpu.memory_space<vmem>>, vector<16xf32>,
      %min3A_300 = arith.constant 4080 : i32
      %min3A_301 = arith.minsi %add3A_275, %min3A_300 : i32
      %swap3A_302 = arith.index_cast %min3A_301 : i32 to index
      %swap3A_303 = tpu.vector_load %arg7[%swap3A_302] masked %eq3A_290 {strides = array<i32>} : memref<4096xf32, #tpu.memory_space<vmem>>, vector<16xf32>, vector<16xi1>
      tpu.vector_store %arg7[%swap3A_302], %get3A_281 masked %eq3A_290 {strides = array<i32>} : memref<4096xf32, #tpu.memory_space<vmem>>, vector<16xf32>, vector<16xi1>
      %mul3A_304 = arith.constant 16 : i32
      %mul3A_305 = arith.muli %scan3A_277, %mul3A_304 : i32
      %add3A_306 = vector.broadcast %mul3A_305 : i32 to vector<16xi32>
      %add3A_307 = arith.addi %iota3A_126, %add3A_306 : vector<16xi32>
      %swap3A_308 = arith.index_cast %min3A_301 : i32 to index
      %swap3A_309 = tpu.vector_load %arg8[%swap3A_308] masked %eq3A_290 {strides = array<i32>} : memref<4096xi32, #tpu.memory_space<vmem>>, vector<16xi32>, vector<16xi1>
      tpu.vector_store %arg8[%swap3A_308], %add3A_307 masked %eq3A_290 {strides = array<i32>} : memref<4096xi32, #tpu.memory_space<vmem>>, vector<16xi32>, vector<16xi1>
      %convert_element_type3A_310 = arith.extui %eq3A_290 : vector<16xi1> to vector<16xi32>
      %reduce_sum3A_311 = arith.constant true
      %reduce_sum3A_312 = vector.broadcast %reduce_sum3A_311 : i1 to vector<16xi1>
      %reduce_sum3A_313 = tpu.scan <sum>, %convert_element_type3A_310 masked %reduce_sum3A_312 : vector<16xi32>, vector<16xi1> -> vector<16xi32>
      %reduce_sum3A_314 = vector.extract %reduce_sum3A_313[15] : i32 from vector<16xi32>
      %add3A_315 = arith.addi %add3A_275, %reduce_sum3A_314 : i32
      scf.yield %add3A_315 : i32
    }
    %scan3A_162 = arith.constant 2048 : i32
    %min3A_163 = arith.constant 4096 : i32
    %min3A_164 = arith.minsi %scan3A_161, %min3A_163 : i32
    %add3A_165 = arith.constant 16 : i32
    %add3A_166 = arith.addi %min3A_164, %add3A_165 : i32
    %sub3A_167 = arith.constant 1 : i32
    %sub3A_168 = arith.subi %add3A_166, %sub3A_167 : i32
    %jit3A_169 = arith.constant 16 : i32
    %div3A_170 = arith.divsi %sub3A_168, %jit3A_169 : i32
    %sign3A_171 = arith.constant 0 : i32
    %sign3A_172 = arith.cmpi sgt, %sub3A_168, %sign3A_171 : i32
    %sign3A_173 = arith.extui %sign3A_172 : i1 to i32
    %sign3A_174 = arith.constant 0 : i32
    %sign3A_175 = arith.cmpi slt, %sub3A_168, %sign3A_174 : i32
    %sign3A_176 = arith.extui %sign3A_175 : i1 to i32
    %sign3A_177 = arith.subi %sign3A_173, %sign3A_176 : i32
    %sign3A_178 = arith.constant 0 : i32
    %sign3A_179 = arith.cmpi sgt, %jit3A_169, %sign3A_178 : i32
    %sign3A_180 = arith.extui %sign3A_179 : i1 to i32
    %sign3A_181 = arith.constant 0 : i32
    %sign3A_182 = arith.cmpi slt, %jit3A_169, %sign3A_181 : i32
    %sign3A_183 = arith.extui %sign3A_182 : i1 to i32
    %sign3A_184 = arith.subi %sign3A_180, %sign3A_183 : i32
    %ne3A_185 = arith.cmpi ne, %sign3A_177, %sign3A_184 : i32
    %rem3A_186 = arith.remsi %sub3A_168, %jit3A_169 : i32
    %ne3A_187 = arith.constant 0 : i32
    %ne3A_188 = arith.cmpi ne, %rem3A_186, %ne3A_187 : i32
    %and3A_189 = arith.andi %ne3A_185, %ne3A_188 : i1
    %sub3A_190 = arith.constant 1 : i32
    %sub3A_191 = arith.subi %div3A_170, %sub3A_190 : i32
    %select_n3A_192 = arith.select %and3A_189, %sub3A_191, %div3A_170 : i32
    %shift_left3A_193 = arith.constant 19 : i32
    %shift_left3A_194 = arith.shli %scan3A_150#1, %shift_left3A_193 : i32
    %scan3A_195 = arith.constant 0 : i32
    %scan3A_196 = arith.constant 19 : i32
    %scan3A_197 = arith.addi %scan3A_195, %scan3A_196 : i32
    %scan3A_198 = arith.constant 1 : i32
    %scan3A_199 = scf.for %scan3A_243 = %scan3A_195 to %scan3A_197 step %scan3A_198 iter_args(%scan3A_244 = %shift_left3A_194) -> (i32)  : i32 {
      %sub3A_245 = arith.constant 18 : i32
      %sub3A_246 = arith.subi %sub3A_245, %scan3A_243 : i32
      %shift_left3A_247 = arith.constant 1 : i32
      %shift_left3A_248 = arith.shli %shift_left3A_247, %sub3A_246 : i32
      %or3A = arith.ori %scan3A_244, %shift_left3A_248 : i32
      %while3A_249 = arith.constant 0 : i32
      %while3A_250 = arith.constant 0 : i32
      %while3A_251 = arith.subi %select_n3A_192, %while3A_249 : i32
      %while3A_252 = arith.addi %while3A_249, %while3A_251 : i32
      %while3A_253 = arith.constant 1 : i32
      %while3A_254 = arith.divsi %while3A_251, %while3A_253 : i32
      %while3A_255 = arith.muli %while3A_254, %while3A_253 : i32
      %while3A_256 = arith.addi %while3A_249, %while3A_255 : i32
      %while3A_257 = arith.constant 1 : i32
      %while3A_258 = scf.for %while3A_262 = %while3A_249 to %while3A_256 step %while3A_257 iter_args(%while3A_263 = %while3A_250) -> (i32)  : i32 {
        %mul3A_264 = arith.constant 16 : i32
        %mul3A_265 = arith.muli %while3A_262, %mul3A_264 : i32
        %get3A = arith.index_cast %mul3A_265 : i32 to index
        %get3A_266 = tpu.vector_load %arg7[%get3A] {strides = array<i32>} : memref<4096xf32, #tpu.memory_space<vmem>>, vector<16xf32>,
        %bitcast3A = vector.bitcast %get3A_266 : vector<16xf32> to vector<16xi32>
        %and3A_267 = arith.constant 2147483647 : i32
        %and3A_268 = vector.broadcast %and3A_267 : i32 to vector<16xi32>
        %and3A_269 = arith.andi %bitcast3A, %and3A_268 : vector<16xi32>
        %mul3A_270 = arith.constant 16 : i32
        %mul3A_271 = arith.muli %while3A_262, %mul3A_270 : i32
        %add3A_272 = vector.broadcast %mul3A_271 : i32 to vector<16xi32>
        %add3A_273 = arith.addi %iota3A_126, %add3A_272 : vector<16xi32>
        %lt3A = vector.broadcast %min3A_164 : i32 to vector<16xi32>
        %lt3A_274 = arith.cmpi slt, %add3A_273, %lt3A : vector<16xi32>
        %ge3A_275 = vector.broadcast %or3A : i32 to vector<16xi32>
        %ge3A_276 = arith.cmpi sge, %and3A_269, %ge3A_275 : vector<16xi32>
        %and3A_277 = arith.andi %lt3A_274, %ge3A_276 : vector<16xi1>
        %convert_element_type3A = arith.extui %and3A_277 : vector<16xi1> to vector<16xi32>
        %reduce_sum3A = arith.constant true
        %reduce_sum3A_278 = vector.broadcast %reduce_sum3A : i1 to vector<16xi1>
        %reduce_sum3A_279 = tpu.scan <sum>, %convert_element_type3A masked %reduce_sum3A_278 : vector<16xi32>, vector<16xi1> -> vector<16xi32>
        %reduce_sum3A_280 = vector.extract %reduce_sum3A_279[15] : i32 from vector<16xi32>
        %add3A_281 = arith.addi %while3A_263, %reduce_sum3A_280 : i32
        scf.yield %add3A_281 : i32
      }
      %while3A_259 = arith.constant 1 : i32
      %while3A_260 = scf.for %while3A_262 = %while3A_256 to %while3A_252 step %while3A_259 iter_args(%while3A_263 = %while3A_258) -> (i32)  : i32 {
        %mul3A_264 = arith.constant 16 : i32
        %mul3A_265 = arith.muli %while3A_262, %mul3A_264 : i32
        %get3A = arith.index_cast %mul3A_265 : i32 to index
        %get3A_266 = tpu.vector_load %arg7[%get3A] {strides = array<i32>} : memref<4096xf32, #tpu.memory_space<vmem>>, vector<16xf32>,
        %bitcast3A = vector.bitcast %get3A_266 : vector<16xf32> to vector<16xi32>
        %and3A_267 = arith.constant 2147483647 : i32
        %and3A_268 = vector.broadcast %and3A_267 : i32 to vector<16xi32>
        %and3A_269 = arith.andi %bitcast3A, %and3A_268 : vector<16xi32>
        %mul3A_270 = arith.constant 16 : i32
        %mul3A_271 = arith.muli %while3A_262, %mul3A_270 : i32
        %add3A_272 = vector.broadcast %mul3A_271 : i32 to vector<16xi32>
        %add3A_273 = arith.addi %iota3A_126, %add3A_272 : vector<16xi32>
        %lt3A = vector.broadcast %min3A_164 : i32 to vector<16xi32>
        %lt3A_274 = arith.cmpi slt, %add3A_273, %lt3A : vector<16xi32>
        %ge3A_275 = vector.broadcast %or3A : i32 to vector<16xi32>
        %ge3A_276 = arith.cmpi sge, %and3A_269, %ge3A_275 : vector<16xi32>
        %and3A_277 = arith.andi %lt3A_274, %ge3A_276 : vector<16xi1>
        %convert_element_type3A = arith.extui %and3A_277 : vector<16xi1> to vector<16xi32>
        %reduce_sum3A = arith.constant true
        %reduce_sum3A_278 = vector.broadcast %reduce_sum3A : i1 to vector<16xi1>
        %reduce_sum3A_279 = tpu.scan <sum>, %convert_element_type3A masked %reduce_sum3A_278 : vector<16xi32>, vector<16xi1> -> vector<16xi32>
        %reduce_sum3A_280 = vector.extract %reduce_sum3A_279[15] : i32 from vector<16xi32>
        %add3A_281 = arith.addi %while3A_263, %reduce_sum3A_280 : i32
        scf.yield %add3A_281 : i32
      }
      %ge3A = arith.cmpi sge, %while3A_260, %sub3A_155 : i32
      %select_n3A_261 = arith.select %ge3A, %or3A, %scan3A_244 : i32
      scf.yield %select_n3A_261 : i32
    }
    %scan3A_200 = arith.constant 19 : i32
    %while3A_201 = arith.constant 0 : i32
    %while3A_202 = arith.constant 0 : i32
    %while3A_203 = arith.constant 0 : i32
    %while3A_204 = arith.subi %select_n3A_192, %while3A_201 : i32
    %while3A_205 = arith.addi %while3A_201, %while3A_204 : i32
    %while3A_206 = arith.constant 1 : i32
    %while3A_207 = arith.divsi %while3A_204, %while3A_206 : i32
    %while3A_208 = arith.muli %while3A_207, %while3A_206 : i32
    %while3A_209 = arith.addi %while3A_201, %while3A_208 : i32
    %while3A_210 = arith.constant 1 : i32
    %while3A_211:2 = scf.for %while3A_243 = %while3A_201 to %while3A_209 step %while3A_210 iter_args(%while3A_244 = %while3A_202, %while3A_245 = %while3A_203) -> (i32, i32)  : i32 {
      %mul3A_246 = arith.constant 16 : i32
      %mul3A_247 = arith.muli %while3A_243, %mul3A_246 : i32
      %get3A = arith.index_cast %mul3A_247 : i32 to index
      %get3A_248 = tpu.vector_load %arg7[%get3A] {strides = array<i32>} : memref<4096xf32, #tpu.memory_space<vmem>>, vector<16xf32>,
      %bitcast3A = vector.bitcast %get3A_248 : vector<16xf32> to vector<16xi32>
      %and3A_249 = arith.constant 2147483647 : i32
      %and3A_250 = vector.broadcast %and3A_249 : i32 to vector<16xi32>
      %and3A_251 = arith.andi %bitcast3A, %and3A_250 : vector<16xi32>
      %mul3A_252 = arith.constant 16 : i32
      %mul3A_253 = arith.muli %while3A_243, %mul3A_252 : i32
      %add3A_254 = vector.broadcast %mul3A_253 : i32 to vector<16xi32>
      %add3A_255 = arith.addi %iota3A_126, %add3A_254 : vector<16xi32>
      %lt3A = vector.broadcast %min3A_164 : i32 to vector<16xi32>
      %lt3A_256 = arith.cmpi slt, %add3A_255, %lt3A : vector<16xi32>
      %gt3A_257 = vector.broadcast %scan3A_199 : i32 to vector<16xi32>
      %gt3A_258 = arith.cmpi sgt, %and3A_251, %gt3A_257 : vector<16xi32>
      %and3A_259 = arith.andi %lt3A_256, %gt3A_258 : vector<16xi1>
      %convert_element_type3A = arith.extui %and3A_259 : vector<16xi1> to vector<16xi32>
      %reduce_sum3A = arith.constant true
      %reduce_sum3A_260 = vector.broadcast %reduce_sum3A : i1 to vector<16xi1>
      %reduce_sum3A_261 = tpu.scan <sum>, %convert_element_type3A masked %reduce_sum3A_260 : vector<16xi32>, vector<16xi1> -> vector<16xi32>
      %reduce_sum3A_262 = vector.extract %reduce_sum3A_261[15] : i32 from vector<16xi32>
      %add3A_263 = arith.addi %while3A_244, %reduce_sum3A_262 : i32
      %eq3A = vector.broadcast %scan3A_199 : i32 to vector<16xi32>
      %eq3A_264 = arith.cmpi eq, %and3A_251, %eq3A : vector<16xi32>
      %and3A_265 = arith.andi %lt3A_256, %eq3A_264 : vector<16xi1>
      %convert_element_type3A_266 = arith.extui %and3A_265 : vector<16xi1> to vector<16xi32>
      %reduce_sum3A_267 = arith.constant true
      %reduce_sum3A_268 = vector.broadcast %reduce_sum3A_267 : i1 to vector<16xi1>
      %reduce_sum3A_269 = tpu.scan <sum>, %convert_element_type3A_266 masked %reduce_sum3A_268 : vector<16xi32>, vector<16xi1> -> vector<16xi32>
      %reduce_sum3A_270 = vector.extract %reduce_sum3A_269[15] : i32 from vector<16xi32>
      %add3A_271 = arith.addi %while3A_245, %reduce_sum3A_270 : i32
      scf.yield %add3A_263, %add3A_271 : i32, i32
    }
    %while3A_212 = arith.constant 1 : i32
    %while3A_213:2 = scf.for %while3A_243 = %while3A_209 to %while3A_205 step %while3A_212 iter_args(%while3A_244 = %while3A_211#0, %while3A_245 = %while3A_211#1) -> (i32, i32)  : i32 {
      %mul3A_246 = arith.constant 16 : i32
      %mul3A_247 = arith.muli %while3A_243, %mul3A_246 : i32
      %get3A = arith.index_cast %mul3A_247 : i32 to index
      %get3A_248 = tpu.vector_load %arg7[%get3A] {strides = array<i32>} : memref<4096xf32, #tpu.memory_space<vmem>>, vector<16xf32>,
      %bitcast3A = vector.bitcast %get3A_248 : vector<16xf32> to vector<16xi32>
      %and3A_249 = arith.constant 2147483647 : i32
      %and3A_250 = vector.broadcast %and3A_249 : i32 to vector<16xi32>
      %and3A_251 = arith.andi %bitcast3A, %and3A_250 : vector<16xi32>
      %mul3A_252 = arith.constant 16 : i32
      %mul3A_253 = arith.muli %while3A_243, %mul3A_252 : i32
      %add3A_254 = vector.broadcast %mul3A_253 : i32 to vector<16xi32>
      %add3A_255 = arith.addi %iota3A_126, %add3A_254 : vector<16xi32>
      %lt3A = vector.broadcast %min3A_164 : i32 to vector<16xi32>
      %lt3A_256 = arith.cmpi slt, %add3A_255, %lt3A : vector<16xi32>
      %gt3A_257 = vector.broadcast %scan3A_199 : i32 to vector<16xi32>
      %gt3A_258 = arith.cmpi sgt, %and3A_251, %gt3A_257 : vector<16xi32>
      %and3A_259 = arith.andi %lt3A_256, %gt3A_258 : vector<16xi1>
      %convert_element_type3A = arith.extui %and3A_259 : vector<16xi1> to vector<16xi32>
      %reduce_sum3A = arith.constant true
      %reduce_sum3A_260 = vector.broadcast %reduce_sum3A : i1 to vector<16xi1>
      %reduce_sum3A_261 = tpu.scan <sum>, %convert_element_type3A masked %reduce_sum3A_260 : vector<16xi32>, vector<16xi1> -> vector<16xi32>
      %reduce_sum3A_262 = vector.extract %reduce_sum3A_261[15] : i32 from vector<16xi32>
      %add3A_263 = arith.addi %while3A_244, %reduce_sum3A_262 : i32
      %eq3A = vector.broadcast %scan3A_199 : i32 to vector<16xi32>
      %eq3A_264 = arith.cmpi eq, %and3A_251, %eq3A : vector<16xi32>
      %and3A_265 = arith.andi %lt3A_256, %eq3A_264 : vector<16xi1>
      %convert_element_type3A_266 = arith.extui %and3A_265 : vector<16xi1> to vector<16xi32>
      %reduce_sum3A_267 = arith.constant true
      %reduce_sum3A_268 = vector.broadcast %reduce_sum3A_267 : i1 to vector<16xi1>
      %reduce_sum3A_269 = tpu.scan <sum>, %convert_element_type3A_266 masked %reduce_sum3A_268 : vector<16xi32>, vector<16xi1> -> vector<16xi32>
      %reduce_sum3A_270 = vector.extract %reduce_sum3A_269[15] : i32 from vector<16xi32>
      %add3A_271 = arith.addi %while3A_245, %reduce_sum3A_270 : i32
      scf.yield %add3A_263, %add3A_271 : i32, i32
    }
    %sub3A_214 = arith.subi %sub3A_155, %while3A_213#0 : i32
    %scan3A_215 = arith.constant 0 : i32
    %scan3A_216 = arith.constant 0 : i32
    %scan3A_217 = arith.constant 15 : i32
    %scan3A_218 = arith.addi %scan3A_216, %scan3A_217 : i32
    %scan3A_219 = arith.constant 1 : i32
    %scan3A_220 = scf.for %scan3A_243 = %scan3A_216 to %scan3A_218 step %scan3A_219 iter_args(%scan3A_244 = %scan3A_215) -> (i32)  : i32 {
      %sub3A_245 = arith.constant 14 : i32
      %sub3A_246 = arith.subi %sub3A_245, %scan3A_243 : i32
      %shift_left3A_247 = arith.constant 1 : i32
      %shift_left3A_248 = arith.shli %shift_left3A_247, %sub3A_246 : i32
      %sub3A_249 = arith.constant 1 : i32
      %sub3A_250 = arith.subi %shift_left3A_248, %sub3A_249 : i32
      %add3A_251 = arith.addi %scan3A_244, %sub3A_250 : i32
      %while3A_252 = arith.constant 0 : i32
      %while3A_253 = arith.constant 0 : i32
      %while3A_254 = arith.subi %select_n3A_192, %while3A_252 : i32
      %while3A_255 = arith.addi %while3A_252, %while3A_254 : i32
      %while3A_256 = arith.constant 1 : i32
      %while3A_257 = arith.divsi %while3A_254, %while3A_256 : i32
      %while3A_258 = arith.muli %while3A_257, %while3A_256 : i32
      %while3A_259 = arith.addi %while3A_252, %while3A_258 : i32
      %while3A_260 = arith.constant 1 : i32
      %while3A_261 = scf.for %while3A_267 = %while3A_252 to %while3A_259 step %while3A_260 iter_args(%while3A_268 = %while3A_253) -> (i32)  : i32 {
        %mul3A_269 = arith.constant 16 : i32
        %mul3A_270 = arith.muli %while3A_267, %mul3A_269 : i32
        %get3A = arith.index_cast %mul3A_270 : i32 to index
        %get3A_271 = tpu.vector_load %arg7[%get3A] {strides = array<i32>} : memref<4096xf32, #tpu.memory_space<vmem>>, vector<16xf32>,
        %bitcast3A = vector.bitcast %get3A_271 : vector<16xf32> to vector<16xi32>
        %and3A_272 = arith.constant 2147483647 : i32
        %and3A_273 = vector.broadcast %and3A_272 : i32 to vector<16xi32>
        %and3A_274 = arith.andi %bitcast3A, %and3A_273 : vector<16xi32>
        %mul3A_275 = arith.constant 16 : i32
        %mul3A_276 = arith.muli %while3A_267, %mul3A_275 : i32
        %get3A_277 = arith.index_cast %mul3A_276 : i32 to index
        %get3A_278 = tpu.vector_load %arg8[%get3A_277] {strides = array<i32>} : memref<4096xi32, #tpu.memory_space<vmem>>, vector<16xi32>,
        %mul3A_279 = arith.constant 16 : i32
        %mul3A_280 = arith.muli %while3A_267, %mul3A_279 : i32
        %add3A_281 = vector.broadcast %mul3A_280 : i32 to vector<16xi32>
        %add3A_282 = arith.addi %iota3A_126, %add3A_281 : vector<16xi32>
        %lt3A_283 = vector.broadcast %min3A_164 : i32 to vector<16xi32>
        %lt3A_284 = arith.cmpi slt, %add3A_282, %lt3A_283 : vector<16xi32>
        %eq3A = vector.broadcast %scan3A_199 : i32 to vector<16xi32>
        %eq3A_285 = arith.cmpi eq, %and3A_274, %eq3A : vector<16xi32>
        %and3A_286 = arith.andi %lt3A_284, %eq3A_285 : vector<16xi1>
        %le3A = vector.broadcast %add3A_251 : i32 to vector<16xi32>
        %le3A_287 = arith.cmpi sle, %get3A_278, %le3A : vector<16xi32>
        %and3A_288 = arith.andi %and3A_286, %le3A_287 : vector<16xi1>
        %convert_element_type3A = arith.extui %and3A_288 : vector<16xi1> to vector<16xi32>
        %reduce_sum3A = arith.constant true
        %reduce_sum3A_289 = vector.broadcast %reduce_sum3A : i1 to vector<16xi1>
        %reduce_sum3A_290 = tpu.scan <sum>, %convert_element_type3A masked %reduce_sum3A_289 : vector<16xi32>, vector<16xi1> -> vector<16xi32>
        %reduce_sum3A_291 = vector.extract %reduce_sum3A_290[15] : i32 from vector<16xi32>
        %add3A_292 = arith.addi %while3A_268, %reduce_sum3A_291 : i32
        scf.yield %add3A_292 : i32
      }
      %while3A_262 = arith.constant 1 : i32
      %while3A_263 = scf.for %while3A_267 = %while3A_259 to %while3A_255 step %while3A_262 iter_args(%while3A_268 = %while3A_261) -> (i32)  : i32 {
        %mul3A_269 = arith.constant 16 : i32
        %mul3A_270 = arith.muli %while3A_267, %mul3A_269 : i32
        %get3A = arith.index_cast %mul3A_270 : i32 to index
        %get3A_271 = tpu.vector_load %arg7[%get3A] {strides = array<i32>} : memref<4096xf32, #tpu.memory_space<vmem>>, vector<16xf32>,
        %bitcast3A = vector.bitcast %get3A_271 : vector<16xf32> to vector<16xi32>
        %and3A_272 = arith.constant 2147483647 : i32
        %and3A_273 = vector.broadcast %and3A_272 : i32 to vector<16xi32>
        %and3A_274 = arith.andi %bitcast3A, %and3A_273 : vector<16xi32>
        %mul3A_275 = arith.constant 16 : i32
        %mul3A_276 = arith.muli %while3A_267, %mul3A_275 : i32
        %get3A_277 = arith.index_cast %mul3A_276 : i32 to index
        %get3A_278 = tpu.vector_load %arg8[%get3A_277] {strides = array<i32>} : memref<4096xi32, #tpu.memory_space<vmem>>, vector<16xi32>,
        %mul3A_279 = arith.constant 16 : i32
        %mul3A_280 = arith.muli %while3A_267, %mul3A_279 : i32
        %add3A_281 = vector.broadcast %mul3A_280 : i32 to vector<16xi32>
        %add3A_282 = arith.addi %iota3A_126, %add3A_281 : vector<16xi32>
        %lt3A_283 = vector.broadcast %min3A_164 : i32 to vector<16xi32>
        %lt3A_284 = arith.cmpi slt, %add3A_282, %lt3A_283 : vector<16xi32>
        %eq3A = vector.broadcast %scan3A_199 : i32 to vector<16xi32>
        %eq3A_285 = arith.cmpi eq, %and3A_274, %eq3A : vector<16xi32>
        %and3A_286 = arith.andi %lt3A_284, %eq3A_285 : vector<16xi1>
        %le3A = vector.broadcast %add3A_251 : i32 to vector<16xi32>
        %le3A_287 = arith.cmpi sle, %get3A_278, %le3A : vector<16xi32>
        %and3A_288 = arith.andi %and3A_286, %le3A_287 : vector<16xi1>
        %convert_element_type3A = arith.extui %and3A_288 : vector<16xi1> to vector<16xi32>
        %reduce_sum3A = arith.constant true
        %reduce_sum3A_289 = vector.broadcast %reduce_sum3A : i1 to vector<16xi1>
        %reduce_sum3A_290 = tpu.scan <sum>, %convert_element_type3A masked %reduce_sum3A_289 : vector<16xi32>, vector<16xi1> -> vector<16xi32>
        %reduce_sum3A_291 = vector.extract %reduce_sum3A_290[15] : i32 from vector<16xi32>
        %add3A_292 = arith.addi %while3A_268, %reduce_sum3A_291 : i32
        scf.yield %add3A_292 : i32
      }
      %lt3A = arith.cmpi slt, %while3A_263, %sub3A_214 : i32
      %shift_left3A_264 = arith.constant 1 : i32
      %shift_left3A_265 = arith.shli %shift_left3A_264, %sub3A_246 : i32
      %or3A = arith.ori %scan3A_244, %shift_left3A_265 : i32
      %select_n3A_266 = arith.select %lt3A, %or3A, %scan3A_244 : i32
      scf.yield %select_n3A_266 : i32
    }
    %scan3A_221 = arith.constant 15 : i32
    %gt3A_222 = arith.cmpi sgt, %while3A_213#1, %sub3A_214 : i32
    %jit3A_223 = arith.constant 1073741824 : i32
    %select_n3A_224 = arith.select %gt3A_222, %scan3A_220, %jit3A_223 : i32
    %while3A_225 = arith.constant 0 : i32
    %while3A_226 = arith.constant 0 : i32
    %while3A_227 = arith.subi %select_n3A_192, %while3A_225 : i32
    %while3A_228 = arith.addi %while3A_225, %while3A_227 : i32
    %while3A_229 = arith.constant 1 : i32
    %while3A_230 = arith.divsi %while3A_227, %while3A_229 : i32
    %while3A_231 = arith.muli %while3A_230, %while3A_229 : i32
    %while3A_232 = arith.addi %while3A_225, %while3A_231 : i32
    %while3A_233 = arith.constant 1 : i32
    %while3A_234 = scf.for %while3A_243 = %while3A_225 to %while3A_232 step %while3A_233 iter_args(%while3A_244 = %while3A_226) -> (i32)  : i32 {
      %mul3A_245 = arith.constant 16 : i32
      %mul3A_246 = arith.muli %while3A_243, %mul3A_245 : i32
      %get3A = arith.index_cast %mul3A_246 : i32 to index
      %get3A_247 = tpu.vector_load %arg7[%get3A] {strides = array<i32>} : memref<4096xf32, #tpu.memory_space<vmem>>, vector<16xf32>,
      %bitcast3A = vector.bitcast %get3A_247 : vector<16xf32> to vector<16xi32>
      %and3A_248 = arith.constant 2147483647 : i32
      %and3A_249 = vector.broadcast %and3A_248 : i32 to vector<16xi32>
      %and3A_250 = arith.andi %bitcast3A, %and3A_249 : vector<16xi32>
      %mul3A_251 = arith.constant 16 : i32
      %mul3A_252 = arith.muli %while3A_243, %mul3A_251 : i32
      %get3A_253 = arith.index_cast %mul3A_252 : i32 to index
      %get3A_254 = tpu.vector_load %arg8[%get3A_253] {strides = array<i32>} : memref<4096xi32, #tpu.memory_space<vmem>>, vector<16xi32>,
      %mul3A_255 = arith.constant 16 : i32
      %mul3A_256 = arith.muli %while3A_243, %mul3A_255 : i32
      %add3A_257 = vector.broadcast %mul3A_256 : i32 to vector<16xi32>
      %add3A_258 = arith.addi %iota3A_126, %add3A_257 : vector<16xi32>
      %lt3A = vector.broadcast %min3A_164 : i32 to vector<16xi32>
      %lt3A_259 = arith.cmpi slt, %add3A_258, %lt3A : vector<16xi32>
      %gt3A_260 = vector.broadcast %scan3A_199 : i32 to vector<16xi32>
      %gt3A_261 = arith.cmpi sgt, %and3A_250, %gt3A_260 : vector<16xi32>
      %eq3A = vector.broadcast %scan3A_199 : i32 to vector<16xi32>
      %eq3A_262 = arith.cmpi eq, %and3A_250, %eq3A : vector<16xi32>
      %le3A = vector.broadcast %select_n3A_224 : i32 to vector<16xi32>
      %le3A_263 = arith.cmpi sle, %get3A_254, %le3A : vector<16xi32>
      %and3A_264 = arith.andi %eq3A_262, %le3A_263 : vector<16xi1>
      %or3A = arith.ori %gt3A_261, %and3A_264 : vector<16xi1>
      %and3A_265 = arith.andi %lt3A_259, %or3A : vector<16xi1>
      tpu.vector_store_idx %arg5[%get3A_254], %get3A_247 masked %and3A_265 : memref<32768xf32, #tpu.memory_space<vmem>>[vector<16xi32>], vector<16xf32>, vector<16xi1>
      %while3A_266 = arith.constant 0 : i32
      scf.yield %while3A_266 : i32
    }
    %while3A_235 = arith.constant 1 : i32
    %while3A_236 = scf.for %while3A_243 = %while3A_232 to %while3A_228 step %while3A_235 iter_args(%while3A_244 = %while3A_234) -> (i32)  : i32 {
      %mul3A_245 = arith.constant 16 : i32
      %mul3A_246 = arith.muli %while3A_243, %mul3A_245 : i32
      %get3A = arith.index_cast %mul3A_246 : i32 to index
      %get3A_247 = tpu.vector_load %arg7[%get3A] {strides = array<i32>} : memref<4096xf32, #tpu.memory_space<vmem>>, vector<16xf32>,
      %bitcast3A = vector.bitcast %get3A_247 : vector<16xf32> to vector<16xi32>
      %and3A_248 = arith.constant 2147483647 : i32
      %and3A_249 = vector.broadcast %and3A_248 : i32 to vector<16xi32>
      %and3A_250 = arith.andi %bitcast3A, %and3A_249 : vector<16xi32>
      %mul3A_251 = arith.constant 16 : i32
      %mul3A_252 = arith.muli %while3A_243, %mul3A_251 : i32
      %get3A_253 = arith.index_cast %mul3A_252 : i32 to index
      %get3A_254 = tpu.vector_load %arg8[%get3A_253] {strides = array<i32>} : memref<4096xi32, #tpu.memory_space<vmem>>, vector<16xi32>,
      %mul3A_255 = arith.constant 16 : i32
      %mul3A_256 = arith.muli %while3A_243, %mul3A_255 : i32
      %add3A_257 = vector.broadcast %mul3A_256 : i32 to vector<16xi32>
      %add3A_258 = arith.addi %iota3A_126, %add3A_257 : vector<16xi32>
      %lt3A = vector.broadcast %min3A_164 : i32 to vector<16xi32>
      %lt3A_259 = arith.cmpi slt, %add3A_258, %lt3A : vector<16xi32>
      %gt3A_260 = vector.broadcast %scan3A_199 : i32 to vector<16xi32>
      %gt3A_261 = arith.cmpi sgt, %and3A_250, %gt3A_260 : vector<16xi32>
      %eq3A = vector.broadcast %scan3A_199 : i32 to vector<16xi32>
      %eq3A_262 = arith.cmpi eq, %and3A_250, %eq3A : vector<16xi32>
      %le3A = vector.broadcast %select_n3A_224 : i32 to vector<16xi32>
      %le3A_263 = arith.cmpi sle, %get3A_254, %le3A : vector<16xi32>
      %and3A_264 = arith.andi %eq3A_262, %le3A_263 : vector<16xi1>
      %or3A = arith.ori %gt3A_261, %and3A_264 : vector<16xi1>
      %and3A_265 = arith.andi %lt3A_259, %or3A : vector<16xi1>
      tpu.vector_store_idx %arg5[%get3A_254], %get3A_247 masked %and3A_265 : memref<32768xf32, #tpu.memory_space<vmem>>[vector<16xi32>], vector<16xf32>, vector<16xi1>
      %while3A_266 = arith.constant 0 : i32
      scf.yield %while3A_266 : i32
    }
    "tpu.region"() ({
      %run_scoped3A = tpu.sem_alloc : memref<!tpu.dma_semaphore, #tpu.memory_space<semaphore_mem>>
      %dma_start3A_243 = arith.constant 0 : i32
      %dma_start3A_244 = tpu.memref_slice %arg3[%add3A_2, %dma_start3A_243] : memref<64x32768xf32, #tpu.memory_space<hbm>> -> memref<1x32768xf32, #tpu.memory_space<hbm>>
      %dma_start3A_245 = tpu.memref_squeeze %dma_start3A_244 : memref<1x32768xf32, #tpu.memory_space<hbm>> -> memref<32768xf32, #tpu.memory_space<hbm>>
      %dma_start3A_246 = arith.constant 0 : i32
      %dma_start3A_247 = tpu.memref_slice %arg3[%add3A_2, %dma_start3A_246] : memref<64x32768xf32, #tpu.memory_space<hbm>> -> memref<1x32768xf32, #tpu.memory_space<hbm>>
      %dma_start3A_248 = tpu.memref_squeeze %dma_start3A_247 : memref<1x32768xf32, #tpu.memory_space<hbm>> -> memref<32768xf32, #tpu.memory_space<hbm>>
      tpu.enqueue_dma source(%arg5 : memref<32768xf32, #tpu.memory_space<vmem>>) target(%dma_start3A_248 : memref<32768xf32, #tpu.memory_space<hbm>>) target_semaphore(%run_scoped3A : memref<!tpu.dma_semaphore, #tpu.memory_space<semaphore_mem>>)
      %dma_wait3A_249 = arith.constant 0 : i32
      %dma_wait3A_250 = tpu.memref_slice %arg3[%add3A_2, %dma_wait3A_249] : memref<64x32768xf32, #tpu.memory_space<hbm>> -> memref<1x32768xf32, #tpu.memory_space<hbm>>
      %dma_wait3A_251 = tpu.memref_squeeze %dma_wait3A_250 : memref<1x32768xf32, #tpu.memory_space<hbm>> -> memref<32768xf32, #tpu.memory_space<hbm>>
      %dma_wait3A_252 = arith.constant 0 : i32
      %dma_wait3A_253 = tpu.memref_slice %arg3[%add3A_2, %dma_wait3A_252] : memref<64x32768xf32, #tpu.memory_space<hbm>> -> memref<1x32768xf32, #tpu.memory_space<hbm>>
      %dma_wait3A_254 = tpu.memref_squeeze %dma_wait3A_253 : memref<1x32768xf32, #tpu.memory_space<hbm>> -> memref<32768xf32, #tpu.memory_space<hbm>>
      tpu.wait_dma2 semaphore(%run_scoped3A : memref<!tpu.dma_semaphore, #tpu.memory_space<semaphore_mem>>) src(%arg5 : memref<32768xf32, #tpu.memory_space<vmem>>) dst(%dma_wait3A_254 : memref<32768xf32, #tpu.memory_space<hbm>>)
      tpu.yield
    }) : () -> ()
    %dma_wait3A_237 = arith.constant 0 : i32
    %dma_wait3A_238 = tpu.memref_slice %arg3[%add3A, %dma_wait3A_237] : memref<64x32768xf32, #tpu.memory_space<hbm>> -> memref<1x32768xf32, #tpu.memory_space<hbm>>
    %dma_wait3A_239 = tpu.memref_squeeze %dma_wait3A_238 : memref<1x32768xf32, #tpu.memory_space<hbm>> -> memref<32768xf32, #tpu.memory_space<hbm>>
    %dma_wait3A_240 = arith.constant 0 : i32
    %dma_wait3A_241 = tpu.memref_slice %arg3[%add3A, %dma_wait3A_240] : memref<64x32768xf32, #tpu.memory_space<hbm>> -> memref<1x32768xf32, #tpu.memory_space<hbm>>
    %dma_wait3A_242 = tpu.memref_squeeze %dma_wait3A_241 : memref<1x32768xf32, #tpu.memory_space<hbm>> -> memref<32768xf32, #tpu.memory_space<hbm>>
    tpu.wait_dma2 semaphore(%arg11 : memref<!tpu.dma_semaphore, #tpu.memory_space<semaphore_mem>>) src(%arg4 : memref<32768xf32, #tpu.memory_space<vmem>>) dst(%dma_wait3A_242 : memref<32768xf32, #tpu.memory_space<hbm>>)
    return
  }
}

</mosaic_0001>

<sc_bundles>
// kernel: kernel.3.cloned.1.call-start
scs
__scs_entry_jumppad:
0x0: {  	(pc) =	sbr.rel $0x88, $3  }
0x1: {  	(tag) =	ssettag $0x0;
	lr =	simm.s32 $0x1  }
0x2: {  	[smem:$0x3FA0] =	sst lr;
	_ =	strace $0xD0000000  }
0x3: {  	_ = 	snop  }
0x4: {  	_ = 	snop  }
0x5: {  	_ = 	snop  }
0x6: {  	_ = 	snop  }
0x7: {  	_ = 	snop  }
__scs_overlays_trampoline_lowered:
0x8: {  	[smem:$0x3FAF] =	sst s0  }
0x9: {  	[smem:$0x3FB0] =	sst s1  }
0xa: {  	[smem:$0x3FB1] =	sst s2  }
0xb: {  	[smem:$0x3FB2] =	sst s3  }
0xc: {  	[smem:$0x3FB3] =	sst s4  }
0xd: {  	[smem:$0x3FB4] =	sst s5  }
0xe: {  	[smem:$0x3FB5] =	sst s6  }
0xf: {  	[smem:$0x3FB6] =	sst s7  }
0x10: {  	[smem:$0x3FB7] =	sst s8  }
0x11: {  	[smem:$0x3FB8] =	sst s9;
	s0 =	simm.s32 @!p0 $0x0  }
0x12: {  	s1 =	sld [smem:$0x3F9E];
	s0 =	simm.s32 @p0 $0x1  }
0x13: {  	[smem:$0x3FB9] =	sst s0;
	s0 =	simm.s32 @!p1 $0x0  }
0x14: {  	s2 =	sld [smem:$0x3F9D];
	s0 =	simm.s32 @p1 $0x1  }
0x15: {  	[smem:$0x3FBA] =	sst s0;
	s0 =	simm.s32 @!p2 $0x0  }
0x16: {  	s3 =	sld [smem:$0x3FDB];
	s0 =	simm.s32 @p2 $0x1  }
0x17: {  	s4 =	simm.s32 $0x1BF5;
	[smem:$0x3FBC] =	sst s0  }
0x18: {  	s0 =	sld [smem:$0x3F9F];
	_ =	swait.ge [sflag:s4], $0x0  }
0x19: {  	s7 =	sld [smem:$0x3FA0]  }
0x1a: {  	s8 =	sadd.s32 $0xFFFFE003, lr  }
0x1b: {  	s9 =	sadd.s32 $0xFFFFFEF7, lr;
	s5 =	simm.s32 $0xFFFFFFFF;
	p2 =	slt.u32 s8, $0xFFFFF086  }
0x1c: {  	p1 =	slt.u32 s9, $0xF7A;
	s5 =	simm.s32 @!p2 $0x0  }
0x1d: {  	s5 =	simm.s32 @p1 $0x1;
	p0 =	seq.s32 s7, s2  }
0x1e: {  	s7 =	smul.u32 @!p0 $0xF7A, s2;
	p2 =	seq.s32 @!p0 s5, $0x0  }
0x1f: {  	s9 =	smul.u32 $0xF7A, s1;
	s8 =	simm.s32 @!p0 $0x1BF5;
	p2 =	por !p2, p0  }
0x20: {  	[sflag:s8] =	ssyncset.s32 @!p0 $0xFFFFF086;
	s6 =	sadd.s32 @!p0 s3, s7;
	s7 =	simm.s32 @!p0 $0x108  }
0x21: {  	s3 =	sadd.s32 s3, s9;
	s6 =	sadd.s32 @!p0 $0x88, s6;
	s7 =	simm.s32 @p2 $0x1082  }
0x22: {  	[simem:s7], [sflag:s8] =	dma.local @!p0 [hbm:s6], $0xF7A  }
0x23: {  	s9 =	sor.u32 $0xD0000000, s2;
	s6 =	simm.s32 $0x108;
	_ =	swait.ge @!p0 [sflag:s8], $0x0  }
0x24: {  	s3 =	sadd.s32 $0x88, s3;
	s6 =	simm.s32 @!p1 $0x1082;
	[sflag:s4] =	ssyncset.s32 $0xFFFFF086  }
0x25: {  	[simem:s6], [sflag:s4] =	dma.local [hbm:s3], $0xF7A  }
0x26: {  	[smem:$0x3FA0] =	sst s1;
	(tag) =	ssettag s2;
	_ =	strace s9  }
0x27: {  	s1 =	sld [smem:$0x3FB0]  }
0x28: {  	s2 =	sld [smem:$0x3FB1]  }
0x29: {  	s4 =	sld [smem:$0x3FB3]  }
0x2a: {  	p0 =	seq.s32 s5, $0x0;
	s5 =	sld [smem:$0x3FB4]  }
0x2b: {  	s6 =	sld [smem:$0x3FB5]  }
0x2c: {  	s7 =	sld [smem:$0x3FB6]  }
0x2d: {  	s3 =	simm.s32 $0x108;
	s8 =	sld [smem:$0x3FB7]  }
0x2e: {  	s3 =	simm.s32 @!p0 $0x1082;
	s9 =	sld [smem:$0x3FB8]  }
0x2f: {  	lr =	sadd.s32 s0, s3;
	s0 =	sld [smem:$0x3FAF]  }
0x30: {  	s3 =	sld [smem:$0x3FB2]  }
0x31: {  	[smem:$0x3FBB] =	sst s10  }
0x32: {  	s10 =	sld [smem:$0x3FB9];
	_ =	sdelay $0x3  }
0x33: {  	p0 =	seq.s32 s10, $0x1;
	s10 =	sld [smem:$0x3FBB];
	_ =	sdelay $0x3  }
0x34: {  	[smem:$0x3FBB] =	sst s10  }
0x35: {  	s10 =	sld [smem:$0x3FBA];
	_ =	sdelay $0x3  }
0x36: {  	p1 =	seq.s32 s10, $0x1;
	s10 =	sld [smem:$0x3FBB];
	_ =	sdelay $0x3  }
0x37: {  	[smem:$0x3FBB] =	sst s10  }
0x38: {  	s10 =	sld [smem:$0x3FBC]  }
0x39: {  	_ = 	snop;
	(pc) =	sbr.ind lr, $3  }
0x3a: {  	_ = 	snop  }
0x3b: {  	_ = 	snop  }
0x3c: {  	p2 =	seq.s32 s10, $0x1;
	s10 =	sld [smem:$0x3FBB]  }
0x3d: {  	_ =	shalt  }
0x3e: {  	_ =	shalt  }
0x3f: {  	_ =	shalt  }
0x40: {  	_ =	shalt  }
0x41: {  	_ =	shalt  }
0x42: {  	_ =	shalt  }
0x43: {  	_ =	shalt  }
0x44: {  	_ =	shalt  }
0x45: {  	_ =	shalt  }
0x46: {  	_ =	shalt  }
0x47: {  	_ =	shalt  }
0x48: {  	_ =	shalt  }
0x49: {  	_ =	shalt  }
0x4a: {  	_ =	shalt  }
0x4b: {  	_ =	shalt  }
0x4c: {  	_ =	shalt  }
0x4d: {  	_ =	shalt  }
0x4e: {  	_ =	shalt  }
0x4f: {  	_ =	shalt  }
0x50: {  	_ =	shalt  }
0x51: {  	_ =	shalt  }
0x52: {  	_ =	shalt  }
0x53: {  	_ =	shalt  }
0x54: {  	_ =	shalt  }
0x55: {  	_ =	shalt  }
0x56: {  	_ =	shalt  }
0x57: {  	_ =	shalt  }
0x58: {  	_ =	shalt  }
0x59: {  	_ =	shalt  }
0x5a: {  	_ =	shalt  }
0x5b: {  	_ =	shalt  }
0x5c: {  	_ =	shalt  }
0x5d: {  	_ =	shalt  }
0x5e: {  	_ =	shalt  }
0x5f: {  	_ =	shalt  }
0x60: {  	_ =	shalt  }
0x61: {  	_ =	shalt  }
0x62: {  	_ =	shalt  }
0x63: {  	_ =	shalt  }
0x64: {  	_ =	shalt  }
0x65: {  	_ =	shalt  }
0x66: {  	_ =	shalt  }
0x67: {  	_ =	shalt  }
0x68: {  	_ =	shalt  }
0x69: {  	_ =	shalt  }
0x6a: {  	_ =	shalt  }
0x6b: {  	_ =	shalt  }
0x6c: {  	_ =	shalt  }
0x6d: {  	_ =	shalt  }
0x6e: {  	_ =	shalt  }
0x6f: {  	_ =	shalt  }
0x70: {  	_ =	shalt  }
0x71: {  	_ =	shalt  }
0x72: {  	_ =	shalt  }
0x73: {  	_ =	shalt  }
0x74: {  	_ =	shalt  }
0x75: {  	_ =	shalt  }
0x76: {  	_ =	shalt  }
0x77: {  	_ =	shalt  }
0x78: {  	_ =	shalt  }
0x79: {  	_ =	shalt  }
0x7a: {  	_ =	shalt  }
0x7b: {  	_ =	shalt  }
0x7c: {  	_ =	shalt  }
0x7d: {  	_ =	shalt  }
0x7e: {  	_ =	shalt  }
0x7f: {  	_ =	shalt  }
0x80: {  	_ =	shalt  }
0x81: {  	_ =	shalt  }
0x82: {  	_ =	shalt  }
0x83: {  	_ =	shalt  }
0x84: {  	_ =	shalt  }
0x85: {  	_ =	shalt  }
0x86: {  	_ =	shalt  }
0x87: {  	_ =	shalt  }
.Lfunc_end0:
.L_simem_size_0:
called_computation_lowered:
.L_overlay_start_0:
0x88: {  	s2 =	sld [smem:$0x3FD9]  }
0x89: {  	s3 =	sld [smem:$0x3FFE];
	_ =	sdelay $0x1  }
0x8a: {  	s1 =	srdreg.scid  }
0x8b: {  	s0 =	sand.u32 $0x1, s1  }
0x8c: {  	s18 =	sshll.u32 s0, $0xA;
	s2 =	sadd.s32 s3, s2  }
0x8d: {  	s2 =	sadd.s32 s2, s18  }
0x8e: {  	[smem:$0x3FC7] =	sst s2  }
0x8f: {  	_ = 	snop  }
0x90: {  	s2 =	sld [smem:$0x3FC9]  }
0x91: {  	s19 =	sld [smem:$0x3FD0];
	(tm) =	ssettm $0x1  }
0x92: {  	s4 =	sld [smem:$0x3FFB];
	_ =	sdelay $0x3  }
0x93: {  	_ =	strace s4  }
0x94: {  	s4 =	sld [smem:$0x3FFC];
	_ =	sdelay $0x3  }
0x95: {  	_ =	strace s4  }
0x96: {  	s4 =	sld [smem:$0x3FFD];
	_ =	sdelay $0x3  }
0x97: {  	_ =	strace s4  }
0x98: {  	_ =	strace $0x8FFFFFFF  }
0x99: {  	s20 =	sld [smem:$0x3FDB];
	_ =	sdelay $0x1  }
0x9a: {  	s5 =	simm.s32 $_scs_section_size  }
0x9b: {  	s6 =	simm.s32 $_size__tile_overlayer_lowered;
	s7 =	simm.s32 $_tile_overlayer_lowered  }
0x9c: {  	s23 =	simm.s32 $0x1BFF;
	s22 =	sshll.u32 s7, $0x1;
	s4 =	sadd.s32 s5, s20  }
0x9d: {  	s8 =	simm.s32 $0x0;
	s21 =	sshll.u32 s6, $0x1;
	s6 =	sadd.s32 s22, s4  }
0x9e: {  	[timem:s8], [sflag:s23] =	dma.local [hbm:s6], s21  }
0x9f: {  	_ =	swait.ge [sflag:s23], s21  }
0xa0: {  	s5 =	ssub.s32 $0x0, s21;
	[sflag:s23] =	ssyncset.done $0x0  }
0xa1: {  	[sflag:s23] =	ssyncadd.s32 s5;
	_ =	sdelay $0x1  }
0xa2: {  	s24 =	simm.s32 $0x1B8B  }
0xa3: {  	_ =	swait.ge [sflag:s24], $0x1  }
0xa4: {  	[sflag:s24] =	ssyncset.done $0x0  }
0xa5: {  	s25 =	simm.s32 $0x1B8E;
	[sflag:s24] =	ssyncadd.s32 $0xFFFFFFFF  }
0xa6: {  	s26 =	simm.s32 $execute0_lowered;
	[smem:$0x3FD2] =	sst s25  }
0xa7: {  	s5 =	sshll.u32 s26, $0x1;
	_ =	strace $0x80000046;
	[dreg:$0x1] =	wrdreg $0xFFFFFFFF  }
0xa8: {  	s28 =	simm.s32 $_size_execute0_lowered;
	s4 =	sadd.s32 s4, s5;
	[dreg:$0x0] =	wrdreg $0x0  }
0xa9: {  	s5 =	sshll.u32 s28, $0x1;
	[dreg:$0x2] =	wrdreg s4  }
0xaa: {  	[dreg:$0x3] =	wrdreg s5  }
0xab: {  	[dreg:$0x4] =	wrdreg $0xC0  }
0xac: {  	_ =	task [dreg:s8], $0x5FFFF  }
0xad: {  	[dreg:$0x1] =	wrdreg $0xFFFFFFFF  }
0xae: {  	[dreg:$0x0] =	wrdreg $0x60  }
0xaf: {  	[dreg:$0x2] =	wrdreg s2  }
0xb0: {  	[dreg:$0x3] =	wrdreg s19  }
0xb1: {  	[dreg:$0x4] =	wrdreg $0x9  }
0xb2: {  	_ =	task.clear_ibuf [dreg:s8], $0x5FFFF;
	_ =	strace $0x90000046  }
0xb3: {  	s29 =	simm.s32 $0x9;
	_ =	strace $0x80000048  }
0xb4: {  	_ =	swait.ge [sflag:s29], $0x1  }
0xb5: {  	[sflag:s29] =	ssyncadd.s32 $0xFFFFFFFF  }
0xb6: {  	_ =	strace $0x90000048  }
0xb7: {  	_ =	sfence  }
0xb8: {  	s30 =	sld [smem:$0x0];
	_ =	sdelay $0x2  }
0xb9: {  	s31 =	sshll.u32 s1, $0xD;
	s1 =	sshrl.u32 s1, $0x2  }
0xba: {  	s3 =	sand.u32 $0x4000, s31;
	s1 =	sadd.s32 s1, s30  }
0xbb: {  	s0 =	sor.u32 s3, s0;
	s1 =	sshll.u32 s1, $0x11  }
0xbc: {  	s0 =	sor.u32 s1, s0  }
0xbd: {  	s0 =	sadd.s32 $0x8F2B, s0  }
0xbe: {  	[sflag:s0] =	ssyncadd.remote.s32 $0x1  }
0xbf: {  	_ =	sfence.sel $0xFFFF  }
0xc0: {  	[dreg:$0x0] =	wrdreg $0xFFFFFFFF;
	(pc) =	sbr.abs _section_cstart, $3  }
0xc1: {  	[dreg:$0x1] =	wrdreg $0xFFFFFFFF  }
0xc2: {  	_ =	task.clear_ibuf [dreg:s8], $0x2FFFF;
	_ =	strace $0x9FFFFFFF  }
0xc3: {  	(tm) =	ssettm $0x7FFFFFFF  }
tec
execute0_lowered:
.L_overlay_start_1:
0x0: {  	(tag) =	ssettag $0x1  }
0x1: {  	s0 =	rddreg [dreg:$0x0]  }
0x2: {  	s6 =	rddreg [dreg:$0x1];
	s2 =	simm.s32 $0x0  }
0x3: {  	s3 =	srdreg.scid;
	s1 =	stileid.u32;
	s9 =	simm.s32 $0x400  }
0x4: {  	s10 =	simm.s32 $0x8000;
	s11 =	simm.s32 $0x1;
	s12 =	simm.s32 $0x10000  }
0x5: {  	s13 =	simm.s32 $0x40000;
	s14 =	simm.s32 $0x4000;
	s15 =	simm.s32 $0x2  }
0x6: {  	s16 =	simm.s32 $0x4;
	s17 =	simm.s32 $0x3;
	s18 =	simm.s32 $0x0  }
0x7: {  	s3 =	sand.u32 $0x1, s3;
	s4 =	sshll.u32 s1, $0x5;
	s5 =	sshll.u32 s1, $0xD  }
0x8: {  	s7 =	sshll.u32 s3, $0x4;
	s4 =	sand.u32 $0x60, s4;
	s3 =	ssub.s32 $0x2, s3  }
.Ltmp0:
0x9: {  	s5 =	sand.u32 $0x18000, s5;
	s4 =	sor.u32 s7, s4;
	(pc) =	sbr.rel .LBB2_1-.Ltmp0, $4  }
0xa: {  	v0 =	vlaneseq.u32;
	[smem:$0x7FF] =	sst s2;
	s31 =	sshrl.u32 s3, $0x1;
	s5 =	sor.u32 s5, s4  }
0xb: {  	v3 =	vmul.u32 $0xFFFFFFFF, v0;
	_ =	strace $0x80000047;
	s7 =	ssub.s32 s3, s31;
	s3 =	sadd.s32 s0, s5  }
0xc: {  	v1 =	vimm.s32 $0x0;
	s8 =	sor.u32 $0x20000, s5;
	s5 =	sadd.s32 s6, s5;
	s7 =	smax.u32 s7, $0x1  }
0xd: {  	v2 =	vimm.s32 $0x1;
	v4 =	vor.u32 $0x80000000, v0;
	v3 =	vadd.s32 $0xF, v3;
	s4 =	sadd.s32 s0, s8;
	s6 =	sadd.s32 s6, s8;
	s8 =	simm.s32 $0x80  }
.LBB2_108:
0xe: {  	s21 =	simm.s32 $0x0  }
.LBB2_112:
0xf: {  	v9 =	vld [tilespmem:s20+$0x0];
	_ =	sdelay $0x3  }
0x10: {  	v10 =	vand.u32 $0x7FFFFFFF, v8;
	s0 =	sadd.s32 @p0 $0x10, s21  }
0x11: {  	vm0 =	veq.s32 v6, v10;
	s19 =	smov.u32 @p0 s0;
	vm1 =	vle.s32 v9, v7  }
0x12: {  	vm2 =	vlt.s32 v6, v10;
	v7 =	vor.u32 s19, v0;
	vm0 =	vmand vm1, vm0  }
0x13: {  	vm15 =	vlt.s32 v7, v5;
	vm0 =	vmor vm2, vm0  }
0x14: {  	vm0 =	vmand vm15, vm0;
	_ =	sdelay $0x5  }
0x15: {  	[tilespmem:v9+s10+$0x0] =	vst.idx.msk vm0, v8  }
.LBB2_113:
0x16: {  	[hbm4b:s6+s8] =	stream.strided.scatter [tilespmem:s10], [sflag:$0x4], $0x8000, s9, s8, $0x38;
	[tilespmem:$0x13000] =	vst v63  }
0x17: {  	s18 =	sadd.s32 $0x1, s18  }
0x18: {  	_ =	swait.ge [sflag:s16], $0x8000;
	p0 =	sne.s32 s18, s7  }
.Ltmp1:
0x19: {  	[sflag:s16] =	ssyncset.done $0x0;
	(pc) =	sbr.rel @!p0 .LBB2_114-.Ltmp1, $4  }
0x1a: {  	[sflag:s16] =	ssyncadd.s32 $0xFFFF8000  }
0x1b: {  	_ =	swait.ge [sflag:s17], $0x8000  }
0x1c: {  	[sflag:s17] =	ssyncset.done $0x0  }
0x1d: {  	[sflag:s17] =	ssyncadd.s32 $0xFFFF8000  }
.LBB2_1:
0x1e: {  	[tilespmem:s2], [sflag:$0x1] =	stream.strided.gather [hbm4b:s3+s8], $0x8000, s9, s8, $0x38;
	[tilespmem:$0x13000] =	vst v63  }
0x1f: {  	_ = 	snop  }
0x20: {  	[tilespmem:s10], [sflag:$0x2] =	stream.strided.gather [hbm4b:s4+s8], $0x8000, s9, s8, $0x38;
	[tilespmem:$0x13000] =	vst v63  }
0x21: {  	_ =	swait.ge [sflag:s11], $0x8000  }
0x22: {  	[sflag:s11] =	ssyncset.done $0x0  }
0x23: {  	s0 =	simm.s32 $0x10020;
	[sflag:s11] =	ssyncadd.s32 $0xFFFF8000  }
0x24: {  	[tilespmem:s0+$0xFFFFFFE0] =	vst v1  }
0x25: {  	[tilespmem:s0+$0x10] =	vst v1  }
0x26: {  	s20 =	simm.s32 $0xFFFFFFFC;
	s19 =	simm.s32 $0x0;
	[tilespmem:s0+$0x0] =	vst v1  }
.LBB2_2:
0x27: {  	s19 =	sadd.s32 $0x4, s19  }
0x28: {  	[tilespmem:s0+$0xFFFFFFF0] =	vst v1;
	s0 =	sadd.s32 $0x40, s0;
	s21 =	simm.s32 $0x20;
	p0 =	slt.u32 s19, $0xFC  }
.Ltmp2:
0x29: {  	[tilespmem:s0+$0xFFFFFFE0] =	vst v1;
	(pc) =	sbr.rel @p0 .LBB2_2-.Ltmp2, $3  }
0x2a: {  	_ =	sdelay $0x1  }
0x2b: {  	[tilespmem:s0+$0x10] =	vst v1  }
0x2c: {  	[tilespmem:s0+$0x0] =	vst v1  }
0x2d: {  	[tilespmem:s0+$0xFFFFFFF0] =	vst v1  }
.LBB2_4:
0x2e: {  	v5 =	vld [tilespmem:s21+$0xFFFFFFE0];
	_ =	sdelay $0x4  }
0x2f: {  	v5 =	vshrl.u32 v5, $0x13  }
0x30: {  	v5 =	vand.u32 $0xFFF, v5;
	_ =	sdelay $0x4  }
0x31: {  	[tilespmem:v5+s12+$0x0] =	vst.idx.add.s32.msk $0xffff, v2  }
0x32: {  	v5 =	vld [tilespmem:s21+$0xFFFFFFF0];
	_ =	sdelay $0x4  }
0x33: {  	v5 =	vshrl.u32 v5, $0x13  }
0x34: {  	v5 =	vand.u32 $0xFFF, v5;
	_ =	sdelay $0x4  }
0x35: {  	[tilespmem:v5+s12+$0x0] =	vst.idx.add.s32.msk $0xffff, v2  }
0x36: {  	v5 =	vld [tilespmem:s21+$0x0];
	_ =	sdelay $0x4  }
0x37: {  	v5 =	vshrl.u32 v5, $0x13  }
0x38: {  	v5 =	vand.u32 $0xFFF, v5;
	_ =	sdelay $0x4  }
0x39: {  	[tilespmem:v5+s12+$0x0] =	vst.idx.add.s32.msk $0xffff, v2  }
0x3a: {  	v5 =	vld [tilespmem:s21+$0x10];
	_ =	sdelay $0x4  }
0x3b: {  	s20 =	sadd.s32 $0x4, s20;
	v5 =	vshrl.u32 v5, $0x13  }
0x3c: {  	p0 =	slt.u32 s20, $0x7FC;
	v5 =	vand.u32 $0xFFF, v5  }
.Ltmp3:
0x3d: {  	_ = 	snop;
	(pc) =	sbr.rel @p0 .LBB2_4-.Ltmp3, $3  }
0x3e: {  	_ =	sdelay $0x1  }
0x3f: {  	s0 =	simm.s32 $0x0;
	s19 =	simm.s32 $0xFFFFFFFF  }
0x40: {  	s22 =	simm.s32 $0xFF0;
	s23 =	simm.s32 $0x10FF0;
	s21 =	sadd.s32 $0x40, s21;
	[tilespmem:v5+s12+$0x0] =	vst.idx.add.s32.msk $0xffff, v2  }
0x41: {  	v5 =	vld [tilespmem:s23+$0x0];
	_ =	sdelay $0x2  }
0x42: {  	s20 =	simm.s32 $0x10FE0  }
0x43: {  	v6 =	vld [tilespmem:s20+$0x0]  }
0x44: {  	(xrf0) =	vadd.scan.msk.s32 $0xffff, v5  }
0x45: {  	v5 =	vperm.xlane v5, v3;
	_ =	sdelay $0x1  }
0x46: {  	s24 =	simm.s32 $0x10FD0;
	(xrf0) =	vadd.scan.msk.s32 $0xffff, v5  }
0x47: {  	v5 =	vld [tilespmem:s24+$0x0];
	(xrf0) =	vadd.scan.msk.s32 $0xffff, v6  }
0x48: {  	v6 =	vperm.xlane v6, v3  }
0x49: {  	v7, _, _ =	vpop (xrf0)  }
0x4a: {  	(v2sf) =	vpush v7, $0xF  }
0x4b: {  	(xrf0) =	vadd.scan.msk.s32 $0xffff, v6  }
0x4c: {  	s25 =	simm.s32 $0x10FC0;
	(xrf0) =	vadd.scan.msk.s32 $0xffff, v5;
	v6, _, _ =	vpop (xrf0)  }
0x4d: {  	v7 =	vld [tilespmem:s25+$0x0];
	v5 =	vperm.xlane v5, v3;
	v8, _, _ =	vpop (xrf0)  }
0x4e: {  	(v2sf) =	vpush v8, $0xF;
	_ =	sdelay $0x1  }
0x4f: {  	v6 =	vperm.xlane v6, v3  }
0x50: {  	(xrf0) =	vadd.scan.msk.s32 $0xffff, v5;
	v5, _, _ =	vpop (xrf0)  }
0x51: {  	v6 =	vadd.s32 s0, v6;
	v8 =	vperm.xlane v7, v3;
	(xrf0) =	vadd.scan.msk.s32 $0xffff, v7;
	v7, _, _ =	vpop (xrf0)  }
0x52: {  	v9 =	vor.u32 s22, v4;
	vm0 =	vgt.s32 v6, $0x3FF;
	(v2sf) =	vpush v7, $0xF  }
0x53: {  	v6 =	vxor.u32 $0x80000000, v6;
	(xrf0) =	vadd.scan.msk.s32 $0xffff, v8;
	v7 =	vnsel vm0, $0x7FFFFFFF, v9  }
0x54: {  	s26 =	simm.s32 $0x10FB0;
	v6 =	vsel vm0, $0x7FFFFFFF, v6;
	(xrf0) =	vmax.scan.msk.u32 $0xffff, v7  }
0x55: {  	(xrf0) =	vmax.scan.msk.u32 $0xffff, v6;
	v6 =	vld [tilespmem:s26+$0x0]  }
0x56: {  	v7, _, _ =	vpop (xrf0)  }
0x57: {  	v8, _, _ =	vpop (xrf0)  }
0x58: {  	s1 =	simm.s32 $0x10FA0;
	v5 =	vperm.xlane v5, v3;
	(v2sf) =	vpush v8, $0xF;
	s31 =	spop (v2sf)  }
0x59: {  	v9 =	vld [tilespmem:s1+$0x0];
	s0 =	sadd.s32 $0x0, s31  }
0x5a: {  	s21 =	simm.s32 $0xFE0;
	v11 =	vperm.xlane v6, v3;
	v5 =	vadd.s32 s0, v5  }
0x5b: {  	v8, _, _ =	vpop (xrf0);
	(xrf0) =	vadd.scan.msk.s32 $0xffff, v6;
	v6 =	vor.u32 s21, v4;
	vm12 =	vgt.s32 v5, $0x3FF  }
0x5c: {  	v7 =	vperm.xlane v7, v3;
	v10, _, _ =	vpop (xrf0);
	s21 =	simm.s32 $0x10F90;
	(xrf0) =	vadd.scan.msk.s32 $0xffff, v11;
	v5 =	vxor.u32 $0x80000000, v5;
	s22 =	spop (v2sf);
	v6 =	vnsel vm12, $0x7FFFFFFF, v6  }
0x5d: {  	(v2sf) =	vpush v10, $0xF;
	v5 =	vsel vm12, $0x7FFFFFFF, v5;
	s0 =	sadd.s32 s0, s22;
	(xrf0) =	vmax.scan.msk.u32 $0xffff, v6;
	v6 =	vld [tilespmem:s21+$0x0]  }
0x5e: {  	s23 =	simm.s32 $0xFD0;
	v10, _, _ =	vpop (xrf0);
	v7 =	vadd.s32 s0, v7;
	(xrf0) =	vmax.scan.msk.u32 $0xffff, v5;
	v5 =	vperm.xlane v9, v3  }
0x5f: {  	vm13 =	vgt.s32 v7, $0x3FF;
	(xrf0) =	vadd.scan.msk.s32 $0xffff, v9;
	v9 =	vor.u32 s23, v4  }
0x60: {  	v7 =	vxor.u32 $0x80000000, v7;
	(xrf0) =	vadd.scan.msk.s32 $0xffff, v5;
	v5 =	vnsel vm13, $0x7FFFFFFF, v9  }
0x61: {  	v8 =	vperm.xlane v8, v3;
	s24 =	spop (v2sf);
	v7 =	vsel vm13, $0x7FFFFFFF, v7;
	(xrf0) =	vmax.scan.msk.u32 $0xffff, v5  }
0x62: {  	s0 =	sadd.s32 s0, s24;
	v9, _, _ =	vpop (xrf0);
	(xrf0) =	vmax.scan.msk.u32 $0xffff, v7;
	v7 =	vperm.xlane v6, v3  }
0x63: {  	s25 =	simm.s32 $0xFC0;
	(v2sf) =	vpush v10, $0xF;
	v8 =	vadd.s32 s0, v8;
	v5, _, _ =	vpop (xrf0)  }
0x64: {  	vm14 =	vgt.s32 v8, $0x3FF;
	(xrf0) =	vadd.scan.msk.s32 $0xffff, v6;
	v6 =	vor.u32 s25, v4;
	(v2sf) =	vpush v9, $0xF;
	v10, _, _ =	vpop (xrf0)  }
0x65: {  	v6 =	vnsel vm14, $0x7FFFFFFF, v6;
	v9, _, _ =	vpop (xrf0);
	(v2sf) =	vpush v10, $0xF  }
0x66: {  	v8 =	vxor.u32 $0x80000000, v8;
	(xrf0) =	vadd.scan.msk.s32 $0xffff, v7;
	v7, _, _ =	vpop (xrf0);
	(v2sf) =	vpush v9, $0xF  }
0x67: {  	s31 =	spop (v2sf);
	(v2sf) =	vpush v7, $0xF;
	v7 =	vsel vm14, $0x7FFFFFFF, v8  }
0x68: {  	(xrf0) =	vmax.scan.msk.u32 $0xffff, v6;
	v6, _, _ =	vpop (xrf0)  }
0x69: {  	v8, _, _ =	vpop (xrf0)  }
0x6a: {  	s26 =	simm.s32 $0x10F80;
	(xrf0) =	vmax.scan.msk.u32 $0xffff, v7;
	(v2sf) =	vpush v8, $0xF;
	v7, _, _ =	vpop (xrf0)  }
0x6b: {  	v11 =	vld [tilespmem:s26+$0x0];
	(v2sf) =	vpush v7, $0xF;
	v7, _, _ =	vpop (xrf0)  }
0x6c: {  	s22 =	spop (v2sf);
	(v2sf) =	vpush v7, $0xF  }
0x6d: {  	v5 =	vperm.xlane v5, v3  }
0x6e: {  	s25 =	sadd.s32 s0, s31  }
0x6f: {  	v9 =	vadd.s32 s25, v5  }
0x70: {  	s29 =	simm.s32 $0xFA0;
	s30 =	simm.s32 $0x10F70;
	s1 =	simm.s32 $0xFB0;
	v8 =	vperm.xlane v11, v3  }
0x71: {  	s20 =	simm.s32 $0xFFFFFFFF;
	s26 =	simm.s32 $0xF90;
	s21 =	simm.s32 $0xF70;
	v10 =	vor.u32 s1, v4;
	vm15 =	vgt.s32 v9, $0x3FF;
	(xrf0) =	vadd.scan.msk.s32 $0xffff, v11  }
0x72: {  	s23 =	simm.s32 $0xF60;
	v5 =	vperm.xlane v6, v3;
	v6 =	vxor.u32 $0x80000000, v9;
	v10 =	vnsel vm15, $0x7FFFFFFF, v10;
	s28 =	sxor.u32 $0x80000000, s22;
	s31 =	spop (v2sf);
	(xrf0) =	vadd.scan.msk.s32 $0xffff, v8;
	v9, _, _ =	vpop (xrf0)  }
0x73: {  	s24 =	simm.s32 $0xF80;
	p0 =	slt.s32 s28, $0xFFFFFFFF;
	s22 =	sxor.u32 $0x80000000, s31;
	v8 =	vsel vm15, $0x7FFFFFFF, v6;
	v7 =	vld [tilespmem:s30+$0x0];
	(xrf0) =	vmax.scan.msk.u32 $0xffff, v10;
	v6 =	vperm.xlane v9, v3;
	v9, _, _ =	vpop (xrf0)  }
.LBB2_6:
0x74: {  	s0 =	smov.u32 s20;
	s20 =	smov.u32 s19;
	s19 =	smov.u32 s28  }
0x75: {  	s1 =	smov.u32 s23;
	p1 =	sne.s32 s23, $0x0;
	s31 =	spop (v2sf)  }
0x76: {  	(xrf0) =	vmax.scan.msk.u32 $0xffff, v8;
	(v2sf) =	vpush v9, $0xF;
	v8, _, _ =	vpop (xrf0);
	s19 =	smov.u32 @p0 s20;
	p0 =	sgt.s32 s0, s22;
	s20 =	smov.u32 s22  }
.Ltmp4:
0x77: {  	s25 =	sadd.s32 s25, s31;
	(v2sf) =	vpush v8, $0xF;
	s20 =	smov.u32 @p0 s0;
	(pc) =	sbr.rel @p1 .LBB2_6-.Ltmp4, $4  }
0x78: {  	s23 =	sadd.s32 $0xFFFFFFF0, s23;
	s30 =	sadd.s32 $0xFFFFFFF0, s30;
	v10 =	vor.u32 s29, v4;
	v8 =	vperm.xlane v7, v3;
	(xrf0) =	vadd.scan.msk.s32 $0xffff, v7;
	v9, _, _ =	vpop (xrf0);
	v11 =	vadd.s32 s25, v5  }
0x79: {  	s29 =	smov.u32 s26;
	s26 =	smov.u32 s24;
	v5 =	vmovc v6;
	v7 =	vld [tilespmem:s30+$0x0];
	(v2sf) =	vpush v9, $0xF;
	vm0 =	vgt.s32 v11, $0x3FF;
	v11 =	vxor.u32 $0x80000000, v11;
	s0 =	spop (v2sf)  }
0x7a: {  	s24 =	smov.u32 s21;
	(xrf0) =	vadd.scan.msk.s32 $0xffff, v8;
	v6, _, _ =	vpop (xrf0);
	v10 =	vnsel vm0, $0x7FFFFFFF, v10;
	v8 =	vsel vm0, $0x7FFFFFFF, v11;
	s28 =	sxor.u32 $0x80000000, s0;
	s0 =	spop (v2sf)  }
0x7b: {  	s21 =	smov.u32 s1;
	v6 =	vperm.xlane v6, v3;
	(xrf0) =	vmax.scan.msk.u32 $0xffff, v10;
	v9, _, _ =	vpop (xrf0);
	p0 =	sgt.s32 s19, s28;
	s22 =	sxor.u32 $0x80000000, s0  }
0x7c: {  	_ = 	snop  }
0x7d: {  	(v2sf) =	vpush v9, $0xF;
	v59, _, _ =	vpop (xrf0)  }
0x7e: {  	(v2sf) =	vpush v59, $0xF;
	v60, _, _ =	vpop (xrf0)  }
0x7f: {  	(v2sf) =	vpush v60, $0xF;
	_ =	sdelay $0x5  }
0x80: {  	(xrf0) =	vmax.scan.msk.u32 $0xffff, v8;
	s0 =	spop (v2sf);
	v8 =	vperm.xlane v7, v3  }
0x81: {  	s30 =	spop (v2sf);
	s0 =	sadd.s32 s25, s0;
	(xrf0) =	vadd.scan.msk.s32 $0xffff, v7  }
0x82: {  	s23 =	spop (v2sf);
	v5 =	vadd.s32 s0, v5;
	(xrf0) =	vadd.scan.msk.s32 $0xffff, v8  }
0x83: {  	s1 =	spop (v2sf);
	vm0 =	vgt.s32 v5, $0x3FF;
	v8 =	vor.u32 s29, v4  }
0x84: {  	v7, _, _ =	vpop (xrf0);
	v8 =	vnsel vm0, $0x7FFFFFFF, v8;
	s31 =	spop (v2sf)  }
0x85: {  	v61, _, _ =	vpop (xrf0);
	s25 =	spop (v2sf)  }
0x86: {  	v11 =	vor.u32 s26, v4;
	v63 =	vor.u32 s24, v4;
	s0 =	sadd.s32 s0, s1;
	v10, _, _ =	vpop (xrf0);
	s1 =	spop (v2sf)  }
0x87: {  	v5 =	vxor.u32 $0x80000000, v5;
	v6 =	vadd.s32 s0, v6;
	v7 =	vperm.xlane v7, v3;
	(xrf0) =	vmax.scan.msk.u32 $0xffff, v8;
	v8, _, _ =	vpop (xrf0);
	s29 =	spop (v2sf)  }
0x88: {  	v5 =	vsel vm0, $0x7FFFFFFF, v5;
	vm10 =	vgt.s32 v6, $0x3FF;
	v6 =	vxor.u32 $0x80000000, v6;
	v62, _, _ =	vpop (xrf0);
	s0 =	sadd.s32 s0, s1;
	s26 =	spop (v2sf)  }
0x89: {  	v11 =	vnsel vm10, $0x7FFFFFFF, v11;
	(xrf0) =	vmax.scan.msk.u32 $0xffff, v5;
	v5 =	vperm.xlane v62, v3;
	v7 =	vadd.s32 s0, v7;
	s24 =	spop (v2sf)  }
0x8a: {  	v6 =	vsel vm10, $0x7FFFFFFF, v6;
	(xrf0) =	vmax.scan.msk.u32 $0xffff, v11;
	vm11 =	vgt.s32 v7, $0x3FF;
	s0 =	sadd.s32 s0, s24  }
0x8b: {  	(xrf0) =	vmax.scan.msk.u32 $0xffff, v6;
	v6 =	vxor.u32 $0x80000000, v7;
	v7 =	vnsel vm11, $0x7FFFFFFF, v63;
	v5 =	vadd.s32 s0, v5  }
0x8c: {  	v6 =	vsel vm11, $0x7FFFFFFF, v6;
	(xrf0) =	vmax.scan.msk.u32 $0xffff, v7;
	v7 =	vor.u32 s21, v4;
	vm12 =	vgt.s32 v5, $0x3FF  }
0x8d: {  	(v2sf) =	vpush v61, $0xF;
	(xrf0) =	vmax.scan.msk.u32 $0xffff, v6;
	v6 =	vnsel vm12, $0x7FFFFFFF, v7  }
0x8e: {  	(v2sf) =	vpush v10, $0xF  }
0x8f: {  	(v2sf) =	vpush v8, $0xF;
	v8, _, _ =	vpop (xrf0);
	(xrf0) =	vmax.scan.msk.u32 $0xffff, v6  }
0x90: {  	(v2sf) =	vpush v8, $0xF;
	v6, _, _ =	vpop (xrf0)  }
0x91: {  	(v2sf) =	vpush v6, $0xF;
	v6, _, _ =	vpop (xrf0)  }
0x92: {  	(v2sf) =	vpush v6, $0xF;
	v6, _, _ =	vpop (xrf0)  }
0x93: {  	(v2sf) =	vpush v6, $0xF;
	v6, _, _ =	vpop (xrf0)  }
0x94: {  	(v2sf) =	vpush v6, $0xF;
	v6, _, _ =	vpop (xrf0)  }
0x95: {  	(v2sf) =	vpush v6, $0xF;
	v6, _, _ =	vpop (xrf0)  }
0x96: {  	(v2sf) =	vpush v6, $0xF;
	_ =	sdelay $0x1  }
0x97: {  	s28 =	smov.u32 @p0 s19;
	s0 =	sxor.u32 $0x80000000, s30  }
0x98: {  	p0 =	sgt.s32 s28, s0  }
0x99: {  	s1 =	sxor.u32 $0x80000000, s31;
	s0 =	smov.u32 @p0 s28  }
0x9a: {  	p0 =	sgt.s32 s0, s1  }
0x9b: {  	s31 =	spop (v2sf);
	s1 =	smov.u32 @p0 s0;
	s0 =	sxor.u32 $0x80000000, s29  }
0x9c: {  	s29 =	spop (v2sf);
	p0 =	sgt.s32 s1, s0  }
0x9d: {  	s21 =	spop (v2sf);
	s0 =	smov.u32 @p0 s1;
	s1 =	sxor.u32 $0x80000000, s31  }
0x9e: {  	p0 =	sgt.s32 s0, s1;
	s19 =	spop (v2sf)  }
0x9f: {  	s1 =	smov.u32 @p0 s0;
	s0 =	sxor.u32 $0x80000000, s19;
	s28 =	spop (v2sf)  }
0xa0: {  	s19 =	simm.s32 $0x10;
	p0 =	sgt.s32 s1, s0;
	s24 =	spop (v2sf)  }
0xa1: {  	s0 =	smov.u32 @p0 s1;
	s1 =	sxor.u32 $0x80000000, s24;
	s24 =	spop (v2sf)  }
0xa2: {  	v6 =	vld [tilespmem:s19+$0xFFFFFFF0];
	p0 =	sgt.s32 s0, s1;
	s30 =	spop (v2sf)  }
0xa3: {  	s1 =	smov.u32 @p0 s0;
	s0 =	sxor.u32 $0x80000000, s30;
	s30 =	spop (v2sf)  }
0xa4: {  	p0 =	sgt.s32 s1, s0;
	s31 =	spop (v2sf)  }
0xa5: {  	s0 =	smov.u32 @p0 s1;
	s21 =	sxor.u32 $0x80000000, s31  }
0xa6: {  	p0 =	sgt.s32 s0, s21  }
0xa7: {  	v7 =	vand.u32 $0x7FFFFFFF, v6;
	s21 =	smov.u32 @p0 s0  }
0xa8: {  	v8 =	vxor.u32 $0x80000000, v5;
	v7 =	vshrl.u32 v7, $0x13;
	v5 =	vmov s21  }
0xa9: {  	v8 =	vsel vm12, $0x7FFFFFFF, v8;
	vm13 =	veq.s32 v7, v5;
	vm1 =	vgt.s32 v7, v5  }
0xaa: {  	(xrf0) =	vmax.scan.msk.u32 $0xffff, v8;
	s0 =	simm.s32 $0x0;
	p0 =	por $0x1, $0x1;
	v7 =	vnsel vm1, $0x0, v6;
	v8 =	vsel vm13, $0x1, v1  }
0xab: {  	s31 =	simm.s32 $0x0;
	s0 =	simm.s32 @!p0 $0xFF0;
	[tilespmem:s19+$0xFFFFFFF0] =	vst v7;
	(xrf0) =	vadd.scan.msk.s32 $0xffff, v8  }
0xac: {  	v7 =	vor.u32 s31, v0;
	[tilespmem:s0+$0x11000] =	vst.msk vm13, v6  }
0xad: {  	[tilespmem:s0+$0x12000] =	vst.msk vm13, v7  }
0xae: {  	v6 =	vld [tilespmem:s19+$0x0];
	_ =	sdelay $0x1  }
0xaf: {  	v7, _, _ =	vpop (xrf0)  }
0xb0: {  	(v2sf) =	vpush v7, $0xF;
	v7, _, _ =	vpop (xrf0)  }
0xb1: {  	(v2sf) =	vpush v7, $0xF  }
0xb2: {  	v7 =	vand.u32 $0x7FFFFFFF, v6  }
0xb3: {  	v7 =	vshrl.u32 v7, $0x13  }
0xb4: {  	vm14 =	veq.s32 v7, v5  }
0xb5: {  	v8 =	vsel vm14, $0x1, v1  }
0xb6: {  	(xrf0) =	vadd.scan.msk.s32 $0xffff, v8;
	_ =	sdelay $0x3  }
0xb7: {  	p0 =	sgt.s32 s20, s22  }
0xb8: {  	s22 =	smov.u32 @p0 s20;
	s0 =	sxor.u32 $0x80000000, s23  }
0xb9: {  	p0 =	sgt.s32 s22, s0;
	v8, _, _ =	vpop (xrf0)  }
0xba: {  	s1 =	sxor.u32 $0x80000000, s25;
	s0 =	smov.u32 @p0 s22;
	(v2sf) =	vpush v8, $0xF  }
0xbb: {  	p0 =	sgt.s32 s0, s1  }
0xbc: {  	s1 =	smov.u32 @p0 s0;
	s0 =	sxor.u32 $0x80000000, s26;
	s23 =	spop (v2sf)  }
0xbd: {  	p0 =	sgt.s32 s1, s0;
	s31 =	spop (v2sf)  }
0xbe: {  	s0 =	smov.u32 @p0 s1;
	vm15 =	vgt.s32 v7, v5;
	s25 =	sadd.s32 $0x0, s31  }
0xbf: {  	s1 =	sxor.u32 $0x80000000, s29;
	v7 =	vnsel vm15, $0x0, v6;
	p0 =	slt.s32 s25, $0xFF0;
	s20 =	smov.u32 s25  }
0xc0: {  	[tilespmem:s19+$0x0] =	vst v7;
	s20 =	simm.s32 @!p0 $0xFF0;
	p0 =	sgt.s32 s0, s1  }
0xc1: {  	s1 =	smov.u32 @p0 s0;
	s0 =	sxor.u32 $0x80000000, s28;
	[tilespmem:s20+$0x11000] =	vst.msk vm14, v6;
	v6 =	vor.u32 s19, v0  }
0xc2: {  	p0 =	sgt.s32 s1, s0;
	[tilespmem:s20+$0x12000] =	vst.msk vm14, v6;
	s20 =	simm.s32 $0x30  }
0xc3: {  	s0 =	smov.u32 @p0 s1;
	s1 =	sxor.u32 $0x80000000, s24;
	v6 =	vld [tilespmem:s20+$0xFFFFFFF0]  }
0xc4: {  	p0 =	sgt.s32 s0, s1  }
0xc5: {  	s1 =	smov.u32 @p0 s0;
	s0 =	sxor.u32 $0x80000000, s30  }
0xc6: {  	p0 =	sgt.s32 s1, s0  }
0xc7: {  	s22 =	sxor.u32 $0x80000000, s23;
	s0 =	smov.u32 @p0 s1  }
0xc8: {  	p0 =	sgt.s32 s0, s22;
	v7 =	vand.u32 $0x7FFFFFFF, v6  }
0xc9: {  	s23 =	simm.s32 $0x2;
	s22 =	smov.u32 @p0 s0;
	v7 =	vshrl.u32 v7, $0x13;
	s0 =	spop (v2sf)  }
.LBB2_8:
0xca: {  	s23 =	sadd.s32 $0x2, s23;
	vm0 =	veq.s32 v7, v5;
	vm1 =	vgt.s32 v7, v5;
	s0 =	sadd.s32 s25, s0;
	s19 =	sadd.s32 $0x20, s19  }
0xcb: {  	p0 =	slt.u32 s23, $0x7FE;
	v7 =	vnsel vm1, $0x0, v6;
	p1 =	slt.s32 s0, $0xFF0;
	v8 =	vsel vm0, $0x1, v1;
	s24 =	smov.u32 s0  }
0xcc: {  	s1 =	sadd.s32 $0xFFFFFFF0, s19;
	[tilespmem:s20+$0xFFFFFFF0] =	vst v7;
	s24 =	simm.s32 @!p1 $0xFF0;
	(xrf0) =	vadd.scan.msk.s32 $0xffff, v8  }
0xcd: {  	[tilespmem:s24+$0x11000] =	vst.msk vm0, v6;
	v6 =	vor.u32 s1, v0  }
0xce: {  	[tilespmem:s24+$0x12000] =	vst.msk vm0, v6  }
0xcf: {  	v6 =	vld [tilespmem:s20+$0x0];
	_ =	sdelay $0x2  }
0xd0: {  	v7, _, _ =	vpop (xrf0)  }
0xd1: {  	(v2sf) =	vpush v7, $0xF  }
0xd2: {  	v7 =	vand.u32 $0x7FFFFFFF, v6  }
0xd3: {  	v7 =	vshrl.u32 v7, $0x13  }
0xd4: {  	vm0 =	veq.s32 v7, v5;
	vm1 =	vgt.s32 v7, v5  }
0xd5: {  	v7 =	vnsel vm1, $0x0, v6;
	v8 =	vsel vm0, $0x1, v1  }
0xd6: {  	[tilespmem:s20+$0x0] =	vst v7;
	(xrf0) =	vadd.scan.msk.s32 $0xffff, v8;
	_ =	sdelay $0x5  }
0xd7: {  	v7, _, _ =	vpop (xrf0)  }
0xd8: {  	(v2sf) =	vpush v7, $0xF;
	_ =	sdelay $0x2  }
0xd9: {  	s1 =	spop (v2sf)  }
0xda: {  	s25 =	sadd.s32 s0, s1  }
0xdb: {  	p1 =	slt.s32 s25, $0xFF0;
	s0 =	smov.u32 s25  }
0xdc: {  	s0 =	simm.s32 @!p1 $0xFF0  }
0xdd: {  	[tilespmem:s0+$0x11000] =	vst.msk vm0, v6;
	v6 =	vor.u32 s19, v0  }
0xde: {  	s20 =	sadd.s32 $0x20, s20;
	[tilespmem:s0+$0x12000] =	vst.msk vm0, v6  }
0xdf: {  	v6 =	vld [tilespmem:s20+$0xFFFFFFF0];
	_ =	sdelay $0x1  }
.Ltmp5:
0xe0: {  	(pc) =	sbr.rel @p0 .LBB2_8-.Ltmp5, $3  }
0xe1: {  	_ =	sdelay $0x1  }
0xe2: {  	v7 =	vand.u32 $0x7FFFFFFF, v6  }
0xe3: {  	v7 =	vshrl.u32 v7, $0x13;
	s0 =	spop (v2sf)  }
0xe4: {  	vm0 =	vgt.s32 v7, v5;
	s0 =	sadd.s32 s25, s0  }
0xe5: {  	s1 =	sadd.s32 $0x20, s19;
	v8 =	vnsel vm0, $0x0, v6;
	p0 =	slt.s32 s0, $0xFF0;
	s19 =	smov.u32 s0  }
0xe6: {  	vm14 =	veq.s32 v7, v5;
	s23 =	sadd.s32 $0xFFFFFFF0, s1;
	[tilespmem:s20+$0xFFFFFFF0] =	vst v8;
	s19 =	simm.s32 @!p0 $0xFF0  }
0xe7: {  	[tilespmem:s19+$0x11000] =	vst.msk vm14, v6;
	v6 =	vor.u32 s23, v0  }
0xe8: {  	[tilespmem:s19+$0x12000] =	vst.msk vm14, v6  }
0xe9: {  	v6 =	vld [tilespmem:s20+$0x0];
	_ =	sdelay $0x4  }
0xea: {  	v7 =	vand.u32 $0x7FFFFFFF, v6  }
0xeb: {  	v7 =	vshrl.u32 v7, $0x13  }
0xec: {  	v60 =	vsel vm14, $0x1, v1;
	vm15 =	veq.s32 v7, v5  }
0xed: {  	(xrf0) =	vadd.scan.msk.s32 $0xffff, v60;
	v61 =	vsel vm15, $0x1, v1  }
0xee: {  	(xrf0) =	vadd.scan.msk.s32 $0xffff, v61;
	_ =	sdelay $0x4  }
0xef: {  	v62, _, _ =	vpop (xrf0)  }
0xf0: {  	(v2sf) =	vpush v62, $0xF;
	v63, _, _ =	vpop (xrf0)  }
0xf1: {  	(v2sf) =	vpush v63, $0xF;
	_ =	sdelay $0xd  }
0xf2: {  	s26 =	spop (v2sf)  }
0xf3: {  	s0 =	sadd.s32 s0, s26;
	s28 =	spop (v2sf)  }
0xf4: {  	s23 =	sadd.s32 s0, s28  }
0xf5: {  	p0 =	slt.s32 s23, $0x1000  }
0xf6: {  	p1 =	slt.s32 s23, $0xFFFFFFF2;
	s23 =	simm.s32 @!p0 $0x1000  }
0xf7: {  	s25 =	smov.u32 s22;
	s29 =	sadd.s32 $0xF, s23  }
0xf8: {  	s21 =	sshll.u32 s21, $0x13;
	p0 =	slt.s32 s0, $0xFF0;
	s24 =	sand.u32 $0xF, s29  }
0xf9: {  	vm1 =	vgt.s32 v7, v5;
	s0 =	simm.s32 @!p0 $0xFF0;
	s30 =	sshra.s32 s29, $0x1F;
	p6 =	sne.s32 s24, $0x0  }
0xfa: {  	v5 =	vnsel vm1, $0x0, v6;
	s31 =	sshrl.u32 s30, $0x1C;
	s24 =	simm.s32 $0x1;
	p0 =	por !p1, !p6  }
.Ltmp6:
0xfb: {  	[tilespmem:s20+$0x0] =	vst v5;
	p1 =	sgt.s32 s22, $0x0;
	s19 =	sadd.s32 s31, s29;
	(pc) =	sbr.rel .LBB2_10-.Ltmp6, $4  }
0xfc: {  	v5 =	vor.u32 s1, v0;
	[tilespmem:s0+$0x11000] =	vst.msk vm15, v6;
	p0 =	por !p0, !p0;
	s25 =	simm.s32 @!p1 $0x0;
	p1 =	slt.s32 s22, $0x400  }
0xfd: {  	[tilespmem:s0+$0x12000] =	vst.msk vm15, v5;
	s19 =	sshra.s32 s19, $0x4;
	s24 =	simm.s32 @!p0 $0x0;
	s0 =	simm.s32 @!p1 $0x0  }
0xfe: {  	v5 =	vmov s23;
	s23 =	simm.s32 $0x0;
	s19 =	ssub.s32 s19, s24;
	s0 =	simm.s32 @p1 $0x1  }
0xff: {  	s20 =	ssub.s32 $0x400, s25;
	p0 =	slt.s32 s19, $0x1;
	[smem:$0x7FD] =	sst s0  }
.LBB2_25:
0x100: {  	s23 =	sadd.s32 $0x1, s23  }
0x101: {  	p1 =	seq.s32 s23, $0x13  }
.Ltmp7:
0x102: {  	s0 =	sld [smem:$0x7FD];
	(pc) =	sbr.rel @p1 .LBB2_26-.Ltmp7, $3  }
0x103: {  	_ =	sdelay $0x1  }
0x104: {  	p2 =	seq.s32 s0, $0x1  }
0x105: {  	s21 =	smov.u32 @p2 s24  }
.LBB2_10:
.Ltmp8:
0x106: {  	(pc) =	sbr.rel @p0 .LBB2_25-.Ltmp8, $3  }
0x107: {  	_ =	sdelay $0x1  }
0x108: {  	s0 =	sshrl.u32 s13, s23  }
0x109: {  	s24 =	smov.u32 s21;
	s21 =	sor.u32 s0, s21  }
0x10a: {  	s0 =	simm.s32 $0x11000  }
0x10b: {  	p5 =	sne.s32 s19, $0x1;
	v7 =	vld [tilespmem:s0+$0x0]  }
.Ltmp9:
0x10c: {  	_ = 	snop;
	(pc) =	sbr.rel @!p5 .LBB2_12-.Ltmp9, $4  }
0x10d: {  	_ = 	snop  }
0x10e: {  	s25 =	simm.s32 $0x0  }
0x10f: {  	s22 =	sadd.s32 $0xFFFFFFFF, s19;
	p2 =	por $0x0, $0x0;
	p3 =	por $0x0, $0x0  }
0x110: {  	v6 =	vmov s21;
	p4 =	por $0x0, $0x0;
	p6 =	por $0x0, $0x0;
	s0 =	simm.s32 $0x11010;
	v8 =	vor.u32 s25, v0;
	v7 =	vand.u32 $0x7FFFFFFF, v7  }
0x111: {  	v9 =	vld [tilespmem:s0+$0x0];
	p1 =	sne.s32 s22, $0x1  }
.Ltmp10:
0x112: {  	_ = 	snop;
	(pc) =	sbr.rel @!p1 .LBB2_14-.Ltmp10, $4  }
0x113: {  	vm0 =	vlt.s32 v8, v5;
	vm1 =	vge.s32 v7, v6  }
0x114: {  	vm0 =	vmand vm0, vm1  }
0x115: {  	s1 =	simm.s32 $0x10;
	v7 =	vsel vm0, $0x1, v1  }
0x116: {  	s0 =	sadd.s32 $0xFFFFFFFF, s22;
	s26 =	simm.s32 $0x11020;
	p2 =	por $0x1, $0x1;
	v8 =	vor.u32 s1, v0;
	(xrf0) =	vadd.scan.msk.s32 $0xffff, v7;
	v7 =	vand.u32 $0x7FFFFFFF, v9  }
0x117: {  	_ =	sdelay $0x4  }
0x118: {  	vm0 =	vlt.s32 v8, v5;
	v8, _, _ =	vpop (xrf0)  }
0x119: {  	(v2sf) =	vpush v8, $0xF;
	_ =	sdelay $0x7  }
0x11a: {  	v9 =	vld [tilespmem:s26+$0x0];
	p1 =	sne.s32 s0, $0x1  }
.Ltmp11:
0x11b: {  	_ = 	snop;
	(pc) =	sbr.rel @!p1 .LBB2_16-.Ltmp11, $4  }
0x11c: {  	vm1 =	vge.s32 v7, v6  }
0x11d: {  	vm0 =	vmand vm0, vm1  }
0x11e: {  	s1 =	simm.s32 $0x20;
	v7 =	vsel vm0, $0x1, v1  }
0x11f: {  	s0 =	sadd.s32 $0xFFFFFFFF, s0;
	s26 =	simm.s32 $0x11030;
	p3 =	por $0x1, $0x1;
	(xrf0) =	vadd.scan.msk.s32 $0xffff, v7;
	v7 =	vand.u32 $0x7FFFFFFF, v9;
	v8 =	vor.u32 s1, v0  }
0x120: {  	_ =	sdelay $0x4  }
0x121: {  	vm0 =	vlt.s32 v8, v5;
	v8, _, _ =	vpop (xrf0)  }
0x122: {  	(v2sf) =	vpush v8, $0xF;
	_ =	sdelay $0x3  }
0x123: {  	v9 =	vld [tilespmem:s26+$0x0];
	p1 =	sne.s32 s0, $0x1  }
.Ltmp12:
0x124: {  	_ = 	snop;
	(pc) =	sbr.rel @!p1 .LBB2_18-.Ltmp12, $4  }
0x125: {  	vm1 =	vge.s32 v7, v6  }
0x126: {  	vm0 =	vmand vm0, vm1  }
0x127: {  	s1 =	simm.s32 $0x30;
	v7 =	vsel vm0, $0x1, v1  }
0x128: {  	s0 =	sadd.s32 $0xFFFFFFFF, s0;
	s26 =	simm.s32 $0x11040;
	p4 =	por $0x1, $0x1;
	(xrf0) =	vadd.scan.msk.s32 $0xffff, v7;
	v7 =	vand.u32 $0x7FFFFFFF, v9;
	v8 =	vor.u32 s1, v0  }
0x129: {  	_ =	sdelay $0x4  }
0x12a: {  	vm0 =	vlt.s32 v8, v5;
	v8, _, _ =	vpop (xrf0)  }
0x12b: {  	(v2sf) =	vpush v8, $0xF;
	_ =	sdelay $0x3  }
0x12c: {  	v9 =	vld [tilespmem:s26+$0x0];
	vm1 =	vge.s32 v7, v6;
	p1 =	sne.s32 s0, $0x1  }
.Ltmp13:
0x12d: {  	vm0 =	vmand vm0, vm1;
	(pc) =	sbr.rel @!p1 .LBB2_20-.Ltmp13, $4  }
0x12e: {  	v7 =	vsel vm0, $0x1, v1  }
0x12f: {  	(xrf0) =	vadd.scan.msk.s32 $0xffff, v7  }
0x130: {  	s28 =	sadd.s32 $0xFFFFFFFF, s0;
	s29 =	simm.s32 $0x40  }
0x131: {  	s0 =	simm.s32 $0x11050;
	p6 =	por $0x1, $0x1;
	s26 =	simm.s32 $0x0;
	v7 =	vand.u32 $0x7FFFFFFF, v9;
	v8 =	vor.u32 s29, v0  }
.LBB2_21:
0x132: {  	v9 =	vld [tilespmem:s0+$0x0];
	p1 =	sne.s32 s28, $0x1;
	s28 =	sadd.s32 $0xFFFFFFFF, s28;
	vm0 =	vlt.s32 v8, v5;
	vm1 =	vge.s32 v7, v6  }
.Ltmp14:
0x133: {  	vm0 =	vmand vm0, vm1;
	s1 =	spop (v2sf);
	(pc) =	sbr.rel @p1 .LBB2_21-.Ltmp14, $4  }
0x134: {  	v8 =	vsel vm0, $0x1, v1;
	s26 =	sadd.s32 s26, s1  }
0x135: {  	(xrf0) =	vadd.scan.msk.s32 $0xffff, v8;
	v7, _, _ =	vpop (xrf0)  }
0x136: {  	s29 =	sadd.s32 $0x10, s29;
	(v2sf) =	vpush v7, $0xF  }
0x137: {  	s0 =	sadd.s32 $0x10, s0;
	v8 =	vor.u32 s29, v0;
	v7 =	vand.u32 $0x7FFFFFFF, v9  }
.LBB2_22:
0x138: {  	vm0 =	vlt.s32 v8, v5;
	vm1 =	vge.s32 v7, v6  }
0x139: {  	vm0 =	vmand vm0, vm1  }
0x13a: {  	v6 =	vsel vm0, $0x1, v1  }
0x13b: {  	(xrf0) =	vadd.scan.msk.s32 $0xffff, v6;
	_ =	sdelay $0x1  }
0x13c: {  	v6, _, _ =	vpop @p2 (xrf0)  }
0x13d: {  	(v2sf) =	vpush @p2 v6, $0xF;
	_ =	sdelay $0x2  }
0x13e: {  	v6, _, _ =	vpop (xrf0)  }
0x13f: {  	(v2sf) =	vpush v6, $0xF;
	_ =	sdelay $0x4  }
0x140: {  	s0 =	spop @p6 (v2sf)  }
0x141: {  	s1 =	simm.s32 $0x0;
	s0 =	sadd.s32 @p6 s26, s0  }
0x142: {  	s1 =	smov.u32 @p6 s0;
	s0 =	spop @p4 (v2sf)  }
0x143: {  	s0 =	sadd.s32 @p4 s1, s0;
	s1 =	simm.s32 $0x0  }
0x144: {  	s1 =	smov.u32 @p4 s0;
	s0 =	spop @p3 (v2sf)  }
0x145: {  	s0 =	sadd.s32 @p3 s1, s0;
	s1 =	simm.s32 $0x0  }
0x146: {  	s1 =	smov.u32 @p3 s0;
	s0 =	spop @p2 (v2sf)  }
0x147: {  	s23 =	sadd.s32 $0x1, s23;
	s0 =	sadd.s32 @p2 s1, s0  }
0x148: {  	s25 =	smov.u32 @p2 s0;
	p2 =	seq.s32 s23, $0x13  }
.Ltmp15:
0x149: {  	_ = 	snop;
	(pc) =	sbr.rel @!p2 .LBB2_10-.Ltmp15, $4  }
.Ltmp16:
0x14a: {  	s31 =	spop (v2sf);
	(pc) =	sbr.rel @p2 .LBB2_23-.Ltmp16, $4  }
0x14b: {  	s0 =	sadd.s32 s25, s31  }
0x14c: {  	p1 =	slt.s32 s0, s20  }
0x14d: {  	s21 =	smov.u32 @p1 s24  }
0x14e: {  	_ = 	snop  }
.LBB2_12:
.Ltmp17:
0x14f: {  	(pc) =	sbr.rel .LBB2_22-.Ltmp17, $2  }
0x150: {  	_ =	sdelay $0x2  }
0x151: {  	s26 =	simm.s32 $0x0  }
.LBB2_14:
.Ltmp18:
0x152: {  	(pc) =	sbr.rel .LBB2_22-.Ltmp18, $2  }
0x153: {  	_ =	sdelay $0x2  }
0x154: {  	s26 =	simm.s32 $0x0  }
.LBB2_16:
.Ltmp19:
0x155: {  	(pc) =	sbr.rel .LBB2_22-.Ltmp19, $2  }
0x156: {  	_ =	sdelay $0x2  }
0x157: {  	s26 =	simm.s32 $0x0  }
.LBB2_18:
.Ltmp20:
0x158: {  	(pc) =	sbr.rel .LBB2_22-.Ltmp20, $2  }
0x159: {  	_ =	sdelay $0x3  }
0x15a: {  	s26 =	simm.s32 $0x0  }
.LBB2_20:
.Ltmp21:
0x15b: {  	(pc) =	sbr.rel .LBB2_22-.Ltmp21, $2  }
0x15c: {  	_ =	sdelay $0x2  }
0x15d: {  	s26 =	simm.s32 $0x0  }
.LBB2_23:
0x15e: {  	s0 =	simm.s32 $0x11000  }
0x15f: {  	v7 =	vld [tilespmem:s0+$0x0]  }
.Ltmp22:
0x160: {  	_ = 	snop;
	(pc) =	sbr.rel @!p5 .LBB2_24-.Ltmp22, $3  }
0x161: {  	_ =	sdelay $0x1  }
0x162: {  	v6 =	vmov s21;
	s21 =	simm.s32 $0x0;
	p1 =	por $0x0, $0x0;
	p2 =	por $0x0, $0x0  }
0x163: {  	p3 =	por $0x0, $0x0;
	p4 =	por $0x0, $0x0;
	s0 =	simm.s32 $0x11010;
	v8 =	vor.u32 s21, v0;
	v7 =	vand.u32 $0x7FFFFFFF, v7  }
0x164: {  	v9 =	vld [tilespmem:s0+$0x0];
	p5 =	sne.s32 s22, $0x1  }
.Ltmp23:
0x165: {  	vm0 =	vlt.s32 v8, v5;
	vm1 =	veq.s32 v7, v6;
	(pc) =	sbr.rel @!p5 .LBB2_28-.Ltmp23, $4  }
0x166: {  	vm2 =	vgt.s32 v7, v6;
	vm1 =	vmand vm0, vm1  }
0x167: {  	vm0 =	vmand vm0, vm2;
	v7 =	vsel vm1, $0x1, v1  }
0x168: {  	s1 =	simm.s32 $0x10;
	v8 =	vsel vm0, $0x1, v1;
	(xrf0) =	vadd.scan.msk.s32 $0xffff, v7  }
0x169: {  	s0 =	sadd.s32 $0xFFFFFFFF, s22;
	s22 =	simm.s32 $0x11020;
	p1 =	por $0x1, $0x1;
	(xrf0) =	vadd.scan.msk.s32 $0xffff, v8;
	v8 =	vor.u32 s1, v0;
	v7 =	vand.u32 $0x7FFFFFFF, v9  }
0x16a: {  	_ =	sdelay $0x3  }
0x16b: {  	vm0 =	vlt.s32 v8, v5;
	v8, _, _ =	vpop (xrf0)  }
0x16c: {  	(v2sf) =	vpush v8, $0xF;
	v10, _, _ =	vpop (xrf0)  }
0x16d: {  	(v2sf) =	vpush v10, $0xF;
	_ =	sdelay $0x6  }
0x16e: {  	v9 =	vld [tilespmem:s22+$0x0];
	p5 =	sne.s32 s0, $0x1  }
.Ltmp24:
0x16f: {  	vm1 =	veq.s32 v7, v6;
	(pc) =	sbr.rel @!p5 .LBB2_30-.Ltmp24, $4  }
0x170: {  	vm2 =	vgt.s32 v7, v6;
	vm1 =	vmand vm0, vm1  }
0x171: {  	vm0 =	vmand vm0, vm2;
	v7 =	vsel vm1, $0x1, v1  }
0x172: {  	s1 =	simm.s32 $0x20;
	(xrf0) =	vadd.scan.msk.s32 $0xffff, v7;
	v7 =	vsel vm0, $0x1, v1  }
0x173: {  	s0 =	sadd.s32 $0xFFFFFFFF, s0;
	s22 =	simm.s32 $0x11030;
	p2 =	por $0x1, $0x1;
	(xrf0) =	vadd.scan.msk.s32 $0xffff, v7;
	v7 =	vand.u32 $0x7FFFFFFF, v9;
	v8 =	vor.u32 s1, v0  }
0x174: {  	_ =	sdelay $0x3  }
0x175: {  	vm0 =	vlt.s32 v8, v5;
	v8, _, _ =	vpop (xrf0)  }
0x176: {  	(v2sf) =	vpush v8, $0xF;
	v10, _, _ =	vpop (xrf0)  }
0x177: {  	(v2sf) =	vpush v10, $0xF;
	_ =	sdelay $0x3  }
0x178: {  	v9 =	vld [tilespmem:s22+$0x0];
	p5 =	sne.s32 s0, $0x1  }
.Ltmp25:
0x179: {  	vm1 =	veq.s32 v7, v6;
	(pc) =	sbr.rel @!p5 .LBB2_32-.Ltmp25, $4  }
0x17a: {  	vm2 =	vgt.s32 v7, v6;
	vm1 =	vmand vm0, vm1  }
0x17b: {  	vm0 =	vmand vm0, vm2;
	v7 =	vsel vm1, $0x1, v1  }
0x17c: {  	s1 =	simm.s32 $0x30;
	(xrf0) =	vadd.scan.msk.s32 $0xffff, v7;
	v7 =	vsel vm0, $0x1, v1  }
0x17d: {  	s0 =	sadd.s32 $0xFFFFFFFF, s0;
	s22 =	simm.s32 $0x11040;
	p3 =	por $0x1, $0x1;
	(xrf0) =	vadd.scan.msk.s32 $0xffff, v7;
	v7 =	vand.u32 $0x7FFFFFFF, v9;
	v8 =	vor.u32 s1, v0  }
0x17e: {  	_ =	sdelay $0x3  }
0x17f: {  	vm0 =	vlt.s32 v8, v5;
	v8, _, _ =	vpop (xrf0)  }
0x180: {  	(v2sf) =	vpush v8, $0xF;
	v10, _, _ =	vpop (xrf0)  }
0x181: {  	(v2sf) =	vpush v10, $0xF;
	_ =	sdelay $0x3  }
0x182: {  	v9 =	vld [tilespmem:s22+$0x0];
	vm1 =	veq.s32 v7, v6;
	p5 =	sne.s32 s0, $0x1  }
.Ltmp26:
0x183: {  	vm2 =	vgt.s32 v7, v6;
	vm1 =	vmand vm0, vm1;
	(pc) =	sbr.rel @!p5 .LBB2_34-.Ltmp26, $4  }
0x184: {  	vm0 =	vmand vm0, vm2;
	v7 =	vsel vm1, $0x1, v1  }
0x185: {  	(xrf0) =	vadd.scan.msk.s32 $0xffff, v7;
	v7 =	vsel vm0, $0x1, v1  }
0x186: {  	s24 =	sadd.s32 $0xFFFFFFFF, s0;
	s25 =	simm.s32 $0x40;
	s26 =	simm.s32 $0x11050;
	(xrf0) =	vadd.scan.msk.s32 $0xffff, v7  }
0x187: {  	p4 =	por $0x1, $0x1;
	s22 =	simm.s32 $0x0;
	s23 =	simm.s32 $0x0;
	v7 =	vand.u32 $0x7FFFFFFF, v9;
	v8 =	vor.u32 s25, v0  }
.LBB2_35:
0x188: {  	v9 =	vld [tilespmem:s26+$0x0];
	p5 =	sne.s32 s24, $0x1;
	s24 =	sadd.s32 $0xFFFFFFFF, s24;
	vm0 =	vlt.s32 v8, v5;
	vm1 =	vgt.s32 v7, v6;
	vm2 =	veq.s32 v7, v6  }
.Ltmp27:
0x189: {  	vm1 =	vmand vm0, vm1;
	vm0 =	vmand vm0, vm2;
	s0 =	spop (v2sf);
	(pc) =	sbr.rel @p5 .LBB2_35-.Ltmp27, $4  }
0x18a: {  	v7 =	vsel vm1, $0x1, v1;
	v11 =	vsel vm0, $0x1, v1;
	s22 =	sadd.s32 s22, s0;
	s0 =	spop (v2sf)  }
0x18b: {  	(xrf0) =	vadd.scan.msk.s32 $0xffff, v11;
	v8, _, _ =	vpop (xrf0);
	s23 =	sadd.s32 s23, s0  }
0x18c: {  	s25 =	sadd.s32 $0x10, s25;
	(xrf0) =	vadd.scan.msk.s32 $0xffff, v7;
	v10, _, _ =	vpop (xrf0);
	(v2sf) =	vpush v8, $0xF  }
0x18d: {  	s26 =	sadd.s32 $0x10, s26;
	v8 =	vor.u32 s25, v0;
	v7 =	vand.u32 $0x7FFFFFFF, v9;
	(v2sf) =	vpush v10, $0xF  }
.LBB2_36:
0x18e: {  	vm0 =	vlt.s32 v8, v5;
	vm1 =	veq.s32 v7, v6  }
0x18f: {  	vm2 =	vgt.s32 v7, v6;
	vm1 =	vmand vm0, vm1  }
0x190: {  	vm0 =	vmand vm0, vm2;
	v7 =	vsel vm1, $0x1, v1  }
0x191: {  	v8 =	vsel vm0, $0x1, v1;
	(xrf0) =	vadd.scan.msk.s32 $0xffff, v7  }
0x192: {  	(xrf0) =	vadd.scan.msk.s32 $0xffff, v8;
	_ =	sdelay $0x2  }
0x193: {  	v7, _, _ =	vpop @p1 (xrf0)  }
0x194: {  	v8, _, _ =	vpop @p1 (xrf0);
	(v2sf) =	vpush @p1 v7, $0xF  }
0x195: {  	(v2sf) =	vpush @p1 v8, $0xF;
	v7, _, _ =	vpop (xrf0)  }
0x196: {  	v8, _, _ =	vpop (xrf0);
	(v2sf) =	vpush v7, $0xF  }
0x197: {  	(v2sf) =	vpush v8, $0xF;
	_ =	sdelay $0x2  }
0x198: {  	s0 =	spop @p4 (v2sf)  }
0x199: {  	s1 =	spop @p4 (v2sf)  }
0x19a: {  	s0 =	sadd.s32 @p4 s22, s0;
	s22 =	simm.s32 $0x0;
	s1 =	sadd.s32 @p4 s23, s1  }
0x19b: {  	s22 =	smov.u32 @p4 s0;
	s0 =	simm.s32 $0x0;
	s23 =	spop @p3 (v2sf)  }
0x19c: {  	s0 =	smov.u32 @p4 s1;
	s1 =	spop @p3 (v2sf);
	s22 =	sadd.s32 @p3 s22, s23  }
0x19d: {  	s23 =	simm.s32 $0x0;
	s0 =	sadd.s32 @p3 s0, s1;
	s1 =	simm.s32 $0x0  }
0x19e: {  	s23 =	smov.u32 @p3 s22;
	s1 =	smov.u32 @p3 s0;
	s0 =	spop @p2 (v2sf)  }
0x19f: {  	s0 =	sadd.s32 @p2 s23, s0;
	s22 =	spop @p2 (v2sf);
	s23 =	simm.s32 $0x0  }
0x1a0: {  	s1 =	sadd.s32 @p2 s1, s22;
	s23 =	smov.u32 @p2 s0;
	s0 =	simm.s32 $0x0  }
.Ltmp28:
0x1a1: {  	s0 =	smov.u32 @p2 s1;
	s1 =	spop @p1 (v2sf);
	(pc) =	sbr.rel .LBB2_37-.Ltmp28, $4  }
0x1a2: {  	s1 =	sadd.s32 @p1 s23, s1;
	s22 =	spop @p1 (v2sf)  }
0x1a3: {  	s23 =	simm.s32 $0x0;
	s0 =	sadd.s32 @p1 s0, s22;
	s30 =	spop (v2sf)  }
0x1a4: {  	s23 =	smov.u32 @p1 s1;
	s21 =	smov.u32 @p1 s0;
	s31 =	spop (v2sf)  }
0x1a5: {  	s22 =	sadd.s32 s23, s30;
	s0 =	sadd.s32 s21, s31  }
.LBB2_26:
0x1a6: {  	v6 =	vmov s21;
	s0 =	simm.s32 $0x0;
	s22 =	simm.s32 $0x0  }
.LBB2_37:
.Ltmp29:
0x1a7: {  	s21 =	ssub.s32 s20, s0;
	(pc) =	sbr.rel .LBB2_38-.Ltmp29, $4  }
0x1a8: {  	p1 =	sgt.s32 s21, $0x0  }
0x1a9: {  	s0 =	simm.s32 @!p1 $0x0  }
0x1aa: {  	s0 =	simm.s32 @p1 $0x1  }
0x1ab: {  	s20 =	simm.s32 $0x0;
	s24 =	simm.s32 $0x0;
	[smem:$0x7FC] =	sst s0  }
.LBB2_115:
0x1ac: {  	s0 =	sld [smem:$0x7FC];
	_ =	sdelay $0x2  }
0x1ad: {  	s24 =	sadd.s32 $0x1, s24;
	p1 =	seq.s32 s0, $0x1  }
0x1ae: {  	s25 =	simm.s32 @!p1 $0x0;
	p1 =	seq.s32 s24, $0xF  }
.Ltmp30:
0x1af: {  	_ = 	snop;
	(pc) =	sbr.rel @p1 .LBB2_57-.Ltmp30, $2  }
0x1b0: {  	_ =	sdelay $0x2  }
0x1b1: {  	s20 =	sor.u32 s20, s25  }
.LBB2_38:
.Ltmp31:
0x1b2: {  	(pc) =	sbr.rel @p0 .LBB2_115-.Ltmp31, $2  }
0x1b3: {  	_ =	sdelay $0x2  }
0x1b4: {  	s25 =	sshrl.u32 s14, s24  }
0x1b5: {  	s0 =	simm.s32 $0x11000  }
0x1b6: {  	p2 =	sne.s32 s19, $0x1;
	v9 =	vld [tilespmem:s0+$0x0]  }
.Ltmp32:
0x1b7: {  	_ = 	snop;
	(pc) =	sbr.rel @!p2 .LBB2_40-.Ltmp32, $4  }
0x1b8: {  	s31 =	sadd.s32 s20, s25  }
0x1b9: {  	s28 =	simm.s32 $0x12000;
	s26 =	simm.s32 $0x0;
	s23 =	sadd.s32 $0xFFFFFFFF, s19  }
0x1ba: {  	p3 =	por $0x0, $0x0;
	p4 =	por $0x0, $0x0;
	s1 =	sadd.s32 $0xFFFFFFFF, s31  }
0x1bb: {  	p5 =	por $0x0, $0x0;
	p6 =	por $0x0, $0x0;
	s0 =	simm.s32 $0x11010;
	v8 =	vld [tilespmem:s28+$0x0];
	v10 =	vor.u32 s26, v0;
	v7 =	vmov s1;
	v9 =	vand.u32 $0x7FFFFFFF, v9  }
0x1bc: {  	_ =	sdelay $0x1  }
0x1bd: {  	v11 =	vld [tilespmem:s0+$0x0];
	p1 =	sne.s32 s23, $0x1  }
.Ltmp33:
0x1be: {  	vm0 =	vlt.s32 v10, v5;
	vm1 =	veq.s32 v9, v6;
	(pc) =	sbr.rel @!p1 .LBB2_42-.Ltmp33, $4  }
0x1bf: {  	vm0 =	vmand vm0, vm1;
	vm15 =	vle.s32 v8, v7  }
0x1c0: {  	vm0 =	vmand vm15, vm0  }
0x1c1: {  	s31 =	simm.s32 $0x12010;
	s1 =	simm.s32 $0x10;
	v9 =	vsel vm0, $0x1, v1  }
0x1c2: {  	s0 =	sadd.s32 $0xFFFFFFFF, s23;
	s28 =	simm.s32 $0x11020;
	p3 =	por $0x1, $0x1;
	v10 =	vor.u32 s1, v0;
	v8 =	vld [tilespmem:s31+$0x0];
	(xrf0) =	vadd.scan.msk.s32 $0xffff, v9;
	v9 =	vand.u32 $0x7FFFFFFF, v11  }
0x1c3: {  	_ =	sdelay $0x4  }
0x1c4: {  	v12, _, _ =	vpop (xrf0)  }
0x1c5: {  	(v2sf) =	vpush v12, $0xF;
	_ =	sdelay $0x6  }
0x1c6: {  	v11 =	vld [tilespmem:s28+$0x0];
	p1 =	sne.s32 s0, $0x1  }
.Ltmp34:
0x1c7: {  	vm0 =	vlt.s32 v10, v5;
	vm1 =	veq.s32 v9, v6;
	(pc) =	sbr.rel @!p1 .LBB2_44-.Ltmp34, $4  }
0x1c8: {  	vm0 =	vmand vm0, vm1;
	vm15 =	vle.s32 v8, v7  }
0x1c9: {  	vm0 =	vmand vm15, vm0  }
0x1ca: {  	s1 =	simm.s32 $0x12020;
	s28 =	simm.s32 $0x20;
	v9 =	vsel vm0, $0x1, v1  }
0x1cb: {  	s0 =	sadd.s32 $0xFFFFFFFF, s0;
	p4 =	por $0x1, $0x1;
	v10 =	vor.u32 s28, v0;
	s28 =	simm.s32 $0x11030;
	v8 =	vld [tilespmem:s1+$0x0];
	(xrf0) =	vadd.scan.msk.s32 $0xffff, v9;
	v9 =	vand.u32 $0x7FFFFFFF, v11  }
0x1cc: {  	_ =	sdelay $0x4  }
0x1cd: {  	v12, _, _ =	vpop (xrf0)  }
0x1ce: {  	(v2sf) =	vpush v12, $0xF;
	_ =	sdelay $0x3  }
0x1cf: {  	v11 =	vld [tilespmem:s28+$0x0];
	p1 =	sne.s32 s0, $0x1  }
.Ltmp35:
0x1d0: {  	vm0 =	vlt.s32 v10, v5;
	vm1 =	veq.s32 v9, v6;
	(pc) =	sbr.rel @!p1 .LBB2_46-.Ltmp35, $4  }
0x1d1: {  	vm0 =	vmand vm0, vm1;
	vm15 =	vle.s32 v8, v7  }
0x1d2: {  	vm0 =	vmand vm15, vm0  }
0x1d3: {  	s1 =	simm.s32 $0x12030;
	s28 =	simm.s32 $0x30;
	v9 =	vsel vm0, $0x1, v1  }
0x1d4: {  	s0 =	sadd.s32 $0xFFFFFFFF, s0;
	p5 =	por $0x1, $0x1;
	v10 =	vor.u32 s28, v0;
	s28 =	simm.s32 $0x11040;
	v8 =	vld [tilespmem:s1+$0x0];
	(xrf0) =	vadd.scan.msk.s32 $0xffff, v9;
	v9 =	vand.u32 $0x7FFFFFFF, v11  }
0x1d5: {  	_ =	sdelay $0x4  }
0x1d6: {  	v12, _, _ =	vpop (xrf0)  }
0x1d7: {  	(v2sf) =	vpush v12, $0xF;
	_ =	sdelay $0x3  }
0x1d8: {  	v11 =	vld [tilespmem:s28+$0x0];
	vm0 =	vlt.s32 v10, v5;
	vm1 =	veq.s32 v9, v6;
	p1 =	sne.s32 s0, $0x1  }
.Ltmp36:
0x1d9: {  	s30 =	simm.s32 $0x12040;
	vm0 =	vmand vm0, vm1;
	vm15 =	vle.s32 v8, v7;
	(pc) =	sbr.rel @!p1 .LBB2_48-.Ltmp36, $4  }
0x1da: {  	v8 =	vld [tilespmem:s30+$0x0];
	vm0 =	vmand vm15, vm0  }
0x1db: {  	v9 =	vsel vm0, $0x1, v1  }
0x1dc: {  	s29 =	sadd.s32 $0xFFFFFFFF, s0;
	s31 =	simm.s32 $0x40;
	(xrf0) =	vadd.scan.msk.s32 $0xffff, v9  }
0x1dd: {  	s0 =	simm.s32 $0x11050;
	p6 =	por $0x1, $0x1;
	s28 =	simm.s32 $0x0;
	v10 =	vor.u32 s31, v0;
	v9 =	vand.u32 $0x7FFFFFFF, v11  }
.LBB2_49:
0x1de: {  	v11 =	vld [tilespmem:s0+$0x0];
	p1 =	sne.s32 s29, $0x1;
	s29 =	sadd.s32 $0xFFFFFFFF, s29;
	vm0 =	vlt.s32 v10, v5;
	vm1 =	veq.s32 v9, v6  }
.Ltmp37:
0x1df: {  	s30 =	sadd.s32 $0x10, s30;
	vm0 =	vmand vm0, vm1;
	vm1 =	vle.s32 v8, v7;
	(pc) =	sbr.rel @p1 .LBB2_49-.Ltmp37, $4  }
0x1e0: {  	v8 =	vld [tilespmem:s30+$0x0];
	vm0 =	vmand vm1, vm0;
	s1 =	spop (v2sf)  }
0x1e1: {  	v9 =	vsel vm0, $0x1, v1;
	s28 =	sadd.s32 s28, s1  }
0x1e2: {  	s31 =	sadd.s32 $0x10, s31;
	(xrf0) =	vadd.scan.msk.s32 $0xffff, v9;
	v12, _, _ =	vpop (xrf0)  }
0x1e3: {  	s0 =	sadd.s32 $0x10, s0;
	v10 =	vor.u32 s31, v0;
	v9 =	vand.u32 $0x7FFFFFFF, v11;
	(v2sf) =	vpush v12, $0xF  }
.LBB2_50:
0x1e4: {  	vm0 =	vlt.s32 v10, v5;
	vm1 =	veq.s32 v9, v6  }
0x1e5: {  	vm0 =	vmand vm0, vm1;
	vm15 =	vle.s32 v8, v7  }
0x1e6: {  	vm0 =	vmand vm15, vm0  }
0x1e7: {  	v7 =	vsel vm0, $0x1, v1  }
0x1e8: {  	(xrf0) =	vadd.scan.msk.s32 $0xffff, v7;
	_ =	sdelay $0x3  }
0x1e9: {  	v7, _, _ =	vpop @p3 (xrf0)  }
0x1ea: {  	(v2sf) =	vpush @p3 v7, $0xF  }
0x1eb: {  	v7, _, _ =	vpop (xrf0)  }
0x1ec: {  	(v2sf) =	vpush v7, $0xF;
	_ =	sdelay $0x6  }
0x1ed: {  	s0 =	spop @p6 (v2sf)  }
0x1ee: {  	s1 =	simm.s32 $0x0;
	s0 =	sadd.s32 @p6 s28, s0  }
0x1ef: {  	s1 =	smov.u32 @p6 s0;
	s0 =	spop @p5 (v2sf)  }
0x1f0: {  	s0 =	sadd.s32 @p5 s1, s0;
	s1 =	simm.s32 $0x0  }
0x1f1: {  	s1 =	smov.u32 @p5 s0;
	s0 =	spop @p4 (v2sf)  }
0x1f2: {  	s0 =	sadd.s32 @p4 s1, s0;
	s1 =	simm.s32 $0x0  }
0x1f3: {  	s1 =	smov.u32 @p4 s0;
	s0 =	spop @p3 (v2sf)  }
0x1f4: {  	s0 =	sadd.s32 @p3 s1, s0  }
0x1f5: {  	s26 =	smov.u32 @p3 s0;
	s31 =	spop (v2sf)  }
0x1f6: {  	s0 =	sadd.s32 s26, s31  }
0x1f7: {  	s24 =	sadd.s32 $0x1, s24;
	p1 =	slt.s32 s0, s21  }
0x1f8: {  	s25 =	simm.s32 @!p1 $0x0;
	p1 =	seq.s32 s24, $0xF  }
.Ltmp38:
0x1f9: {  	_ = 	snop;
	(pc) =	sbr.rel @!p1 .LBB2_38-.Ltmp38, $4  }
.Ltmp39:
0x1fa: {  	_ = 	snop;
	(pc) =	sbr.rel @p1 .LBB2_51-.Ltmp39, $4  }
0x1fb: {  	_ = 	snop  }
0x1fc: {  	_ = 	snop  }
0x1fd: {  	s20 =	sor.u32 s20, s25  }
0x1fe: {  	_ = 	snop  }
.LBB2_40:
.Ltmp40:
0x1ff: {  	(pc) =	sbr.rel .LBB2_50-.Ltmp40, $2  }
0x200: {  	_ =	sdelay $0x2  }
0x201: {  	s28 =	simm.s32 $0x0  }
.LBB2_42:
.Ltmp41:
0x202: {  	(pc) =	sbr.rel .LBB2_50-.Ltmp41, $2  }
0x203: {  	_ =	sdelay $0x2  }
0x204: {  	s28 =	simm.s32 $0x0  }
.LBB2_44:
.Ltmp42:
0x205: {  	(pc) =	sbr.rel .LBB2_50-.Ltmp42, $2  }
0x206: {  	_ =	sdelay $0x2  }
0x207: {  	s28 =	simm.s32 $0x0  }
.LBB2_46:
.Ltmp43:
0x208: {  	(pc) =	sbr.rel .LBB2_50-.Ltmp43, $2  }
0x209: {  	_ =	sdelay $0x3  }
0x20a: {  	s28 =	simm.s32 $0x0  }
.LBB2_48:
.Ltmp44:
0x20b: {  	(pc) =	sbr.rel .LBB2_50-.Ltmp44, $2  }
0x20c: {  	_ =	sdelay $0x2  }
0x20d: {  	s28 =	simm.s32 $0x0  }
.LBB2_51:
.Ltmp45:
0x20e: {  	(pc) =	sbr.rel @!p2 .LBB2_52-.Ltmp45, $4  }
0x20f: {  	_ = 	snop  }
0x210: {  	p0 =	sgt.s32 s22, s21  }
0x211: {  	s0 =	simm.s32 $0x11000;
	s20 =	simm.s32 @!p0 $0x40000000  }
0x212: {  	s19 =	simm.s32 $0x0;
	v8 =	vld [tilespmem:s0+$0x0];
	p0 =	por $0x0, $0x0;
	v7 =	vmov s20;
	s20 =	simm.s32 $0x12000  }
0x213: {  	v9 =	vld [tilespmem:s20+$0x0];
	_ =	sdelay $0x3  }
0x214: {  	v10 =	vand.u32 $0x7FFFFFFF, v8  }
0x215: {  	vm0 =	veq.s32 v6, v10;
	vm1 =	vle.s32 v9, v7  }
0x216: {  	v11 =	vor.u32 s19, v0;
	vm2 =	vlt.s32 v6, v10;
	vm0 =	vmand vm1, vm0  }
0x217: {  	vm15 =	vlt.s32 v11, v5;
	vm0 =	vmor vm2, vm0  }
0x218: {  	vm0 =	vmand vm15, vm0;
	_ =	sdelay $0x1  }
0x219: {  	p1 =	sne.s32 s23, $0x1  }
.Ltmp46:
0x21a: {  	_ = 	snop;
	(pc) =	sbr.rel @!p1 .LBB2_54-.Ltmp46, $3  }
0x21b: {  	_ =	sdelay $0x1  }
0x21c: {  	s22 =	simm.s32 $0x11010;
	s23 =	sadd.s32 $0xFFFFFFFF, s23;
	[tilespmem:v9+s2+$0x0] =	vst.idx.msk vm0, v8  }
0x21d: {  	s20 =	simm.s32 $0x12010;
	p0 =	por $0x1, $0x1;
	s21 =	simm.s32 $0x0;
	v8 =	vld [tilespmem:s22+$0x0]  }
.LBB2_55:
0x21e: {  	p1 =	sne.s32 s23, $0x1;
	v9 =	vld [tilespmem:s20+$0x0];
	_ =	sdelay $0x3  }
0x21f: {  	v10 =	vand.u32 $0x7FFFFFFF, v8  }
0x220: {  	s21 =	sadd.s32 $0x10, s21;
	vm0 =	veq.s32 v6, v10;
	vm1 =	vle.s32 v9, v7  }
0x221: {  	v11 =	vor.u32 s21, v0;
	vm2 =	vlt.s32 v6, v10;
	vm0 =	vmand vm1, vm0  }
0x222: {  	vm1 =	vlt.s32 v11, v5;
	vm0 =	vmor vm2, vm0  }
0x223: {  	vm0 =	vmand vm1, vm0;
	_ =	sdelay $0x2  }
.Ltmp47:
0x224: {  	(pc) =	sbr.rel @p1 .LBB2_55-.Ltmp47, $3  }
0x225: {  	_ =	sdelay $0x1  }
0x226: {  	s22 =	sadd.s32 $0x10, s22;
	[tilespmem:v9+s2+$0x0] =	vst.idx.msk vm0, v8  }
0x227: {  	s23 =	sadd.s32 $0xFFFFFFFF, s23;
	s20 =	sadd.s32 $0x10, s20;
	v8 =	vld [tilespmem:s22+$0x0]  }
.LBB2_56:
0x228: {  	v9 =	vld [tilespmem:s20+$0x0];
	_ =	sdelay $0x3  }
0x229: {  	s0 =	sadd.s32 @p0 $0x10, s21;
	v10 =	vand.u32 $0x7FFFFFFF, v8  }
0x22a: {  	s19 =	smov.u32 @p0 s0;
	vm0 =	veq.s32 v6, v10;
	vm1 =	vle.s32 v9, v7  }
0x22b: {  	v7 =	vor.u32 s19, v0;
	vm2 =	vlt.s32 v6, v10;
	vm0 =	vmand vm1, vm0  }
0x22c: {  	vm15 =	vlt.s32 v7, v5;
	vm0 =	vmor vm2, vm0  }
0x22d: {  	vm0 =	vmand vm15, vm0;
	_ =	sdelay $0x5  }
0x22e: {  	[tilespmem:v9+s2+$0x0] =	vst.idx.msk vm0, v8  }
.LBB2_57:
0x22f: {  	[hbm4b:s5+s8] =	stream.strided.scatter [tilespmem:s2], [sflag:$0x3], $0x8000, s9, s8, $0x38;
	[tilespmem:$0x13000] =	vst v63  }
0x230: {  	_ =	swait.ge [sflag:s15], $0x8000  }
0x231: {  	[sflag:s15] =	ssyncset.done $0x0  }
0x232: {  	s0 =	simm.s32 $0x10020;
	[sflag:s15] =	ssyncadd.s32 $0xFFFF8000  }
0x233: {  	[tilespmem:s0+$0xFFFFFFE0] =	vst v1  }
0x234: {  	[tilespmem:s0+$0x10] =	vst v1  }
0x235: {  	s20 =	simm.s32 $0xFFFFFFFC;
	s19 =	simm.s32 $0x0;
	[tilespmem:s0+$0x0] =	vst v1  }
.LBB2_58:
0x236: {  	s19 =	sadd.s32 $0x4, s19  }
0x237: {  	[tilespmem:s0+$0xFFFFFFF0] =	vst v1;
	s0 =	sadd.s32 $0x40, s0;
	s21 =	simm.s32 $0x8020;
	p0 =	slt.u32 s19, $0xFC  }
.Ltmp48:
0x238: {  	[tilespmem:s0+$0xFFFFFFE0] =	vst v1;
	(pc) =	sbr.rel @p0 .LBB2_58-.Ltmp48, $3  }
0x239: {  	_ =	sdelay $0x1  }
0x23a: {  	[tilespmem:s0+$0x10] =	vst v1  }
0x23b: {  	[tilespmem:s0+$0x0] =	vst v1  }
0x23c: {  	[tilespmem:s0+$0xFFFFFFF0] =	vst v1  }
.LBB2_60:
0x23d: {  	v5 =	vld [tilespmem:s21+$0xFFFFFFE0];
	_ =	sdelay $0x4  }
0x23e: {  	v5 =	vshrl.u32 v5, $0x13  }
0x23f: {  	v5 =	vand.u32 $0xFFF, v5;
	_ =	sdelay $0x4  }
0x240: {  	[tilespmem:v5+s12+$0x0] =	vst.idx.add.s32.msk $0xffff, v2  }
0x241: {  	v5 =	vld [tilespmem:s21+$0xFFFFFFF0];
	_ =	sdelay $0x4  }
0x242: {  	v5 =	vshrl.u32 v5, $0x13  }
0x243: {  	v5 =	vand.u32 $0xFFF, v5;
	_ =	sdelay $0x4  }
0x244: {  	[tilespmem:v5+s12+$0x0] =	vst.idx.add.s32.msk $0xffff, v2  }
0x245: {  	v5 =	vld [tilespmem:s21+$0x0];
	_ =	sdelay $0x4  }
0x246: {  	v5 =	vshrl.u32 v5, $0x13  }
0x247: {  	v5 =	vand.u32 $0xFFF, v5;
	_ =	sdelay $0x4  }
0x248: {  	[tilespmem:v5+s12+$0x0] =	vst.idx.add.s32.msk $0xffff, v2  }
0x249: {  	v5 =	vld [tilespmem:s21+$0x10];
	_ =	sdelay $0x4  }
0x24a: {  	s20 =	sadd.s32 $0x4, s20;
	v5 =	vshrl.u32 v5, $0x13  }
0x24b: {  	p0 =	slt.u32 s20, $0x7FC;
	v5 =	vand.u32 $0xFFF, v5  }
.Ltmp49:
0x24c: {  	_ = 	snop;
	(pc) =	sbr.rel @p0 .LBB2_60-.Ltmp49, $3  }
0x24d: {  	_ =	sdelay $0x1  }
0x24e: {  	s0 =	simm.s32 $0x0;
	s19 =	simm.s32 $0xFFFFFFFF  }
0x24f: {  	s22 =	simm.s32 $0xFF0;
	s23 =	simm.s32 $0x10FF0;
	s21 =	sadd.s32 $0x40, s21;
	[tilespmem:v5+s12+$0x0] =	vst.idx.add.s32.msk $0xffff, v2  }
0x250: {  	v5 =	vld [tilespmem:s23+$0x0];
	_ =	sdelay $0x2  }
0x251: {  	s1 =	simm.s32 $0x10FE0  }
0x252: {  	v6 =	vld [tilespmem:s1+$0x0]  }
0x253: {  	(xrf0) =	vadd.scan.msk.s32 $0xffff, v5  }
0x254: {  	v5 =	vperm.xlane v5, v3;
	_ =	sdelay $0x1  }
0x255: {  	s23 =	simm.s32 $0x10FD0;
	(xrf0) =	vadd.scan.msk.s32 $0xffff, v5  }
0x256: {  	v5 =	vld [tilespmem:s23+$0x0];
	(xrf0) =	vadd.scan.msk.s32 $0xffff, v6  }
0x257: {  	v6 =	vperm.xlane v6, v3  }
0x258: {  	v7, _, _ =	vpop (xrf0)  }
0x259: {  	(v2sf) =	vpush v7, $0xF  }
0x25a: {  	(xrf0) =	vadd.scan.msk.s32 $0xffff, v6  }
0x25b: {  	s24 =	simm.s32 $0x10FC0;
	(xrf0) =	vadd.scan.msk.s32 $0xffff, v5;
	v6, _, _ =	vpop (xrf0)  }
0x25c: {  	v7 =	vld [tilespmem:s24+$0x0];
	v5 =	vperm.xlane v5, v3;
	v8, _, _ =	vpop (xrf0)  }
0x25d: {  	(v2sf) =	vpush v8, $0xF;
	_ =	sdelay $0x1  }
0x25e: {  	v6 =	vperm.xlane v6, v3  }
0x25f: {  	(xrf0) =	vadd.scan.msk.s32 $0xffff, v5;
	v5, _, _ =	vpop (xrf0)  }
0x260: {  	v6 =	vadd.s32 s0, v6;
	v8 =	vperm.xlane v7, v3;
	(xrf0) =	vadd.scan.msk.s32 $0xffff, v7;
	v7, _, _ =	vpop (xrf0)  }
0x261: {  	v9 =	vor.u32 s22, v4;
	vm0 =	vgt.s32 v6, $0x3FF;
	(v2sf) =	vpush v7, $0xF  }
0x262: {  	v6 =	vxor.u32 $0x80000000, v6;
	(xrf0) =	vadd.scan.msk.s32 $0xffff, v8;
	v7 =	vnsel vm0, $0x7FFFFFFF, v9  }
0x263: {  	s25 =	simm.s32 $0x10FB0;
	v6 =	vsel vm0, $0x7FFFFFFF, v6;
	(xrf0) =	vmax.scan.msk.u32 $0xffff, v7  }
0x264: {  	(xrf0) =	vmax.scan.msk.u32 $0xffff, v6;
	v6 =	vld [tilespmem:s25+$0x0]  }
0x265: {  	v7, _, _ =	vpop (xrf0)  }
0x266: {  	v8, _, _ =	vpop (xrf0)  }
0x267: {  	s31 =	simm.s32 $0x10FA0;
	v5 =	vperm.xlane v5, v3;
	(v2sf) =	vpush v8, $0xF;
	s26 =	spop (v2sf)  }
0x268: {  	v9 =	vld [tilespmem:s31+$0x0];
	s0 =	sadd.s32 $0x0, s26  }
0x269: {  	s20 =	simm.s32 $0xFE0;
	v11 =	vperm.xlane v6, v3;
	v5 =	vadd.s32 s0, v5  }
0x26a: {  	v8, _, _ =	vpop (xrf0);
	(xrf0) =	vadd.scan.msk.s32 $0xffff, v6;
	v6 =	vor.u32 s20, v4;
	vm12 =	vgt.s32 v5, $0x3FF  }
0x26b: {  	v7 =	vperm.xlane v7, v3;
	v10, _, _ =	vpop (xrf0);
	s20 =	simm.s32 $0x10F90;
	(xrf0) =	vadd.scan.msk.s32 $0xffff, v11;
	v5 =	vxor.u32 $0x80000000, v5;
	s21 =	spop (v2sf);
	v6 =	vnsel vm12, $0x7FFFFFFF, v6  }
0x26c: {  	(v2sf) =	vpush v10, $0xF;
	v5 =	vsel vm12, $0x7FFFFFFF, v5;
	s0 =	sadd.s32 s0, s21;
	(xrf0) =	vmax.scan.msk.u32 $0xffff, v6;
	v6 =	vld [tilespmem:s20+$0x0]  }
0x26d: {  	s22 =	simm.s32 $0xFD0;
	v10, _, _ =	vpop (xrf0);
	v7 =	vadd.s32 s0, v7;
	(xrf0) =	vmax.scan.msk.u32 $0xffff, v5;
	v5 =	vperm.xlane v9, v3  }
0x26e: {  	vm13 =	vgt.s32 v7, $0x3FF;
	(xrf0) =	vadd.scan.msk.s32 $0xffff, v9;
	v9 =	vor.u32 s22, v4  }
0x26f: {  	v7 =	vxor.u32 $0x80000000, v7;
	(xrf0) =	vadd.scan.msk.s32 $0xffff, v5;
	v5 =	vnsel vm13, $0x7FFFFFFF, v9  }
0x270: {  	v8 =	vperm.xlane v8, v3;
	s23 =	spop (v2sf);
	v7 =	vsel vm13, $0x7FFFFFFF, v7;
	(xrf0) =	vmax.scan.msk.u32 $0xffff, v5  }
0x271: {  	(v2sf) =	vpush v10, $0xF;
	s0 =	sadd.s32 s0, s23;
	v9, _, _ =	vpop (xrf0);
	(xrf0) =	vmax.scan.msk.u32 $0xffff, v7;
	v7 =	vperm.xlane v6, v3  }
0x272: {  	s24 =	simm.s32 $0xFC0;
	v8 =	vadd.s32 s0, v8;
	v5, _, _ =	vpop (xrf0)  }
0x273: {  	vm14 =	vgt.s32 v8, $0x3FF;
	(xrf0) =	vadd.scan.msk.s32 $0xffff, v6;
	v6 =	vor.u32 s24, v4;
	(v2sf) =	vpush v9, $0xF;
	v10, _, _ =	vpop (xrf0)  }
0x274: {  	v6 =	vnsel vm14, $0x7FFFFFFF, v6;
	v9, _, _ =	vpop (xrf0);
	(v2sf) =	vpush v10, $0xF  }
0x275: {  	v8 =	vxor.u32 $0x80000000, v8;
	(xrf0) =	vadd.scan.msk.s32 $0xffff, v7;
	v7, _, _ =	vpop (xrf0);
	(v2sf) =	vpush v9, $0xF  }
0x276: {  	s26 =	spop (v2sf);
	(v2sf) =	vpush v7, $0xF;
	v7 =	vsel vm14, $0x7FFFFFFF, v8  }
0x277: {  	(xrf0) =	vmax.scan.msk.u32 $0xffff, v6;
	v6, _, _ =	vpop (xrf0)  }
0x278: {  	s25 =	simm.s32 $0x10F80;
	v8, _, _ =	vpop (xrf0)  }
0x279: {  	v11 =	vld [tilespmem:s25+$0x0];
	(xrf0) =	vmax.scan.msk.u32 $0xffff, v7;
	(v2sf) =	vpush v8, $0xF;
	v7, _, _ =	vpop (xrf0)  }
0x27a: {  	(v2sf) =	vpush v7, $0xF;
	v7, _, _ =	vpop (xrf0)  }
0x27b: {  	v5 =	vperm.xlane v5, v3;
	s22 =	spop (v2sf);
	(v2sf) =	vpush v7, $0xF  }
0x27c: {  	s25 =	sadd.s32 s0, s26  }
0x27d: {  	v9 =	vadd.s32 s25, v5  }
0x27e: {  	s29 =	simm.s32 $0xFA0;
	s30 =	simm.s32 $0x10F70;
	s31 =	simm.s32 $0xFB0;
	v8 =	vperm.xlane v11, v3  }
0x27f: {  	s21 =	simm.s32 $0xF70;
	s20 =	simm.s32 $0xFFFFFFFF;
	s23 =	simm.s32 $0xF60;
	v10 =	vor.u32 s31, v4;
	vm15 =	vgt.s32 v9, $0x3FF;
	(xrf0) =	vadd.scan.msk.s32 $0xffff, v11  }
0x280: {  	s24 =	simm.s32 $0xF80;
	v5 =	vperm.xlane v6, v3;
	v6 =	vxor.u32 $0x80000000, v9;
	v10 =	vnsel vm15, $0x7FFFFFFF, v10;
	s28 =	sxor.u32 $0x80000000, s22;
	s31 =	spop (v2sf);
	(xrf0) =	vadd.scan.msk.s32 $0xffff, v8;
	v9, _, _ =	vpop (xrf0)  }
0x281: {  	s26 =	simm.s32 $0xF90;
	p0 =	slt.s32 s28, $0xFFFFFFFF;
	s22 =	sxor.u32 $0x80000000, s31;
	v8 =	vsel vm15, $0x7FFFFFFF, v6;
	v7 =	vld [tilespmem:s30+$0x0];
	(xrf0) =	vmax.scan.msk.u32 $0xffff, v10;
	v6 =	vperm.xlane v9, v3;
	v9, _, _ =	vpop (xrf0)  }
.LBB2_62:
0x282: {  	s0 =	smov.u32 s20  }
0x283: {  	s1 =	smov.u32 s19;
	s19 =	smov.u32 s28;
	p1 =	sne.s32 s23, $0x0  }
0x284: {  	s20 =	spop (v2sf);
	s19 =	smov.u32 @p0 s1;
	p0 =	sgt.s32 s0, s22  }
0x285: {  	(xrf0) =	vmax.scan.msk.u32 $0xffff, v8;
	(v2sf) =	vpush v9, $0xF;
	v8, _, _ =	vpop (xrf0);
	s1 =	smov.u32 s23;
	s25 =	sadd.s32 s25, s20;
	s20 =	smov.u32 s22  }
.Ltmp50:
0x286: {  	(v2sf) =	vpush v8, $0xF;
	s20 =	smov.u32 @p0 s0;
	(pc) =	sbr.rel @p1 .LBB2_62-.Ltmp50, $4  }
0x287: {  	s30 =	sadd.s32 $0xFFFFFFF0, s30;
	v10 =	vor.u32 s29, v4;
	s23 =	sadd.s32 $0xFFFFFFF0, s23;
	v8 =	vperm.xlane v7, v3;
	v11 =	vadd.s32 s25, v5;
	(xrf0) =	vadd.scan.msk.s32 $0xffff, v7;
	v9, _, _ =	vpop (xrf0)  }
0x288: {  	s29 =	smov.u32 s26;
	s26 =	smov.u32 s24;
	v5 =	vmovc v6;
	vm0 =	vgt.s32 v11, $0x3FF;
	v11 =	vxor.u32 $0x80000000, v11;
	v7 =	vld [tilespmem:s30+$0x0];
	(v2sf) =	vpush v9, $0xF;
	s0 =	spop (v2sf)  }
0x289: {  	s24 =	smov.u32 s21;
	v10 =	vnsel vm0, $0x7FFFFFFF, v10;
	(xrf0) =	vadd.scan.msk.s32 $0xffff, v8;
	v6, _, _ =	vpop (xrf0);
	v8 =	vsel vm0, $0x7FFFFFFF, v11;
	s28 =	sxor.u32 $0x80000000, s0;
	s0 =	spop (v2sf)  }
0x28a: {  	s21 =	smov.u32 s1;
	v6 =	vperm.xlane v6, v3;
	(xrf0) =	vmax.scan.msk.u32 $0xffff, v10;
	v9, _, _ =	vpop (xrf0);
	p0 =	sgt.s32 s19, s28;
	s22 =	sxor.u32 $0x80000000, s0  }
0x28b: {  	_ = 	snop  }
0x28c: {  	(v2sf) =	vpush v9, $0xF;
	v59, _, _ =	vpop (xrf0)  }
0x28d: {  	(v2sf) =	vpush v59, $0xF;
	v60, _, _ =	vpop (xrf0)  }
0x28e: {  	(v2sf) =	vpush v60, $0xF;
	_ =	sdelay $0x5  }
0x28f: {  	(xrf0) =	vmax.scan.msk.u32 $0xffff, v8;
	s0 =	spop (v2sf);
	v8 =	vperm.xlane v7, v3  }
0x290: {  	s30 =	spop (v2sf);
	s0 =	sadd.s32 s25, s0;
	(xrf0) =	vadd.scan.msk.s32 $0xffff, v7  }
0x291: {  	s23 =	spop (v2sf);
	v5 =	vadd.s32 s0, v5;
	(xrf0) =	vadd.scan.msk.s32 $0xffff, v8  }
0x292: {  	s1 =	spop (v2sf);
	vm0 =	vgt.s32 v5, $0x3FF;
	v8 =	vor.u32 s29, v4  }
0x293: {  	v7, _, _ =	vpop (xrf0);
	v8 =	vnsel vm0, $0x7FFFFFFF, v8;
	s31 =	spop (v2sf)  }
0x294: {  	v61, _, _ =	vpop (xrf0);
	s25 =	spop (v2sf)  }
0x295: {  	v11 =	vor.u32 s26, v4;
	v63 =	vor.u32 s24, v4;
	s0 =	sadd.s32 s0, s1;
	v10, _, _ =	vpop (xrf0);
	s1 =	spop (v2sf)  }
0x296: {  	v5 =	vxor.u32 $0x80000000, v5;
	v6 =	vadd.s32 s0, v6;
	v7 =	vperm.xlane v7, v3;
	(xrf0) =	vmax.scan.msk.u32 $0xffff, v8;
	v8, _, _ =	vpop (xrf0);
	s29 =	spop (v2sf)  }
0x297: {  	v5 =	vsel vm0, $0x7FFFFFFF, v5;
	vm10 =	vgt.s32 v6, $0x3FF;
	v6 =	vxor.u32 $0x80000000, v6;
	v62, _, _ =	vpop (xrf0);
	s0 =	sadd.s32 s0, s1;
	s26 =	spop (v2sf)  }
0x298: {  	v11 =	vnsel vm10, $0x7FFFFFFF, v11;
	(xrf0) =	vmax.scan.msk.u32 $0xffff, v5;
	v5 =	vperm.xlane v62, v3;
	v7 =	vadd.s32 s0, v7;
	s24 =	spop (v2sf)  }
0x299: {  	v6 =	vsel vm10, $0x7FFFFFFF, v6;
	(xrf0) =	vmax.scan.msk.u32 $0xffff, v11;
	vm11 =	vgt.s32 v7, $0x3FF;
	s0 =	sadd.s32 s0, s24  }
0x29a: {  	(xrf0) =	vmax.scan.msk.u32 $0xffff, v6;
	v6 =	vxor.u32 $0x80000000, v7;
	v7 =	vnsel vm11, $0x7FFFFFFF, v63;
	v5 =	vadd.s32 s0, v5  }
0x29b: {  	v6 =	vsel vm11, $0x7FFFFFFF, v6;
	(xrf0) =	vmax.scan.msk.u32 $0xffff, v7;
	v7 =	vor.u32 s21, v4;
	vm12 =	vgt.s32 v5, $0x3FF  }
0x29c: {  	(v2sf) =	vpush v61, $0xF;
	(xrf0) =	vmax.scan.msk.u32 $0xffff, v6;
	v6 =	vnsel vm12, $0x7FFFFFFF, v7  }
0x29d: {  	(v2sf) =	vpush v10, $0xF  }
0x29e: {  	(v2sf) =	vpush v8, $0xF;
	v8, _, _ =	vpop (xrf0);
	(xrf0) =	vmax.scan.msk.u32 $0xffff, v6  }
0x29f: {  	(v2sf) =	vpush v8, $0xF;
	v6, _, _ =	vpop (xrf0)  }
0x2a0: {  	(v2sf) =	vpush v6, $0xF;
	v6, _, _ =	vpop (xrf0)  }
0x2a1: {  	(v2sf) =	vpush v6, $0xF;
	v6, _, _ =	vpop (xrf0)  }
0x2a2: {  	(v2sf) =	vpush v6, $0xF;
	v6, _, _ =	vpop (xrf0)  }
0x2a3: {  	(v2sf) =	vpush v6, $0xF;
	v6, _, _ =	vpop (xrf0)  }
0x2a4: {  	(v2sf) =	vpush v6, $0xF;
	v6, _, _ =	vpop (xrf0)  }
0x2a5: {  	(v2sf) =	vpush v6, $0xF;
	_ =	sdelay $0x1  }
0x2a6: {  	s28 =	smov.u32 @p0 s19;
	s0 =	sxor.u32 $0x80000000, s30  }
0x2a7: {  	p0 =	sgt.s32 s28, s0  }
0x2a8: {  	s1 =	sxor.u32 $0x80000000, s31;
	s0 =	smov.u32 @p0 s28  }
0x2a9: {  	p0 =	sgt.s32 s0, s1  }
0x2aa: {  	s31 =	spop (v2sf);
	s1 =	smov.u32 @p0 s0;
	s0 =	sxor.u32 $0x80000000, s29  }
0x2ab: {  	s29 =	spop (v2sf);
	p0 =	sgt.s32 s1, s0  }
0x2ac: {  	s21 =	spop (v2sf);
	s0 =	smov.u32 @p0 s1;
	s1 =	sxor.u32 $0x80000000, s31  }
0x2ad: {  	p0 =	sgt.s32 s0, s1;
	s19 =	spop (v2sf)  }
0x2ae: {  	s1 =	smov.u32 @p0 s0;
	s0 =	sxor.u32 $0x80000000, s19;
	s19 =	spop (v2sf)  }
0x2af: {  	s30 =	simm.s32 $0x8010;
	p0 =	sgt.s32 s1, s0;
	s24 =	spop (v2sf)  }
0x2b0: {  	s0 =	smov.u32 @p0 s1;
	s1 =	sxor.u32 $0x80000000, s24;
	s24 =	spop (v2sf)  }
0x2b1: {  	v6 =	vld [tilespmem:s30+$0xFFFFFFF0];
	p0 =	sgt.s32 s0, s1;
	s28 =	spop (v2sf)  }
0x2b2: {  	s1 =	smov.u32 @p0 s0;
	s0 =	sxor.u32 $0x80000000, s28;
	s28 =	spop (v2sf)  }
0x2b3: {  	p0 =	sgt.s32 s1, s0;
	s31 =	spop (v2sf)  }
0x2b4: {  	s0 =	smov.u32 @p0 s1;
	s21 =	sxor.u32 $0x80000000, s31  }
0x2b5: {  	p0 =	sgt.s32 s0, s21  }
0x2b6: {  	v7 =	vand.u32 $0x7FFFFFFF, v6;
	s21 =	smov.u32 @p0 s0  }
0x2b7: {  	v8 =	vxor.u32 $0x80000000, v5;
	v7 =	vshrl.u32 v7, $0x13;
	v5 =	vmov s21  }
0x2b8: {  	v8 =	vsel vm12, $0x7FFFFFFF, v8;
	vm13 =	veq.s32 v7, v5;
	vm1 =	vgt.s32 v7, v5  }
0x2b9: {  	(xrf0) =	vmax.scan.msk.u32 $0xffff, v8;
	s0 =	simm.s32 $0x0;
	p0 =	por $0x1, $0x1;
	v7 =	vnsel vm1, $0x0, v6;
	v8 =	vsel vm13, $0x1, v1  }
0x2ba: {  	s31 =	simm.s32 $0x0;
	s0 =	simm.s32 @!p0 $0xFF0;
	[tilespmem:s30+$0xFFFFFFF0] =	vst v7;
	(xrf0) =	vadd.scan.msk.s32 $0xffff, v8  }
0x2bb: {  	v7 =	vor.u32 s31, v0;
	[tilespmem:s0+$0x11000] =	vst.msk vm13, v6  }
0x2bc: {  	[tilespmem:s0+$0x12000] =	vst.msk vm13, v7  }
0x2bd: {  	v6 =	vld [tilespmem:s30+$0x0];
	_ =	sdelay $0x1  }
0x2be: {  	v7, _, _ =	vpop (xrf0)  }
0x2bf: {  	(v2sf) =	vpush v7, $0xF;
	v7, _, _ =	vpop (xrf0)  }
0x2c0: {  	(v2sf) =	vpush v7, $0xF  }
0x2c1: {  	v7 =	vand.u32 $0x7FFFFFFF, v6  }
0x2c2: {  	v7 =	vshrl.u32 v7, $0x13  }
0x2c3: {  	vm14 =	veq.s32 v7, v5  }
0x2c4: {  	v8 =	vsel vm14, $0x1, v1  }
0x2c5: {  	(xrf0) =	vadd.scan.msk.s32 $0xffff, v8;
	_ =	sdelay $0x3  }
0x2c6: {  	p0 =	sgt.s32 s20, s22  }
0x2c7: {  	s22 =	smov.u32 @p0 s20;
	s0 =	sxor.u32 $0x80000000, s23  }
0x2c8: {  	p0 =	sgt.s32 s22, s0;
	v8, _, _ =	vpop (xrf0)  }
0x2c9: {  	s1 =	sxor.u32 $0x80000000, s25;
	s0 =	smov.u32 @p0 s22;
	(v2sf) =	vpush v8, $0xF  }
0x2ca: {  	p0 =	sgt.s32 s0, s1  }
0x2cb: {  	s1 =	smov.u32 @p0 s0;
	s0 =	sxor.u32 $0x80000000, s26;
	s22 =	spop (v2sf)  }
0x2cc: {  	p0 =	sgt.s32 s1, s0;
	s31 =	spop (v2sf)  }
0x2cd: {  	s0 =	smov.u32 @p0 s1;
	vm15 =	vgt.s32 v7, v5;
	s25 =	sadd.s32 $0x0, s31  }
0x2ce: {  	s1 =	sxor.u32 $0x80000000, s29;
	v7 =	vnsel vm15, $0x0, v6;
	p0 =	slt.s32 s25, $0xFF0;
	s23 =	smov.u32 s25  }
0x2cf: {  	s20 =	simm.s32 $0x10;
	[tilespmem:s30+$0x0] =	vst v7;
	s23 =	simm.s32 @!p0 $0xFF0;
	p0 =	sgt.s32 s0, s1  }
0x2d0: {  	s1 =	smov.u32 @p0 s0;
	s0 =	sxor.u32 $0x80000000, s19;
	[tilespmem:s23+$0x11000] =	vst.msk vm14, v6;
	v6 =	vor.u32 s20, v0  }
0x2d1: {  	s19 =	simm.s32 $0x8030;
	p0 =	sgt.s32 s1, s0;
	[tilespmem:s23+$0x12000] =	vst.msk vm14, v6  }
0x2d2: {  	s0 =	smov.u32 @p0 s1;
	s1 =	sxor.u32 $0x80000000, s24;
	v6 =	vld [tilespmem:s19+$0xFFFFFFF0]  }
0x2d3: {  	p0 =	sgt.s32 s0, s1  }
0x2d4: {  	s1 =	smov.u32 @p0 s0;
	s0 =	sxor.u32 $0x80000000, s28  }
0x2d5: {  	p0 =	sgt.s32 s1, s0  }
0x2d6: {  	s22 =	sxor.u32 $0x80000000, s22;
	s0 =	smov.u32 @p0 s1  }
0x2d7: {  	p0 =	sgt.s32 s0, s22;
	v7 =	vand.u32 $0x7FFFFFFF, v6  }
0x2d8: {  	s23 =	simm.s32 $0x2;
	s22 =	smov.u32 @p0 s0;
	v7 =	vshrl.u32 v7, $0x13;
	s0 =	spop (v2sf)  }
.LBB2_64:
0x2d9: {  	s23 =	sadd.s32 $0x2, s23;
	vm0 =	veq.s32 v7, v5;
	vm1 =	vgt.s32 v7, v5;
	s0 =	sadd.s32 s25, s0;
	s20 =	sadd.s32 $0x20, s20  }
0x2da: {  	p0 =	slt.u32 s23, $0x7FE;
	v7 =	vnsel vm1, $0x0, v6;
	p1 =	slt.s32 s0, $0xFF0;
	v8 =	vsel vm0, $0x1, v1;
	s24 =	smov.u32 s0  }
0x2db: {  	s1 =	sadd.s32 $0xFFFFFFF0, s20;
	[tilespmem:s19+$0xFFFFFFF0] =	vst v7;
	s24 =	simm.s32 @!p1 $0xFF0;
	(xrf0) =	vadd.scan.msk.s32 $0xffff, v8  }
0x2dc: {  	[tilespmem:s24+$0x11000] =	vst.msk vm0, v6;
	v6 =	vor.u32 s1, v0  }
0x2dd: {  	[tilespmem:s24+$0x12000] =	vst.msk vm0, v6  }
0x2de: {  	v6 =	vld [tilespmem:s19+$0x0];
	_ =	sdelay $0x2  }
0x2df: {  	v7, _, _ =	vpop (xrf0)  }
0x2e0: {  	(v2sf) =	vpush v7, $0xF  }
0x2e1: {  	v7 =	vand.u32 $0x7FFFFFFF, v6  }
0x2e2: {  	v7 =	vshrl.u32 v7, $0x13  }
0x2e3: {  	vm0 =	veq.s32 v7, v5;
	vm1 =	vgt.s32 v7, v5  }
0x2e4: {  	v7 =	vnsel vm1, $0x0, v6;
	v8 =	vsel vm0, $0x1, v1  }
0x2e5: {  	[tilespmem:s19+$0x0] =	vst v7;
	(xrf0) =	vadd.scan.msk.s32 $0xffff, v8;
	_ =	sdelay $0x5  }
0x2e6: {  	v7, _, _ =	vpop (xrf0)  }
0x2e7: {  	(v2sf) =	vpush v7, $0xF;
	_ =	sdelay $0x2  }
0x2e8: {  	s1 =	spop (v2sf)  }
0x2e9: {  	s25 =	sadd.s32 s0, s1  }
0x2ea: {  	p1 =	slt.s32 s25, $0xFF0;
	s0 =	smov.u32 s25  }
0x2eb: {  	s0 =	simm.s32 @!p1 $0xFF0  }
0x2ec: {  	[tilespmem:s0+$0x11000] =	vst.msk vm0, v6;
	v6 =	vor.u32 s20, v0  }
0x2ed: {  	s19 =	sadd.s32 $0x20, s19;
	[tilespmem:s0+$0x12000] =	vst.msk vm0, v6  }
0x2ee: {  	v6 =	vld [tilespmem:s19+$0xFFFFFFF0];
	_ =	sdelay $0x1  }
.Ltmp51:
0x2ef: {  	(pc) =	sbr.rel @p0 .LBB2_64-.Ltmp51, $3  }
0x2f0: {  	_ =	sdelay $0x1  }
0x2f1: {  	v7 =	vand.u32 $0x7FFFFFFF, v6  }
0x2f2: {  	v7 =	vshrl.u32 v7, $0x13;
	s0 =	spop (v2sf)  }
0x2f3: {  	vm0 =	vgt.s32 v7, v5;
	s0 =	sadd.s32 s25, s0  }
0x2f4: {  	s1 =	sadd.s32 $0x20, s20;
	v8 =	vnsel vm0, $0x0, v6;
	p0 =	slt.s32 s0, $0xFF0;
	s20 =	smov.u32 s0  }
0x2f5: {  	vm14 =	veq.s32 v7, v5;
	s23 =	sadd.s32 $0xFFFFFFF0, s1;
	[tilespmem:s19+$0xFFFFFFF0] =	vst v8;
	s20 =	simm.s32 @!p0 $0xFF0  }
0x2f6: {  	[tilespmem:s20+$0x11000] =	vst.msk vm14, v6;
	v6 =	vor.u32 s23, v0  }
0x2f7: {  	[tilespmem:s20+$0x12000] =	vst.msk vm14, v6  }
0x2f8: {  	v6 =	vld [tilespmem:s19+$0x0];
	_ =	sdelay $0x4  }
0x2f9: {  	v7 =	vand.u32 $0x7FFFFFFF, v6  }
0x2fa: {  	v7 =	vshrl.u32 v7, $0x13  }
0x2fb: {  	v60 =	vsel vm14, $0x1, v1;
	vm15 =	veq.s32 v7, v5  }
0x2fc: {  	(xrf0) =	vadd.scan.msk.s32 $0xffff, v60;
	v61 =	vsel vm15, $0x1, v1  }
0x2fd: {  	(xrf0) =	vadd.scan.msk.s32 $0xffff, v61;
	_ =	sdelay $0x4  }
0x2fe: {  	v62, _, _ =	vpop (xrf0)  }
0x2ff: {  	(v2sf) =	vpush v62, $0xF;
	v63, _, _ =	vpop (xrf0)  }
0x300: {  	(v2sf) =	vpush v63, $0xF;
	_ =	sdelay $0xd  }
0x301: {  	s25 =	spop (v2sf)  }
0x302: {  	s0 =	sadd.s32 s0, s25;
	s26 =	spop (v2sf)  }
0x303: {  	s23 =	sadd.s32 s0, s26  }
0x304: {  	p0 =	slt.s32 s23, $0x1000  }
0x305: {  	p1 =	slt.s32 s23, $0xFFFFFFF2;
	s23 =	simm.s32 @!p0 $0x1000  }
0x306: {  	s21 =	sshll.u32 s21, $0x13;
	s28 =	sadd.s32 $0xF, s23  }
0x307: {  	s25 =	smov.u32 s22;
	p0 =	slt.s32 s0, $0xFF0;
	s24 =	sand.u32 $0xF, s28  }
0x308: {  	vm1 =	vgt.s32 v7, v5;
	s0 =	simm.s32 @!p0 $0xFF0;
	s29 =	sshra.s32 s28, $0x1F;
	p6 =	sne.s32 s24, $0x0  }
0x309: {  	v5 =	vnsel vm1, $0x0, v6;
	s30 =	sshrl.u32 s29, $0x1C;
	s24 =	simm.s32 $0x1;
	p0 =	por !p1, !p6  }
.Ltmp52:
0x30a: {  	[tilespmem:s19+$0x0] =	vst v5;
	p1 =	sgt.s32 s22, $0x0;
	s20 =	sadd.s32 s30, s28;
	(pc) =	sbr.rel .LBB2_66-.Ltmp52, $4  }
0x30b: {  	v5 =	vor.u32 s1, v0;
	[tilespmem:s0+$0x11000] =	vst.msk vm15, v6;
	p0 =	por !p0, !p0;
	s25 =	simm.s32 @!p1 $0x0;
	p1 =	slt.s32 s22, $0x400  }
0x30c: {  	[tilespmem:s0+$0x12000] =	vst.msk vm15, v5;
	s31 =	sshra.s32 s20, $0x4;
	s24 =	simm.s32 @!p0 $0x0;
	s0 =	simm.s32 @!p1 $0x0  }
0x30d: {  	v5 =	vmov s23;
	s23 =	simm.s32 $0x0;
	s19 =	ssub.s32 s31, s24;
	s0 =	simm.s32 @p1 $0x1  }
0x30e: {  	s20 =	ssub.s32 $0x400, s25;
	p0 =	slt.s32 s19, $0x1;
	[smem:$0x7FB] =	sst s0  }
.LBB2_81:
0x30f: {  	s23 =	sadd.s32 $0x1, s23  }
0x310: {  	p1 =	seq.s32 s23, $0x13  }
.Ltmp53:
0x311: {  	s0 =	sld [smem:$0x7FB];
	(pc) =	sbr.rel @p1 .LBB2_82-.Ltmp53, $3  }
0x312: {  	_ =	sdelay $0x1  }
0x313: {  	p2 =	seq.s32 s0, $0x1  }
0x314: {  	s21 =	smov.u32 @p2 s24  }
.LBB2_66:
.Ltmp54:
0x315: {  	(pc) =	sbr.rel @p0 .LBB2_81-.Ltmp54, $3  }
0x316: {  	_ =	sdelay $0x1  }
0x317: {  	s0 =	sshrl.u32 s13, s23  }
0x318: {  	s24 =	smov.u32 s21;
	s21 =	sor.u32 s0, s21  }
0x319: {  	s0 =	simm.s32 $0x11000  }
0x31a: {  	p5 =	sne.s32 s19, $0x1;
	v7 =	vld [tilespmem:s0+$0x0]  }
.Ltmp55:
0x31b: {  	_ = 	snop;
	(pc) =	sbr.rel @!p5 .LBB2_68-.Ltmp55, $4  }
0x31c: {  	_ = 	snop  }
0x31d: {  	s25 =	simm.s32 $0x0  }
0x31e: {  	s22 =	sadd.s32 $0xFFFFFFFF, s19;
	p2 =	por $0x0, $0x0;
	p3 =	por $0x0, $0x0  }
0x31f: {  	v6 =	vmov s21;
	p4 =	por $0x0, $0x0;
	p6 =	por $0x0, $0x0;
	s0 =	simm.s32 $0x11010;
	v8 =	vor.u32 s25, v0;
	v7 =	vand.u32 $0x7FFFFFFF, v7  }
0x320: {  	v9 =	vld [tilespmem:s0+$0x0];
	p1 =	sne.s32 s22, $0x1  }
.Ltmp56:
0x321: {  	_ = 	snop;
	(pc) =	sbr.rel @!p1 .LBB2_70-.Ltmp56, $4  }
0x322: {  	vm0 =	vlt.s32 v8, v5;
	vm1 =	vge.s32 v7, v6  }
0x323: {  	vm0 =	vmand vm0, vm1  }
0x324: {  	s1 =	simm.s32 $0x10;
	v7 =	vsel vm0, $0x1, v1  }
0x325: {  	s0 =	sadd.s32 $0xFFFFFFFF, s22;
	s26 =	simm.s32 $0x11020;
	p2 =	por $0x1, $0x1;
	v8 =	vor.u32 s1, v0;
	(xrf0) =	vadd.scan.msk.s32 $0xffff, v7;
	v7 =	vand.u32 $0x7FFFFFFF, v9  }
0x326: {  	_ =	sdelay $0x4  }
0x327: {  	vm0 =	vlt.s32 v8, v5;
	v8, _, _ =	vpop (xrf0)  }
0x328: {  	(v2sf) =	vpush v8, $0xF;
	_ =	sdelay $0x7  }
0x329: {  	v9 =	vld [tilespmem:s26+$0x0];
	p1 =	sne.s32 s0, $0x1  }
.Ltmp57:
0x32a: {  	_ = 	snop;
	(pc) =	sbr.rel @!p1 .LBB2_72-.Ltmp57, $4  }
0x32b: {  	vm1 =	vge.s32 v7, v6  }
0x32c: {  	vm0 =	vmand vm0, vm1  }
0x32d: {  	s1 =	simm.s32 $0x20;
	v7 =	vsel vm0, $0x1, v1  }
0x32e: {  	s0 =	sadd.s32 $0xFFFFFFFF, s0;
	s26 =	simm.s32 $0x11030;
	p3 =	por $0x1, $0x1;
	(xrf0) =	vadd.scan.msk.s32 $0xffff, v7;
	v7 =	vand.u32 $0x7FFFFFFF, v9;
	v8 =	vor.u32 s1, v0  }
0x32f: {  	_ =	sdelay $0x4  }
0x330: {  	vm0 =	vlt.s32 v8, v5;
	v8, _, _ =	vpop (xrf0)  }
0x331: {  	(v2sf) =	vpush v8, $0xF;
	_ =	sdelay $0x3  }
0x332: {  	v9 =	vld [tilespmem:s26+$0x0];
	p1 =	sne.s32 s0, $0x1  }
.Ltmp58:
0x333: {  	_ = 	snop;
	(pc) =	sbr.rel @!p1 .LBB2_74-.Ltmp58, $4  }
0x334: {  	vm1 =	vge.s32 v7, v6  }
0x335: {  	vm0 =	vmand vm0, vm1  }
0x336: {  	s1 =	simm.s32 $0x30;
	v7 =	vsel vm0, $0x1, v1  }
0x337: {  	s0 =	sadd.s32 $0xFFFFFFFF, s0;
	s26 =	simm.s32 $0x11040;
	p4 =	por $0x1, $0x1;
	(xrf0) =	vadd.scan.msk.s32 $0xffff, v7;
	v7 =	vand.u32 $0x7FFFFFFF, v9;
	v8 =	vor.u32 s1, v0  }
0x338: {  	_ =	sdelay $0x4  }
0x339: {  	vm0 =	vlt.s32 v8, v5;
	v8, _, _ =	vpop (xrf0)  }
0x33a: {  	(v2sf) =	vpush v8, $0xF;
	_ =	sdelay $0x3  }
0x33b: {  	v9 =	vld [tilespmem:s26+$0x0];
	vm1 =	vge.s32 v7, v6;
	p1 =	sne.s32 s0, $0x1  }
.Ltmp59:
0x33c: {  	vm0 =	vmand vm0, vm1;
	(pc) =	sbr.rel @!p1 .LBB2_76-.Ltmp59, $4  }
0x33d: {  	v7 =	vsel vm0, $0x1, v1  }
0x33e: {  	(xrf0) =	vadd.scan.msk.s32 $0xffff, v7  }
0x33f: {  	s28 =	sadd.s32 $0xFFFFFFFF, s0;
	s0 =	simm.s32 $0x40  }
0x340: {  	s29 =	simm.s32 $0x11050;
	p6 =	por $0x1, $0x1;
	s26 =	simm.s32 $0x0;
	v7 =	vand.u32 $0x7FFFFFFF, v9;
	v8 =	vor.u32 s0, v0  }
.LBB2_77:
0x341: {  	v9 =	vld [tilespmem:s29+$0x0];
	p1 =	sne.s32 s28, $0x1;
	s28 =	sadd.s32 $0xFFFFFFFF, s28;
	vm0 =	vlt.s32 v8, v5;
	vm1 =	vge.s32 v7, v6  }
.Ltmp60:
0x342: {  	vm0 =	vmand vm0, vm1;
	s1 =	spop (v2sf);
	(pc) =	sbr.rel @p1 .LBB2_77-.Ltmp60, $4  }
0x343: {  	v8 =	vsel vm0, $0x1, v1;
	s26 =	sadd.s32 s26, s1  }
0x344: {  	(xrf0) =	vadd.scan.msk.s32 $0xffff, v8;
	v7, _, _ =	vpop (xrf0)  }
0x345: {  	s0 =	sadd.s32 $0x10, s0;
	(v2sf) =	vpush v7, $0xF  }
0x346: {  	s29 =	sadd.s32 $0x10, s29;
	v8 =	vor.u32 s0, v0;
	v7 =	vand.u32 $0x7FFFFFFF, v9  }
.LBB2_78:
0x347: {  	vm0 =	vlt.s32 v8, v5;
	vm1 =	vge.s32 v7, v6  }
0x348: {  	vm0 =	vmand vm0, vm1  }
0x349: {  	v6 =	vsel vm0, $0x1, v1  }
0x34a: {  	(xrf0) =	vadd.scan.msk.s32 $0xffff, v6;
	_ =	sdelay $0x1  }
0x34b: {  	v6, _, _ =	vpop @p2 (xrf0)  }
0x34c: {  	(v2sf) =	vpush @p2 v6, $0xF;
	_ =	sdelay $0x2  }
0x34d: {  	v6, _, _ =	vpop (xrf0)  }
0x34e: {  	(v2sf) =	vpush v6, $0xF;
	_ =	sdelay $0x4  }
0x34f: {  	s0 =	spop @p6 (v2sf)  }
0x350: {  	s1 =	simm.s32 $0x0;
	s0 =	sadd.s32 @p6 s26, s0  }
0x351: {  	s1 =	smov.u32 @p6 s0;
	s0 =	spop @p4 (v2sf)  }
0x352: {  	s0 =	sadd.s32 @p4 s1, s0;
	s1 =	simm.s32 $0x0  }
0x353: {  	s1 =	smov.u32 @p4 s0;
	s0 =	spop @p3 (v2sf)  }
0x354: {  	s0 =	sadd.s32 @p3 s1, s0;
	s1 =	simm.s32 $0x0  }
0x355: {  	s1 =	smov.u32 @p3 s0;
	s0 =	spop @p2 (v2sf)  }
0x356: {  	s23 =	sadd.s32 $0x1, s23;
	s0 =	sadd.s32 @p2 s1, s0  }
0x357: {  	s25 =	smov.u32 @p2 s0;
	p2 =	seq.s32 s23, $0x13  }
.Ltmp61:
0x358: {  	_ = 	snop;
	(pc) =	sbr.rel @!p2 .LBB2_66-.Ltmp61, $4  }
.Ltmp62:
0x359: {  	s31 =	spop (v2sf);
	(pc) =	sbr.rel @p2 .LBB2_79-.Ltmp62, $4  }
0x35a: {  	s0 =	sadd.s32 s25, s31  }
0x35b: {  	p1 =	slt.s32 s0, s20  }
0x35c: {  	s21 =	smov.u32 @p1 s24  }
0x35d: {  	_ = 	snop  }
.LBB2_68:
.Ltmp63:
0x35e: {  	(pc) =	sbr.rel .LBB2_78-.Ltmp63, $2  }
0x35f: {  	_ =	sdelay $0x2  }
0x360: {  	s26 =	simm.s32 $0x0  }
.LBB2_70:
.Ltmp64:
0x361: {  	(pc) =	sbr.rel .LBB2_78-.Ltmp64, $2  }
0x362: {  	_ =	sdelay $0x2  }
0x363: {  	s26 =	simm.s32 $0x0  }
.LBB2_72:
.Ltmp65:
0x364: {  	(pc) =	sbr.rel .LBB2_78-.Ltmp65, $2  }
0x365: {  	_ =	sdelay $0x2  }
0x366: {  	s26 =	simm.s32 $0x0  }
.LBB2_74:
.Ltmp66:
0x367: {  	(pc) =	sbr.rel .LBB2_78-.Ltmp66, $2  }
0x368: {  	_ =	sdelay $0x3  }
0x369: {  	s26 =	simm.s32 $0x0  }
.LBB2_76:
.Ltmp67:
0x36a: {  	(pc) =	sbr.rel .LBB2_78-.Ltmp67, $2  }
0x36b: {  	_ =	sdelay $0x2  }
0x36c: {  	s26 =	simm.s32 $0x0  }
.LBB2_79:
0x36d: {  	s0 =	simm.s32 $0x11000  }
0x36e: {  	v7 =	vld [tilespmem:s0+$0x0]  }
.Ltmp68:
0x36f: {  	_ = 	snop;
	(pc) =	sbr.rel @!p5 .LBB2_80-.Ltmp68, $3  }
0x370: {  	_ =	sdelay $0x1  }
0x371: {  	v6 =	vmov s21;
	s21 =	simm.s32 $0x0;
	p1 =	por $0x0, $0x0;
	p2 =	por $0x0, $0x0  }
0x372: {  	p3 =	por $0x0, $0x0;
	p4 =	por $0x0, $0x0;
	s0 =	simm.s32 $0x11010;
	v8 =	vor.u32 s21, v0;
	v7 =	vand.u32 $0x7FFFFFFF, v7  }
0x373: {  	v9 =	vld [tilespmem:s0+$0x0];
	p5 =	sne.s32 s22, $0x1  }
.Ltmp69:
0x374: {  	vm0 =	vlt.s32 v8, v5;
	vm1 =	veq.s32 v7, v6;
	(pc) =	sbr.rel @!p5 .LBB2_84-.Ltmp69, $4  }
0x375: {  	vm2 =	vgt.s32 v7, v6;
	vm1 =	vmand vm0, vm1  }
0x376: {  	vm0 =	vmand vm0, vm2;
	v7 =	vsel vm1, $0x1, v1  }
0x377: {  	s1 =	simm.s32 $0x10;
	v8 =	vsel vm0, $0x1, v1;
	(xrf0) =	vadd.scan.msk.s32 $0xffff, v7  }
0x378: {  	s0 =	sadd.s32 $0xFFFFFFFF, s22;
	s22 =	simm.s32 $0x11020;
	p1 =	por $0x1, $0x1;
	(xrf0) =	vadd.scan.msk.s32 $0xffff, v8;
	v8 =	vor.u32 s1, v0;
	v7 =	vand.u32 $0x7FFFFFFF, v9  }
0x379: {  	_ =	sdelay $0x3  }
0x37a: {  	vm0 =	vlt.s32 v8, v5;
	v8, _, _ =	vpop (xrf0)  }
0x37b: {  	(v2sf) =	vpush v8, $0xF;
	v10, _, _ =	vpop (xrf0)  }
0x37c: {  	(v2sf) =	vpush v10, $0xF;
	_ =	sdelay $0x6  }
0x37d: {  	v9 =	vld [tilespmem:s22+$0x0];
	p5 =	sne.s32 s0, $0x1  }
.Ltmp70:
0x37e: {  	vm1 =	veq.s32 v7, v6;
	(pc) =	sbr.rel @!p5 .LBB2_86-.Ltmp70, $4  }
0x37f: {  	vm2 =	vgt.s32 v7, v6;
	vm1 =	vmand vm0, vm1  }
0x380: {  	vm0 =	vmand vm0, vm2;
	v7 =	vsel vm1, $0x1, v1  }
0x381: {  	s1 =	simm.s32 $0x20;
	(xrf0) =	vadd.scan.msk.s32 $0xffff, v7;
	v7 =	vsel vm0, $0x1, v1  }
0x382: {  	s0 =	sadd.s32 $0xFFFFFFFF, s0;
	s22 =	simm.s32 $0x11030;
	p2 =	por $0x1, $0x1;
	(xrf0) =	vadd.scan.msk.s32 $0xffff, v7;
	v7 =	vand.u32 $0x7FFFFFFF, v9;
	v8 =	vor.u32 s1, v0  }
0x383: {  	_ =	sdelay $0x3  }
0x384: {  	vm0 =	vlt.s32 v8, v5;
	v8, _, _ =	vpop (xrf0)  }
0x385: {  	(v2sf) =	vpush v8, $0xF;
	v10, _, _ =	vpop (xrf0)  }
0x386: {  	(v2sf) =	vpush v10, $0xF;
	_ =	sdelay $0x3  }
0x387: {  	v9 =	vld [tilespmem:s22+$0x0];
	p5 =	sne.s32 s0, $0x1  }
.Ltmp71:
0x388: {  	vm1 =	veq.s32 v7, v6;
	(pc) =	sbr.rel @!p5 .LBB2_88-.Ltmp71, $4  }
0x389: {  	vm2 =	vgt.s32 v7, v6;
	vm1 =	vmand vm0, vm1  }
0x38a: {  	vm0 =	vmand vm0, vm2;
	v7 =	vsel vm1, $0x1, v1  }
0x38b: {  	s1 =	simm.s32 $0x30;
	(xrf0) =	vadd.scan.msk.s32 $0xffff, v7;
	v7 =	vsel vm0, $0x1, v1  }
0x38c: {  	s0 =	sadd.s32 $0xFFFFFFFF, s0;
	s22 =	simm.s32 $0x11040;
	p3 =	por $0x1, $0x1;
	(xrf0) =	vadd.scan.msk.s32 $0xffff, v7;
	v7 =	vand.u32 $0x7FFFFFFF, v9;
	v8 =	vor.u32 s1, v0  }
0x38d: {  	_ =	sdelay $0x3  }
0x38e: {  	vm0 =	vlt.s32 v8, v5;
	v8, _, _ =	vpop (xrf0)  }
0x38f: {  	(v2sf) =	vpush v8, $0xF;
	v10, _, _ =	vpop (xrf0)  }
0x390: {  	(v2sf) =	vpush v10, $0xF;
	_ =	sdelay $0x3  }
0x391: {  	v9 =	vld [tilespmem:s22+$0x0];
	vm1 =	veq.s32 v7, v6;
	p5 =	sne.s32 s0, $0x1  }
.Ltmp72:
0x392: {  	vm2 =	vgt.s32 v7, v6;
	vm1 =	vmand vm0, vm1;
	(pc) =	sbr.rel @!p5 .LBB2_90-.Ltmp72, $4  }
0x393: {  	vm0 =	vmand vm0, vm2;
	v7 =	vsel vm1, $0x1, v1  }
0x394: {  	(xrf0) =	vadd.scan.msk.s32 $0xffff, v7;
	v7 =	vsel vm0, $0x1, v1  }
0x395: {  	s24 =	sadd.s32 $0xFFFFFFFF, s0;
	s25 =	simm.s32 $0x40;
	s26 =	simm.s32 $0x11050;
	(xrf0) =	vadd.scan.msk.s32 $0xffff, v7  }
0x396: {  	p4 =	por $0x1, $0x1;
	s22 =	simm.s32 $0x0;
	s23 =	simm.s32 $0x0;
	v7 =	vand.u32 $0x7FFFFFFF, v9;
	v8 =	vor.u32 s25, v0  }
.LBB2_91:
0x397: {  	v9 =	vld [tilespmem:s26+$0x0];
	p5 =	sne.s32 s24, $0x1;
	s24 =	sadd.s32 $0xFFFFFFFF, s24;
	vm0 =	vlt.s32 v8, v5;
	vm1 =	vgt.s32 v7, v6;
	vm2 =	veq.s32 v7, v6  }
.Ltmp73:
0x398: {  	vm1 =	vmand vm0, vm1;
	vm0 =	vmand vm0, vm2;
	s0 =	spop (v2sf);
	(pc) =	sbr.rel @p5 .LBB2_91-.Ltmp73, $4  }
0x399: {  	v7 =	vsel vm1, $0x1, v1;
	v11 =	vsel vm0, $0x1, v1;
	s22 =	sadd.s32 s22, s0;
	s0 =	spop (v2sf)  }
0x39a: {  	(xrf0) =	vadd.scan.msk.s32 $0xffff, v11;
	v8, _, _ =	vpop (xrf0);
	s23 =	sadd.s32 s23, s0  }
0x39b: {  	s25 =	sadd.s32 $0x10, s25;
	(xrf0) =	vadd.scan.msk.s32 $0xffff, v7;
	v10, _, _ =	vpop (xrf0);
	(v2sf) =	vpush v8, $0xF  }
0x39c: {  	s26 =	sadd.s32 $0x10, s26;
	v8 =	vor.u32 s25, v0;
	v7 =	vand.u32 $0x7FFFFFFF, v9;
	(v2sf) =	vpush v10, $0xF  }
.LBB2_92:
0x39d: {  	vm0 =	vlt.s32 v8, v5;
	vm1 =	veq.s32 v7, v6  }
0x39e: {  	vm2 =	vgt.s32 v7, v6;
	vm1 =	vmand vm0, vm1  }
0x39f: {  	vm0 =	vmand vm0, vm2;
	v7 =	vsel vm1, $0x1, v1  }
0x3a0: {  	v8 =	vsel vm0, $0x1, v1;
	(xrf0) =	vadd.scan.msk.s32 $0xffff, v7  }
0x3a1: {  	(xrf0) =	vadd.scan.msk.s32 $0xffff, v8;
	_ =	sdelay $0x2  }
0x3a2: {  	v7, _, _ =	vpop @p1 (xrf0)  }
0x3a3: {  	v8, _, _ =	vpop @p1 (xrf0);
	(v2sf) =	vpush @p1 v7, $0xF  }
0x3a4: {  	(v2sf) =	vpush @p1 v8, $0xF;
	v7, _, _ =	vpop (xrf0)  }
0x3a5: {  	v8, _, _ =	vpop (xrf0);
	(v2sf) =	vpush v7, $0xF  }
0x3a6: {  	(v2sf) =	vpush v8, $0xF;
	_ =	sdelay $0x2  }
0x3a7: {  	s0 =	spop @p4 (v2sf)  }
0x3a8: {  	s1 =	spop @p4 (v2sf)  }
0x3a9: {  	s0 =	sadd.s32 @p4 s22, s0;
	s22 =	simm.s32 $0x0;
	s1 =	sadd.s32 @p4 s23, s1  }
0x3aa: {  	s22 =	smov.u32 @p4 s0;
	s0 =	simm.s32 $0x0;
	s23 =	spop @p3 (v2sf)  }
0x3ab: {  	s0 =	smov.u32 @p4 s1;
	s1 =	spop @p3 (v2sf);
	s22 =	sadd.s32 @p3 s22, s23  }
0x3ac: {  	s23 =	simm.s32 $0x0;
	s0 =	sadd.s32 @p3 s0, s1;
	s1 =	simm.s32 $0x0  }
0x3ad: {  	s23 =	smov.u32 @p3 s22;
	s1 =	smov.u32 @p3 s0;
	s0 =	spop @p2 (v2sf)  }
0x3ae: {  	s0 =	sadd.s32 @p2 s23, s0;
	s22 =	spop @p2 (v2sf);
	s23 =	simm.s32 $0x0  }
0x3af: {  	s1 =	sadd.s32 @p2 s1, s22;
	s23 =	smov.u32 @p2 s0;
	s0 =	simm.s32 $0x0  }
.Ltmp74:
0x3b0: {  	s0 =	smov.u32 @p2 s1;
	s1 =	spop @p1 (v2sf);
	(pc) =	sbr.rel .LBB2_93-.Ltmp74, $4  }
0x3b1: {  	s1 =	sadd.s32 @p1 s23, s1;
	s22 =	spop @p1 (v2sf)  }
0x3b2: {  	s23 =	simm.s32 $0x0;
	s0 =	sadd.s32 @p1 s0, s22;
	s30 =	spop (v2sf)  }
0x3b3: {  	s23 =	smov.u32 @p1 s1;
	s21 =	smov.u32 @p1 s0;
	s31 =	spop (v2sf)  }
0x3b4: {  	s22 =	sadd.s32 s23, s30;
	s0 =	sadd.s32 s21, s31  }
.LBB2_82:
0x3b5: {  	v6 =	vmov s21;
	s0 =	simm.s32 $0x0;
	s22 =	simm.s32 $0x0  }
.LBB2_93:
.Ltmp75:
0x3b6: {  	s21 =	ssub.s32 s20, s0;
	(pc) =	sbr.rel .LBB2_94-.Ltmp75, $4  }
0x3b7: {  	p1 =	sgt.s32 s21, $0x0  }
0x3b8: {  	s0 =	simm.s32 @!p1 $0x0  }
0x3b9: {  	s0 =	simm.s32 @p1 $0x1  }
0x3ba: {  	s20 =	simm.s32 $0x0;
	s24 =	simm.s32 $0x0;
	[smem:$0x7FA] =	sst s0  }
.LBB2_116:
0x3bb: {  	s0 =	sld [smem:$0x7FA];
	_ =	sdelay $0x2  }
0x3bc: {  	s24 =	sadd.s32 $0x1, s24;
	p1 =	seq.s32 s0, $0x1  }
0x3bd: {  	s25 =	simm.s32 @!p1 $0x0;
	p1 =	seq.s32 s24, $0xF  }
.Ltmp76:
0x3be: {  	_ = 	snop;
	(pc) =	sbr.rel @p1 .LBB2_113-.Ltmp76, $2  }
0x3bf: {  	_ =	sdelay $0x2  }
0x3c0: {  	s20 =	sor.u32 s20, s25  }
.LBB2_94:
.Ltmp77:
0x3c1: {  	(pc) =	sbr.rel @p0 .LBB2_116-.Ltmp77, $2  }
0x3c2: {  	_ =	sdelay $0x2  }
0x3c3: {  	s25 =	sshrl.u32 s14, s24  }
0x3c4: {  	s0 =	simm.s32 $0x11000  }
0x3c5: {  	p2 =	sne.s32 s19, $0x1;
	v9 =	vld [tilespmem:s0+$0x0]  }
.Ltmp78:
0x3c6: {  	_ = 	snop;
	(pc) =	sbr.rel @!p2 .LBB2_96-.Ltmp78, $4  }
0x3c7: {  	s31 =	sadd.s32 s20, s25  }
0x3c8: {  	s28 =	simm.s32 $0x12000;
	s26 =	simm.s32 $0x0;
	s23 =	sadd.s32 $0xFFFFFFFF, s19  }
0x3c9: {  	p3 =	por $0x0, $0x0;
	p4 =	por $0x0, $0x0;
	s1 =	sadd.s32 $0xFFFFFFFF, s31  }
0x3ca: {  	p5 =	por $0x0, $0x0;
	p6 =	por $0x0, $0x0;
	s0 =	simm.s32 $0x11010;
	v8 =	vld [tilespmem:s28+$0x0];
	v10 =	vor.u32 s26, v0;
	v7 =	vmov s1;
	v9 =	vand.u32 $0x7FFFFFFF, v9  }
0x3cb: {  	_ =	sdelay $0x1  }
0x3cc: {  	v11 =	vld [tilespmem:s0+$0x0];
	p1 =	sne.s32 s23, $0x1  }
.Ltmp79:
0x3cd: {  	vm0 =	vlt.s32 v10, v5;
	vm1 =	veq.s32 v9, v6;
	(pc) =	sbr.rel @!p1 .LBB2_98-.Ltmp79, $4  }
0x3ce: {  	vm0 =	vmand vm0, vm1;
	vm15 =	vle.s32 v8, v7  }
0x3cf: {  	vm0 =	vmand vm15, vm0  }
0x3d0: {  	s31 =	simm.s32 $0x12010;
	s1 =	simm.s32 $0x10;
	v9 =	vsel vm0, $0x1, v1  }
0x3d1: {  	s0 =	sadd.s32 $0xFFFFFFFF, s23;
	s28 =	simm.s32 $0x11020;
	p3 =	por $0x1, $0x1;
	v10 =	vor.u32 s1, v0;
	v8 =	vld [tilespmem:s31+$0x0];
	(xrf0) =	vadd.scan.msk.s32 $0xffff, v9;
	v9 =	vand.u32 $0x7FFFFFFF, v11  }
0x3d2: {  	_ =	sdelay $0x4  }
0x3d3: {  	v12, _, _ =	vpop (xrf0)  }
0x3d4: {  	(v2sf) =	vpush v12, $0xF;
	_ =	sdelay $0x6  }
0x3d5: {  	v11 =	vld [tilespmem:s28+$0x0];
	p1 =	sne.s32 s0, $0x1  }
.Ltmp80:
0x3d6: {  	vm0 =	vlt.s32 v10, v5;
	vm1 =	veq.s32 v9, v6;
	(pc) =	sbr.rel @!p1 .LBB2_100-.Ltmp80, $4  }
0x3d7: {  	vm0 =	vmand vm0, vm1;
	vm15 =	vle.s32 v8, v7  }
0x3d8: {  	vm0 =	vmand vm15, vm0  }
0x3d9: {  	s1 =	simm.s32 $0x12020;
	s28 =	simm.s32 $0x20;
	v9 =	vsel vm0, $0x1, v1  }
0x3da: {  	s0 =	sadd.s32 $0xFFFFFFFF, s0;
	p4 =	por $0x1, $0x1;
	v10 =	vor.u32 s28, v0;
	s28 =	simm.s32 $0x11030;
	v8 =	vld [tilespmem:s1+$0x0];
	(xrf0) =	vadd.scan.msk.s32 $0xffff, v9;
	v9 =	vand.u32 $0x7FFFFFFF, v11  }
0x3db: {  	_ =	sdelay $0x4  }
0x3dc: {  	v12, _, _ =	vpop (xrf0)  }
0x3dd: {  	(v2sf) =	vpush v12, $0xF;
	_ =	sdelay $0x3  }
0x3de: {  	v11 =	vld [tilespmem:s28+$0x0];
	p1 =	sne.s32 s0, $0x1  }
.Ltmp81:
0x3df: {  	vm0 =	vlt.s32 v10, v5;
	vm1 =	veq.s32 v9, v6;
	(pc) =	sbr.rel @!p1 .LBB2_102-.Ltmp81, $4  }
0x3e0: {  	vm0 =	vmand vm0, vm1;
	vm15 =	vle.s32 v8, v7  }
0x3e1: {  	vm0 =	vmand vm15, vm0  }
0x3e2: {  	s1 =	simm.s32 $0x12030;
	s28 =	simm.s32 $0x30;
	v9 =	vsel vm0, $0x1, v1  }
0x3e3: {  	s0 =	sadd.s32 $0xFFFFFFFF, s0;
	p5 =	por $0x1, $0x1;
	v10 =	vor.u32 s28, v0;
	s28 =	simm.s32 $0x11040;
	v8 =	vld [tilespmem:s1+$0x0];
	(xrf0) =	vadd.scan.msk.s32 $0xffff, v9;
	v9 =	vand.u32 $0x7FFFFFFF, v11  }
0x3e4: {  	_ =	sdelay $0x4  }
0x3e5: {  	v12, _, _ =	vpop (xrf0)  }
0x3e6: {  	(v2sf) =	vpush v12, $0xF;
	_ =	sdelay $0x3  }
0x3e7: {  	v11 =	vld [tilespmem:s28+$0x0];
	vm0 =	vlt.s32 v10, v5;
	vm1 =	veq.s32 v9, v6;
	p1 =	sne.s32 s0, $0x1  }
.Ltmp82:
0x3e8: {  	s30 =	simm.s32 $0x12040;
	vm0 =	vmand vm0, vm1;
	vm15 =	vle.s32 v8, v7;
	(pc) =	sbr.rel @!p1 .LBB2_104-.Ltmp82, $4  }
0x3e9: {  	v8 =	vld [tilespmem:s30+$0x0];
	vm0 =	vmand vm15, vm0  }
0x3ea: {  	v9 =	vsel vm0, $0x1, v1  }
0x3eb: {  	s29 =	sadd.s32 $0xFFFFFFFF, s0;
	s31 =	simm.s32 $0x40;
	(xrf0) =	vadd.scan.msk.s32 $0xffff, v9  }
0x3ec: {  	s0 =	simm.s32 $0x11050;
	p6 =	por $0x1, $0x1;
	s28 =	simm.s32 $0x0;
	v10 =	vor.u32 s31, v0;
	v9 =	vand.u32 $0x7FFFFFFF, v11  }
.LBB2_105:
0x3ed: {  	v11 =	vld [tilespmem:s0+$0x0];
	p1 =	sne.s32 s29, $0x1;
	s29 =	sadd.s32 $0xFFFFFFFF, s29;
	vm0 =	vlt.s32 v10, v5;
	vm1 =	veq.s32 v9, v6  }
.Ltmp83:
0x3ee: {  	s30 =	sadd.s32 $0x10, s30;
	vm0 =	vmand vm0, vm1;
	vm1 =	vle.s32 v8, v7;
	(pc) =	sbr.rel @p1 .LBB2_105-.Ltmp83, $4  }
0x3ef: {  	v8 =	vld [tilespmem:s30+$0x0];
	vm0 =	vmand vm1, vm0;
	s1 =	spop (v2sf)  }
0x3f0: {  	v9 =	vsel vm0, $0x1, v1;
	s28 =	sadd.s32 s28, s1  }
0x3f1: {  	s31 =	sadd.s32 $0x10, s31;
	(xrf0) =	vadd.scan.msk.s32 $0xffff, v9;
	v12, _, _ =	vpop (xrf0)  }
0x3f2: {  	s0 =	sadd.s32 $0x10, s0;
	v10 =	vor.u32 s31, v0;
	v9 =	vand.u32 $0x7FFFFFFF, v11;
	(v2sf) =	vpush v12, $0xF  }
.LBB2_106:
0x3f3: {  	vm0 =	vlt.s32 v10, v5;
	vm1 =	veq.s32 v9, v6  }
0x3f4: {  	vm0 =	vmand vm0, vm1;
	vm15 =	vle.s32 v8, v7  }
0x3f5: {  	vm0 =	vmand vm15, vm0  }
0x3f6: {  	v7 =	vsel vm0, $0x1, v1  }
0x3f7: {  	(xrf0) =	vadd.scan.msk.s32 $0xffff, v7;
	_ =	sdelay $0x3  }
0x3f8: {  	v7, _, _ =	vpop @p3 (xrf0)  }
0x3f9: {  	(v2sf) =	vpush @p3 v7, $0xF  }
0x3fa: {  	v7, _, _ =	vpop (xrf0)  }
0x3fb: {  	(v2sf) =	vpush v7, $0xF;
	_ =	sdelay $0x6  }
0x3fc: {  	s0 =	spop @p6 (v2sf)  }
0x3fd: {  	s1 =	simm.s32 $0x0;
	s0 =	sadd.s32 @p6 s28, s0  }
0x3fe: {  	s1 =	smov.u32 @p6 s0;
	s0 =	spop @p5 (v2sf)  }
0x3ff: {  	s0 =	sadd.s32 @p5 s1, s0;
	s1 =	simm.s32 $0x0  }
0x400: {  	s1 =	smov.u32 @p5 s0;
	s0 =	spop @p4 (v2sf)  }
0x401: {  	s0 =	sadd.s32 @p4 s1, s0;
	s1 =	simm.s32 $0x0  }
0x402: {  	s1 =	smov.u32 @p4 s0;
	s0 =	spop @p3 (v2sf)  }
0x403: {  	s0 =	sadd.s32 @p3 s1, s0  }
0x404: {  	s26 =	smov.u32 @p3 s0;
	s31 =	spop (v2sf)  }
0x405: {  	s0 =	sadd.s32 s26, s31  }
0x406: {  	s24 =	sadd.s32 $0x1, s24;
	p1 =	slt.s32 s0, s21  }
0x407: {  	s25 =	simm.s32 @!p1 $0x0;
	p1 =	seq.s32 s24, $0xF  }
.Ltmp84:
0x408: {  	_ = 	snop;
	(pc) =	sbr.rel @!p1 .LBB2_94-.Ltmp84, $4  }
.Ltmp85:
0x409: {  	_ = 	snop;
	(pc) =	sbr.rel @p1 .LBB2_107-.Ltmp85, $4  }
0x40a: {  	_ = 	snop  }
0x40b: {  	_ = 	snop  }
0x40c: {  	s20 =	sor.u32 s20, s25  }
0x40d: {  	_ = 	snop  }
.LBB2_96:
.Ltmp86:
0x40e: {  	(pc) =	sbr.rel .LBB2_106-.Ltmp86, $2  }
0x40f: {  	_ =	sdelay $0x2  }
0x410: {  	s28 =	simm.s32 $0x0  }
.LBB2_98:
.Ltmp87:
0x411: {  	(pc) =	sbr.rel .LBB2_106-.Ltmp87, $2  }
0x412: {  	_ =	sdelay $0x2  }
0x413: {  	s28 =	simm.s32 $0x0  }
.LBB2_100:
.Ltmp88:
0x414: {  	(pc) =	sbr.rel .LBB2_106-.Ltmp88, $2  }
0x415: {  	_ =	sdelay $0x2  }
0x416: {  	s28 =	simm.s32 $0x0  }
.LBB2_102:
.Ltmp89:
0x417: {  	(pc) =	sbr.rel .LBB2_106-.Ltmp89, $2  }
0x418: {  	_ =	sdelay $0x3  }
0x419: {  	s28 =	simm.s32 $0x0  }
.LBB2_104:
.Ltmp90:
0x41a: {  	(pc) =	sbr.rel .LBB2_106-.Ltmp90, $2  }
0x41b: {  	_ =	sdelay $0x2  }
0x41c: {  	s28 =	simm.s32 $0x0  }
.LBB2_107:
.Ltmp91:
0x41d: {  	(pc) =	sbr.rel @!p2 .LBB2_108-.Ltmp91, $4  }
0x41e: {  	_ = 	snop  }
0x41f: {  	p0 =	sgt.s32 s22, s21  }
0x420: {  	s0 =	simm.s32 $0x11000;
	s20 =	simm.s32 @!p0 $0x40000000  }
0x421: {  	s19 =	simm.s32 $0x0;
	v8 =	vld [tilespmem:s0+$0x0];
	p0 =	por $0x0, $0x0;
	v7 =	vmov s20;
	s20 =	simm.s32 $0x12000  }
0x422: {  	v9 =	vld [tilespmem:s20+$0x0];
	_ =	sdelay $0x3  }
0x423: {  	v10 =	vand.u32 $0x7FFFFFFF, v8  }
0x424: {  	vm0 =	veq.s32 v6, v10;
	vm1 =	vle.s32 v9, v7  }
0x425: {  	v11 =	vor.u32 s19, v0;
	vm2 =	vlt.s32 v6, v10;
	vm0 =	vmand vm1, vm0  }
0x426: {  	vm15 =	vlt.s32 v11, v5;
	vm0 =	vmor vm2, vm0  }
0x427: {  	vm0 =	vmand vm15, vm0;
	_ =	sdelay $0x1  }
0x428: {  	p1 =	sne.s32 s23, $0x1  }
.Ltmp92:
0x429: {  	_ = 	snop;
	(pc) =	sbr.rel @!p1 .LBB2_110-.Ltmp92, $3  }
0x42a: {  	_ =	sdelay $0x1  }
0x42b: {  	s22 =	simm.s32 $0x11010;
	s23 =	sadd.s32 $0xFFFFFFFF, s23;
	[tilespmem:v9+s10+$0x0] =	vst.idx.msk vm0, v8  }
0x42c: {  	s20 =	simm.s32 $0x12010;
	p0 =	por $0x1, $0x1;
	s21 =	simm.s32 $0x0;
	v8 =	vld [tilespmem:s22+$0x0]  }
.LBB2_111:
0x42d: {  	p1 =	sne.s32 s23, $0x1;
	v9 =	vld [tilespmem:s20+$0x0];
	_ =	sdelay $0x3  }
0x42e: {  	v10 =	vand.u32 $0x7FFFFFFF, v8  }
0x42f: {  	s21 =	sadd.s32 $0x10, s21;
	vm0 =	veq.s32 v6, v10;
	vm1 =	vle.s32 v9, v7  }
0x430: {  	v11 =	vor.u32 s21, v0;
	vm2 =	vlt.s32 v6, v10;
	vm0 =	vmand vm1, vm0  }
0x431: {  	vm1 =	vlt.s32 v11, v5;
	vm0 =	vmor vm2, vm0  }
0x432: {  	vm0 =	vmand vm1, vm0;
	_ =	sdelay $0x2  }
.Ltmp93:
0x433: {  	(pc) =	sbr.rel @p1 .LBB2_111-.Ltmp93, $3  }
0x434: {  	_ =	sdelay $0x1  }
0x435: {  	s22 =	sadd.s32 $0x10, s22;
	[tilespmem:v9+s10+$0x0] =	vst.idx.msk vm0, v8  }
0x436: {  	s23 =	sadd.s32 $0xFFFFFFFF, s23;
	s20 =	sadd.s32 $0x10, s20;
	v8 =	vld [tilespmem:s22+$0x0]  }
.Ltmp94:
0x437: {  	_ = 	snop;
	(pc) =	sbr.rel .LBB2_112-.Ltmp94, $1  }
0x438: {  	_ =	sdelay $0x3  }
.LBB2_24:
.Ltmp95:
0x439: {  	(pc) =	sbr.rel .LBB2_36-.Ltmp95, $2  }
0x43a: {  	_ =	sdelay $0x2  }
0x43b: {  	s22 =	simm.s32 $0x0;
	s23 =	simm.s32 $0x0  }
.LBB2_52:
.Ltmp96:
0x43c: {  	(pc) =	sbr.rel .LBB2_56-.Ltmp96, $2  }
0x43d: {  	_ =	sdelay $0x2  }
0x43e: {  	s21 =	simm.s32 $0x0  }
.LBB2_80:
.Ltmp97:
0x43f: {  	(pc) =	sbr.rel .LBB2_92-.Ltmp97, $2  }
0x440: {  	_ =	sdelay $0x2  }
0x441: {  	s22 =	simm.s32 $0x0;
	s23 =	simm.s32 $0x0  }
.LBB2_28:
.Ltmp98:
0x442: {  	(pc) =	sbr.rel .LBB2_36-.Ltmp98, $2  }
0x443: {  	_ =	sdelay $0x2  }
0x444: {  	s22 =	simm.s32 $0x0;
	s23 =	simm.s32 $0x0  }
.LBB2_54:
.Ltmp99:
0x445: {  	(pc) =	sbr.rel .LBB2_56-.Ltmp99, $2  }
0x446: {  	_ =	sdelay $0x2  }
0x447: {  	s21 =	simm.s32 $0x0  }
.LBB2_84:
.Ltmp100:
0x448: {  	(pc) =	sbr.rel .LBB2_92-.Ltmp100, $2  }
0x449: {  	_ =	sdelay $0x2  }
0x44a: {  	s22 =	simm.s32 $0x0;
	s23 =	simm.s32 $0x0  }
.LBB2_110:
.Ltmp101:
0x44b: {  	(pc) =	sbr.rel .LBB2_112-.Ltmp101, $2  }
0x44c: {  	_ =	sdelay $0x2  }
0x44d: {  	s21 =	simm.s32 $0x0  }
.LBB2_30:
.Ltmp102:
0x44e: {  	(pc) =	sbr.rel .LBB2_36-.Ltmp102, $2  }
0x44f: {  	_ =	sdelay $0x2  }
0x450: {  	s22 =	simm.s32 $0x0;
	s23 =	simm.s32 $0x0  }
.LBB2_86:
.Ltmp103:
0x451: {  	(pc) =	sbr.rel .LBB2_92-.Ltmp103, $2  }
0x452: {  	_ =	sdelay $0x2  }
0x453: {  	s22 =	simm.s32 $0x0;
	s23 =	simm.s32 $0x0  }
.LBB2_32:
.Ltmp104:
0x454: {  	(pc) =	sbr.rel .LBB2_36-.Ltmp104, $2  }
0x455: {  	_ =	sdelay $0x3  }
0x456: {  	s22 =	simm.s32 $0x0;
	s23 =	simm.s32 $0x0  }
.LBB2_88:
.Ltmp105:
0x457: {  	(pc) =	sbr.rel .LBB2_92-.Ltmp105, $2  }
0x458: {  	_ =	sdelay $0x3  }
0x459: {  	s22 =	simm.s32 $0x0;
	s23 =	simm.s32 $0x0  }
.LBB2_34:
.Ltmp106:
0x45a: {  	(pc) =	sbr.rel .LBB2_36-.Ltmp106, $2  }
0x45b: {  	_ =	sdelay $0x2  }
0x45c: {  	s22 =	simm.s32 $0x0;
	s23 =	simm.s32 $0x0  }
.LBB2_90:
.Ltmp107:
0x45d: {  	(pc) =	sbr.rel .LBB2_92-.Ltmp107, $2  }
0x45e: {  	_ =	sdelay $0x2  }
0x45f: {  	s22 =	simm.s32 $0x0;
	s23 =	simm.s32 $0x0  }
.LBB2_114:
0x460: {  	_ =	sfence.sel $0x180000  }
0x461: {  	[bflag:$0x0] =	sbarrier.arrive $0xFFFF  }
0x462: {  	_ =	strace $0x90000047  }
0x463: {  	s0 =	stileid.u32;
	[bflag:$0x2] =	sbarrier.arrive $0xFFFF  }
0x464: {  	p0 =	sne.s32 s0, $0x0;
	s0 =	rddreg [dreg:$0x2]  }
0x465: {  	s0 =	sadd.s32 @!p0 $0x100000, s0  }
0x466: {  	[sflag:s0] =	ssyncadd.tile.s32 @!p0 $0x1;
	_ =	shalt  }
.Lfunc_end2:
_tile_overlayer_lowered:
.L_overlay_start_2:
0x467: {  	(tag) =	ssettag $0x2  }
0x468: {  	s0 =	rddreg [dreg:$0x0];
	s2 =	stileid.u32  }
0x469: {  	s1 =	rddreg [dreg:$0x1];
	p0 =	sne.s32 s2, $0x0  }
0x46a: {  	s3 =	rddreg [dreg:$0x2];
	[bflag:$0x3] =	sbarrier.arrive $0xFFFF;
	s2 =	simm.s32 @!p0 $0x1C04  }
0x46b: {  	[timem:s3], [sflag:s2] =	dma.local @!p0 [hbm:s0], s1  }
0x46c: {  	s0 =	simm.s32 @!p0 $0x4  }
0x46d: {  	_ =	swait.ge @!p0 [sflag:s0], s1  }
0x46e: {  	s1 =	ssub.s32 @!p0 $0x0, s1;
	[sflag:s0] =	ssyncset.done @!p0 $0x0  }
0x46f: {  	[sflag:s0] =	ssyncadd.s32 @!p0 s1  }
0x470: {  	[bflag:$0x3] =	sbarrier.arrive $0xFFFF  }
0x471: {  	_ =	shalt  }

</sc_bundles>
